<compile_context>
chip_gen: v7x
topology: tpu7x:2x2x1
jax: 0.10.2.dev20260603
libtpu: 0.0.44.dev20260713+nightly
codegen_flags: <defaults>
</compile_context>

<pallas_src>
import functools

import jax
import jax.numpy as jnp
from jax import lax
from jax.experimental import pallas as pl
from jax.experimental.pallas import tpu as pltpu
from jax.experimental.pallas import tpu_sc as plsc

N = 10000
E = 320000
D = 128
R = 32
NEG_SLOPE = 0.01

NC = 1
NS = 16
NW = NC * NS
EW = E // NW
SCE = 800
K = 32
CPS = SCE // K
NSC = EW // SCE
NP = 10240
RPT = NP // NS
SMAX = 64
DU = 8


def _make_mark_self():
    mesh = plsc.VectorSubcoreMesh(
        core_axis_name="c", subcore_axis_name="s", num_cores=NC, num_subcores=NS)

    @functools.partial(
        pl.kernel,
        out_type=jax.ShapeDtypeStruct((NP,), jnp.float32),
        mesh=mesh,
        scratch_types=[
            pltpu.VMEM((SCE,), jnp.int32),
            pltpu.VMEM((SCE,), jnp.int32),
            pltpu.VMEM((SMAX,), jnp.int32),
            pltpu.VMEM((SMAX,), jnp.float32),
            pltpu.VMEM((RPT,), jnp.float32),
            pltpu.VMEM_SHARED((NP,), jnp.float32),
        ],
        compiler_params=pltpu.CompilerParams(needs_layout_passes=False),
    )
    def k(src_hbm, dst_hbm, hs_out, src_v, dst_v, selfd_v, ones_v, zero1_v,
          hs_sh):
        cid = lax.axis_index("c")
        sid = lax.axis_index("s")
        base = (sid * NC + cid) * EW

        zf = jnp.zeros((16,), jnp.float32)
        for r in range(RPT // 16):
            zero1_v[pl.ds(r * 16, 16)] = zf
        for r in range(SMAX // 16):
            ones_v[pl.ds(r * 16, 16)] = jnp.full((16,), 1.0, jnp.float32)
            selfd_v[pl.ds(r * 16, 16)] = jnp.full((16,), NP - 1, jnp.int32)
        pltpu.sync_copy(zero1_v, hs_sh.at[pl.ds(sid * RPT, RPT)])
        plsc.subcore_barrier()

        def superchunk(sc, off):
            sb = base + sc * SCE
            pltpu.sync_copy(src_hbm.at[pl.ds(sb, SCE)], src_v)
            pltpu.sync_copy(dst_hbm.at[pl.ds(sb, SCE)], dst_v)

            def grp(g, off):
                sl = pl.ds(g * 16, 16)
                dv = dst_v[sl]
                m = src_v[sl] == dv
                cnt = lax.reduce_max(plsc.all_reduce_population_count(m),
                                     (0,))
                off_c = jnp.minimum(off, SMAX - 16)

                @pl.when(cnt > 0)
                def _():
                    plsc.store_compressed(selfd_v.at[pl.ds(off_c, 16)], dv,
                                          mask=m)
                return jnp.minimum(off + cnt, SMAX - 16)
            return lax.fori_loop(0, SCE // 16, grp, off)
        lax.fori_loop(0, EW // SCE, superchunk, 0)

        pltpu.sync_copy(ones_v, hs_sh.at[selfd_v], add=True)
        plsc.subcore_barrier()
        pltpu.sync_copy(hs_sh.at[pl.ds(sid * RPT, RPT)],
                        hs_out.at[pl.ds(sid * RPT, RPT)])

    return k


_mark_self = _make_mark_self()


def _make_edge_pass():
    mesh = plsc.VectorSubcoreMesh(
        core_axis_name="c", subcore_axis_name="s", num_cores=NC, num_subcores=NS)

    @functools.partial(
        pl.kernel,
        out_type=(jax.ShapeDtypeStruct((NC, NP, D), jnp.float32),
                  jax.ShapeDtypeStruct((NC, NP), jnp.float32)),
        mesh=mesh,
        scratch_types=[
            pltpu.VMEM((SCE,), jnp.int32),
            pltpu.VMEM((SCE,), jnp.int32),
            pltpu.VMEM((SCE,), jnp.int32),
            pltpu.VMEM((2, 2 * K), jnp.int32),
            pltpu.VMEM((2, K), jnp.int32),
            pltpu.VMEM((R, D), jnp.float32),
            pltpu.VMEM((2, 2 * K, D), jnp.float32),
            pltpu.VMEM((2, K, D), jnp.float32),
            pltpu.VMEM((2, K), jnp.float32),
            pltpu.VMEM((NP,), jnp.float32),
            pltpu.VMEM((RPT,), jnp.float32),
            pltpu.SemaphoreType.DMA,
            pltpu.SemaphoreType.DMA,
            pltpu.SemaphoreType.DMA,
            pltpu.SemaphoreType.DMA,
            pltpu.VMEM_SHARED((NP, D), jnp.float32),
            pltpu.VMEM_SHARED((NP,), jnp.float32),
        ],
        compiler_params=pltpu.CompilerParams(needs_layout_passes=False),
    )
    def k(h_hbm, src_hbm, dst_hbm, et_hbm, rel_hbm, hs_hbm,
          acc_out, s_out,
          src_v, dst_v, et_v, gidx_v, dstc_v, rel_v, ed_v, u_v, ex_v, hs_v,
          zero1_v, sem_g0, sem_g1, sem_s0, sem_s1, acc_sh, s_sh):
        cid = lax.axis_index("c")
        sid = lax.axis_index("s")
        base = (sid * NC + cid) * EW
        sem_g = (sem_g0, sem_g1)
        sem_s = (sem_s0, sem_s1)

        zf = jnp.zeros((16,), jnp.float32)

        def uz(r, _):
            def uc(c8, _):
                u_v[0, r, pl.ds(c8 * 16, 16)] = zf
                u_v[1, r, pl.ds(c8 * 16, 16)] = zf
                return 0
            return lax.fori_loop(0, D // 16, uc, 0)
        lax.fori_loop(0, K, uz, 0)

        def z1(r, _):
            zero1_v[pl.ds(r * 16, 16)] = zf
            return 0
        lax.fori_loop(0, RPT // 16, z1, 0)

        for j in range(RPT // K):
            pltpu.sync_copy(u_v.at[0],
                            acc_sh.at[pl.ds(sid * RPT + j * K, K)])
        pltpu.sync_copy(zero1_v, s_sh.at[pl.ds(sid * RPT, RPT)])
        pltpu.sync_copy(rel_hbm, rel_v)
        pltpu.sync_copy(hs_hbm, hs_v)

        plsc.subcore_barrier()

        def fill_gidx(b, cb):
            for q in range(K // 16):
                sv = src_v[pl.ds(cb + q * 16, 16)]
                dv = dst_v[pl.ds(cb + q * 16, 16)]
                gidx_v[b, pl.ds(q * 16, 16)] = sv
                gidx_v[b, pl.ds(K + q * 16, 16)] = dv
                dstc_v[b, pl.ds(q * 16, 16)] = dv

        def issue_gather(b):
            pltpu.async_copy(h_hbm.at[gidx_v.at[b]], ed_v.at[b], sem_g[b])

        def wait_gather(b):
            pltpu.make_async_copy(h_hbm.at[gidx_v.at[b]], ed_v.at[b],
                                  sem_g[b]).wait()

        def issue_scatters(b):
            pltpu.async_copy(u_v.at[b], acc_sh.at[dstc_v.at[b]],
                             sem_s[b], add=True)
            pltpu.async_copy(ex_v.at[b], s_sh.at[dstc_v.at[b]],
                             sem_s[b], add=True)

        def wait_scatters(b):
            pltpu.make_async_copy(u_v.at[b], acc_sh.at[dstc_v.at[b]],
                                  sem_s[b]).wait()
            pltpu.make_async_copy(ex_v.at[b], s_sh.at[dstc_v.at[b]],
                                  sem_s[b]).wait()

        def compute_chunk(b, cb):
            for g in range(K // 16):
                ex_v[b, pl.ds(g * 16, 16)] = jnp.full((16,), 1.0, jnp.float32)

        def superchunk(sc, _):
            sb = base + sc * SCE
            pltpu.sync_copy(src_hbm.at[pl.ds(sb, SCE)], src_v)
            pltpu.sync_copy(dst_hbm.at[pl.ds(sb, SCE)], dst_v)
            pltpu.sync_copy(et_hbm.at[pl.ds(sb, SCE)], et_v)

            fill_gidx(0, 0)
            issue_gather(0)

            def pair(p, _):
                for b in (0, 1):
                    i = p * 2 + b

                    @pl.when(i < CPS)
                    def _():
                        cb = i * K
                        nb = 1 - b
                        @pl.when(i > 0)
                        def _():
                            wait_scatters(nb)

                        @pl.when(i + 1 < CPS)
                        def _():
                            fill_gidx(nb, cb + K)
                            issue_gather(nb)
                        wait_gather(b)
                        compute_chunk(b, cb)
                        issue_scatters(b)
                return 0
            lax.fori_loop(0, (CPS + 1) // 2, pair, 0)
            wait_scatters((CPS - 1) % 2)
            return 0
        lax.fori_loop(0, NSC, superchunk, 0)

        plsc.subcore_barrier()
        pltpu.sync_copy(acc_sh.at[pl.ds(sid * RPT, RPT)],
                        acc_out.at[cid, pl.ds(sid * RPT, RPT)])
        pltpu.sync_copy(s_sh.at[pl.ds(sid * RPT, RPT)],
                        s_out.at[cid, pl.ds(sid * RPT, RPT)])

    return k


_edge_pass = _make_edge_pass()


def _dense_update(h, acc2, s2, x, W, b):
    BLK = 400

    def body(h_ref, acc_ref, s_ref, x_ref, w_ref, b_ref, o_ref):
        acc = acc_ref[0]
        s = s_ref[0, :, 0]
        for c in range(1, NC):
            acc = acc + acc_ref[c]
            s = s + s_ref[c, :, 0]
        neigh = acc / s[:, None]
        z = (jnp.dot(h_ref[...], w_ref[:D, :],
                     preferred_element_type=jnp.float32)
             + jnp.dot(neigh, w_ref[D:, :], preferred_element_type=jnp.float32)
             + b_ref[...])
        z = jnp.where(z > 0, z, NEG_SLOPE * z)
        nrm = jnp.sqrt(jnp.sum(z * z, axis=-1, keepdims=True))
        zn = z / (nrm + 1e-12)
        o_ref[...] = jnp.where((s > 0)[:, None], zn, x_ref[...])

    return pl.pallas_call(
        body,
        grid=(N // BLK,),
        in_specs=[
            pl.BlockSpec((BLK, D), lambda i: (i, 0)),
            pl.BlockSpec((NC, BLK, D), lambda i: (0, i, 0)),
            pl.BlockSpec((NC, BLK, 1), lambda i: (0, i, 0)),
            pl.BlockSpec((BLK, D), lambda i: (i, 0)),
            pl.BlockSpec((2 * D, D), lambda i: (0, 0)),
            pl.BlockSpec((1, D), lambda i: (0, 0)),
        ],
        out_specs=pl.BlockSpec((BLK, D), lambda i: (i, 0)),
        out_shape=jax.ShapeDtypeStruct((N, D), jnp.float32),
    )(h, acc2, s2.reshape(NC, NP, 1), x, W, b.reshape(1, D))


def kernel(x, edge_index, edge_type, rel_table, W0, b0, W1, b1):
    src = edge_index[0]
    dst = edge_index[1]
    hs = _mark_self(src, dst)

    def layer(h, Wb):
        W, b = Wb
        acc2, s2 = _edge_pass(h, src, dst, edge_type, rel_table, hs)
        h = _dense_update(h, acc2, s2, x, W, b)
        return h, None

    Ws = jnp.stack([W0, W1])
    bs = jnp.stack([b0, b1])
    h, _ = lax.scan(layer, x, (Ws, bs))
    return h

# --- scband reference (transcript-rebuilt; emitter-appended) ---
"""Pipeline reference for scband-kgat-532575945232 (READ-ONLY COPY).

The authoritative reference and input builder live on the scoring server;
editing this copy changes nothing except your own understanding.
"""

import jax, jax.numpy as jnp
import numpy as np

N = 10000
E = 320000
D = 128
R = 32
NEG_SLOPE = 0.01


def setup_inputs(seed: int = 0) -> dict:
    key = jax.random.key(seed)
    ks = jax.random.split(key, 9)
    x = jax.random.normal(ks[0], (N, D), dtype=jnp.float32)
    edge_index = jax.random.randint(ks[1], (2, E), 0, N, dtype=jnp.int32)
    edge_type = jax.random.randint(ks[2], (E,), 0, R, dtype=jnp.int32)
    # learned parameters
    rel_table = jax.random.normal(ks[3], (R, D), dtype=jnp.float32) * 0.02
    W0 = jax.random.normal(ks[4], (2 * D, D), dtype=jnp.float32) * (1.0 / np.sqrt(2 * D))
    b0 = jnp.zeros((D,), dtype=jnp.float32)
    W1 = jax.random.normal(ks[5], (2 * D, D), dtype=jnp.float32) * (1.0 / np.sqrt(2 * D))
    b1 = jnp.zeros((D,), dtype=jnp.float32)
    return {"x": x, "edge_index": edge_index, "edge_type": edge_type,
            "rel_table": rel_table, "W0": W0, "b0": b0, "W1": W1, "b1": b1}


def reference(x, edge_index, edge_type, rel_table, W0, b0, W1, b1):
    # Tensorized KGAT: relation-attentive aggregation over edges, then
    # concat-linear-LeakyReLU update + L2 normalize, per layer.
    src = edge_index[0]
    dst = edge_index[1]
    deg = jax.ops.segment_sum(jnp.ones((E,), jnp.float32), dst, num_segments=N)
    has_nbrs = (deg > 0)[:, None]
    h = x
    for (W, b) in ((W0, b0), (W1, b1)):
        e_src = h[src]                       # gather neighbour (tail) embeddings
        e_dst = h[dst]                       # gather source node embeddings
        e_r = rel_table[edge_type]           # relation embedding lookup
        # KGAT attention score pi(h, r, t) = e_t^T tanh(e_h + e_r)
        score = jnp.sum(e_src * jnp.tanh(e_dst + e_r), axis=-1)
        # segment softmax over incoming edges of each dst node
        m = jax.ops.segment_max(score, dst, num_segments=N)
        m = jnp.where(jnp.isfinite(m), m, 0.0)
        ex = jnp.exp(score - m[dst])
        s = jax.ops.segment_sum(ex, dst, num_segments=N)
        alpha = ex / (s[dst] + 1e-9)
        neigh = jax.ops.segment_sum(alpha[:, None] * e_src, dst, num_segments=N)
        # new_embedding = LeakyReLU(W [h ; neigh] + b), then L2 normalize
        z = jnp.concatenate([h, neigh], axis=-1) @ W + b
        z = jnp.where(z > 0, z, NEG_SLOPE * z)
        zn = z / (jnp.linalg.norm(z, axis=-1, keepdims=True) + 1e-12)
        # nodes with no neighbours fall back to their raw entity embedding
        h = jnp.where(has_nbrs, zn, x)
    return h

if __name__ == "__main__":
    import jax
    _d = setup_inputs()
    print(jax.jit(kernel)(*tuple(_d.values())))

</pallas_src>

<mosaic_0001>
#map = affine_map<(d0, d1) -> (0, 0)>
#map1 = affine_map<(d0, d1) -> (0)>
#map2 = affine_map<(d0, d1) -> (0, 0, 0)>
module attributes {stable_mosaic.version = 14 : i64} {
  func.func @k(%arg0: i32, %arg1: i32, %arg2: memref<10000x128xf32, #tpu.memory_space<hbm>>, %arg3: memref<320000xi32, #tpu.memory_space<hbm>>, %arg4: memref<320000xi32, #tpu.memory_space<hbm>>, %arg5: memref<320000xi32, #tpu.memory_space<hbm>>, %arg6: memref<32x128xf32, #tpu.memory_space<hbm>>, %arg7: memref<10240xf32, #tpu.memory_space<hbm>>, %arg8: memref<1x10240x128xf32, #tpu.memory_space<hbm>>, %arg9: memref<1x10240xf32, #tpu.memory_space<hbm>>, %arg10: memref<800xi32, #tpu.memory_space<vmem>>, %arg11: memref<800xi32, #tpu.memory_space<vmem>>, %arg12: memref<800xi32, #tpu.memory_space<vmem>>, %arg13: memref<2x64xi32, #tpu.memory_space<vmem>>, %arg14: memref<2x32xi32, #tpu.memory_space<vmem>>, %arg15: memref<32x128xf32, #tpu.memory_space<vmem>>, %arg16: memref<2x64x128xf32, #tpu.memory_space<vmem>>, %arg17: memref<2x32x128xf32, #tpu.memory_space<vmem>>, %arg18: memref<2x32xf32, #tpu.memory_space<vmem>>, %arg19: memref<10240xf32, #tpu.memory_space<vmem>>, %arg20: memref<640xf32, #tpu.memory_space<vmem>>, %arg21: memref<!tpu.dma_semaphore, #tpu.memory_space<semaphore_mem>>, %arg22: memref<!tpu.dma_semaphore, #tpu.memory_space<semaphore_mem>>, %arg23: memref<!tpu.dma_semaphore, #tpu.memory_space<semaphore_mem>>, %arg24: memref<!tpu.dma_semaphore, #tpu.memory_space<semaphore_mem>>, %arg25: memref<10240x128xf32, #tpu.memory_space<vmem_shared>>, %arg26: memref<10240xf32, #tpu.memory_space<vmem_shared>>) attributes {dimension_semantics = [#tpu.dimension_semantics<core_parallel>, #tpu.dimension_semantics<subcore_parallel>], iteration_bounds = array<i64: 1, 16>, scalar_prefetch = 0 : i64, scratch_operands = 17 : i64, tpu.core_type = #tpu.core_type<sc_vector_subcore>, window_params = [{transform_indices = #map}, {transform_indices = #map1}, {transform_indices = #map1}, {transform_indices = #map1}, {transform_indices = #map}, {transform_indices = #map1}, {transform_indices = #map2}, {transform_indices = #map}]} {
    %mul3A = arith.constant 1 : i32
    %mul3A_0 = arith.muli %arg1, %mul3A : i32
    %add3A = arith.addi %mul3A_0, %arg0 : i32
    %mul3A_1 = arith.constant 20000 : i32
    %mul3A_2 = arith.muli %add3A, %mul3A_1 : i32
    %broadcast_in_dim3A = arith.constant 0.000000e+00 : f32
    %broadcast_in_dim3A_3 = vector.broadcast %broadcast_in_dim3A : f32 to vector<16xf32>
    %scan3A = arith.constant 0 : i32
    %scan3A_4 = arith.constant 0 : i32
    %scan3A_5 = arith.constant 32 : i32
    %scan3A_6 = arith.addi %scan3A_4, %scan3A_5 : i32
    %scan3A_7 = arith.constant 1 : i32
    %scan3A_8 = scf.for %scan3A_134 = %scan3A_4 to %scan3A_6 step %scan3A_7 iter_args(%scan3A_135 = %scan3A) -> (i32)  : i32 {
      %scan3A_136 = arith.constant 0 : i32
      %scan3A_137 = arith.constant 0 : i32
      %scan3A_138 = arith.constant 8 : i32
      %scan3A_139 = arith.addi %scan3A_137, %scan3A_138 : i32
      %scan3A_140 = arith.constant 1 : i32
      %scan3A_141 = scf.for %scan3A_143 = %scan3A_137 to %scan3A_139 step %scan3A_140 iter_args(%scan3A_144 = %scan3A_136) -> (i32)  : i32 {
        %mul3A_145 = arith.constant 16 : i32
        %mul3A_146 = arith.muli %scan3A_143, %mul3A_145 : i32
        %swap3A = arith.constant 0 : i32
        %swap3A_147 = arith.index_cast %swap3A : i32 to index
        %swap3A_148 = arith.index_cast %scan3A_134 : i32 to index
        %swap3A_149 = arith.index_cast %mul3A_146 : i32 to index
        %swap3A_150 = tpu.vector_load %arg17[%swap3A_147, %swap3A_148, %swap3A_149] {strides = array<i32>} : memref<2x32x128xf32, #tpu.memory_space<vmem>>, vector<16xf32>,
        tpu.vector_store %arg17[%swap3A_147, %swap3A_148, %swap3A_149], %broadcast_in_dim3A_3 {strides = array<i32>} : memref<2x32x128xf32, #tpu.memory_space<vmem>>, vector<16xf32>,
        %mul3A_151 = arith.constant 16 : i32
        %mul3A_152 = arith.muli %scan3A_143, %mul3A_151 : i32
        %swap3A_153 = arith.constant 1 : i32
        %swap3A_154 = arith.index_cast %swap3A_153 : i32 to index
        %swap3A_155 = arith.index_cast %scan3A_134 : i32 to index
        %swap3A_156 = arith.index_cast %mul3A_152 : i32 to index
        %swap3A_157 = tpu.vector_load %arg17[%swap3A_154, %swap3A_155, %swap3A_156] {strides = array<i32>} : memref<2x32x128xf32, #tpu.memory_space<vmem>>, vector<16xf32>,
        tpu.vector_store %arg17[%swap3A_154, %swap3A_155, %swap3A_156], %broadcast_in_dim3A_3 {strides = array<i32>} : memref<2x32x128xf32, #tpu.memory_space<vmem>>, vector<16xf32>,
        %scan3A_158 = arith.constant 0 : i32
        scf.yield %scan3A_158 : i32
      }
      %scan3A_142 = arith.constant 8 : i32
      scf.yield %scan3A_141 : i32
    }
    %scan3A_9 = arith.constant 32 : i32
    %scan3A_10 = arith.constant 0 : i32
    %scan3A_11 = arith.constant 0 : i32
    %scan3A_12 = arith.constant 40 : i32
    %scan3A_13 = arith.addi %scan3A_11, %scan3A_12 : i32
    %scan3A_14 = arith.constant 1 : i32
    %scan3A_15 = scf.for %scan3A_134 = %scan3A_11 to %scan3A_13 step %scan3A_14 iter_args(%scan3A_135 = %scan3A_10) -> (i32)  : i32 {
      %mul3A_136 = arith.constant 16 : i32
      %mul3A_137 = arith.muli %scan3A_134, %mul3A_136 : i32
      %swap3A = arith.index_cast %mul3A_137 : i32 to index
      %swap3A_138 = tpu.vector_load %arg20[%swap3A] {strides = array<i32>} : memref<640xf32, #tpu.memory_space<vmem>>, vector<16xf32>,
      tpu.vector_store %arg20[%swap3A], %broadcast_in_dim3A_3 {strides = array<i32>} : memref<640xf32, #tpu.memory_space<vmem>>, vector<16xf32>,
      %scan3A_139 = arith.constant 0 : i32
      scf.yield %scan3A_139 : i32
    }
    %scan3A_16 = arith.constant 40 : i32
    %mul3A_17 = arith.constant 640 : i32
    %mul3A_18 = arith.muli %arg1, %mul3A_17 : i32
    %add3A_19 = arith.constant 0 : i32
    %add3A_20 = arith.addi %mul3A_18, %add3A_19 : i32
    %run_scoped3A = arith.constant 0 : i32
    "tpu.region"() ({
      %run_scoped3A_134 = tpu.sem_alloc : memref<!tpu.dma_semaphore, #tpu.memory_space<semaphore_mem>>
      %dma_start3A = arith.constant 0 : i32
      %dma_start3A_135 = arith.constant 0 : i32
      %dma_start3A_136 = tpu.memref_slice %arg17[%run_scoped3A, %dma_start3A, %dma_start3A_135] : memref<2x32x128xf32, #tpu.memory_space<vmem>> -> memref<1x32x128xf32, #tpu.memory_space<vmem>>
      %dma_start3A_137 = tpu.memref_squeeze %dma_start3A_136 : memref<1x32x128xf32, #tpu.memory_space<vmem>> -> memref<32x128xf32, #tpu.memory_space<vmem>>
      %dma_start3A_138 = arith.constant 0 : i32
      %dma_start3A_139 = tpu.memref_slice %arg25[%add3A_20, %dma_start3A_138] : memref<10240x128xf32, #tpu.memory_space<vmem_shared>> -> memref<32x128xf32, #tpu.memory_space<vmem_shared>>
      %dma_start3A_140 = arith.constant 0 : i32
      %dma_start3A_141 = tpu.memref_slice %arg25[%add3A_20, %dma_start3A_140] : memref<10240x128xf32, #tpu.memory_space<vmem_shared>> -> memref<32x128xf32, #tpu.memory_space<vmem_shared>>
      %dma_start3A_142 = arith.constant 0 : i32
      %dma_start3A_143 = arith.constant 0 : i32
      %dma_start3A_144 = tpu.memref_slice %arg17[%run_scoped3A, %dma_start3A_142, %dma_start3A_143] : memref<2x32x128xf32, #tpu.memory_space<vmem>> -> memref<1x32x128xf32, #tpu.memory_space<vmem>>
      %dma_start3A_145 = tpu.memref_squeeze %dma_start3A_144 : memref<1x32x128xf32, #tpu.memory_space<vmem>> -> memref<32x128xf32, #tpu.memory_space<vmem>>
      tpu.enqueue_dma source(%dma_start3A_145 : memref<32x128xf32, #tpu.memory_space<vmem>>) target(%dma_start3A_141 : memref<32x128xf32, #tpu.memory_space<vmem_shared>>) target_semaphore(%run_scoped3A_134 : memref<!tpu.dma_semaphore, #tpu.memory_space<semaphore_mem>>)
      %dma_wait3A = arith.constant 0 : i32
      %dma_wait3A_146 = arith.constant 0 : i32
      %dma_wait3A_147 = tpu.memref_slice %arg17[%run_scoped3A, %dma_wait3A, %dma_wait3A_146] : memref<2x32x128xf32, #tpu.memory_space<vmem>> -> memref<1x32x128xf32, #tpu.memory_space<vmem>>
      %dma_wait3A_148 = tpu.memref_squeeze %dma_wait3A_147 : memref<1x32x128xf32, #tpu.memory_space<vmem>> -> memref<32x128xf32, #tpu.memory_space<vmem>>
      %dma_wait3A_149 = arith.constant 0 : i32
      %dma_wait3A_150 = tpu.memref_slice %arg25[%add3A_20, %dma_wait3A_149] : memref<10240x128xf32, #tpu.memory_space<vmem_shared>> -> memref<32x128xf32, #tpu.memory_space<vmem_shared>>
      %dma_wait3A_151 = arith.constant 0 : i32
      %dma_wait3A_152 = tpu.memref_slice %arg25[%add3A_20, %dma_wait3A_151] : memref<10240x128xf32, #tpu.memory_space<vmem_shared>> -> memref<32x128xf32, #tpu.memory_space<vmem_shared>>
      %dma_wait3A_153 = arith.constant 0 : i32
      %dma_wait3A_154 = arith.constant 0 : i32
      %dma_wait3A_155 = tpu.memref_slice %arg17[%run_scoped3A, %dma_wait3A_153, %dma_wait3A_154] : memref<2x32x128xf32, #tpu.memory_space<vmem>> -> memref<1x32x128xf32, #tpu.memory_space<vmem>>
      %dma_wait3A_156 = tpu.memref_squeeze %dma_wait3A_155 : memref<1x32x128xf32, #tpu.memory_space<vmem>> -> memref<32x128xf32, #tpu.memory_space<vmem>>
      tpu.wait_dma2 semaphore(%run_scoped3A_134 : memref<!tpu.dma_semaphore, #tpu.memory_space<semaphore_mem>>) src(%dma_wait3A_156 : memref<32x128xf32, #tpu.memory_space<vmem>>) dst(%dma_wait3A_152 : memref<32x128xf32, #tpu.memory_space<vmem_shared>>)
      tpu.yield
    }) : () -> ()
    %mul3A_21 = arith.constant 640 : i32
    %mul3A_22 = arith.muli %arg1, %mul3A_21 : i32
    %add3A_23 = arith.constant 32 : i32
    %add3A_24 = arith.addi %mul3A_22, %add3A_23 : i32
    %run_scoped3A_25 = arith.constant 0 : i32
    "tpu.region"() ({
      %run_scoped3A_134 = tpu.sem_alloc : memref<!tpu.dma_semaphore, #tpu.memory_space<semaphore_mem>>
      %dma_start3A = arith.constant 0 : i32
      %dma_start3A_135 = arith.constant 0 : i32
      %dma_start3A_136 = tpu.memref_slice %arg17[%run_scoped3A_25, %dma_start3A, %dma_start3A_135] : memref<2x32x128xf32, #tpu.memory_space<vmem>> -> memref<1x32x128xf32, #tpu.memory_space<vmem>>
      %dma_start3A_137 = tpu.memref_squeeze %dma_start3A_136 : memref<1x32x128xf32, #tpu.memory_space<vmem>> -> memref<32x128xf32, #tpu.memory_space<vmem>>
      %dma_start3A_138 = arith.constant 0 : i32
      %dma_start3A_139 = tpu.memref_slice %arg25[%add3A_24, %dma_start3A_138] : memref<10240x128xf32, #tpu.memory_space<vmem_shared>> -> memref<32x128xf32, #tpu.memory_space<vmem_shared>>
      %dma_start3A_140 = arith.constant 0 : i32
      %dma_start3A_141 = tpu.memref_slice %arg25[%add3A_24, %dma_start3A_140] : memref<10240x128xf32, #tpu.memory_space<vmem_shared>> -> memref<32x128xf32, #tpu.memory_space<vmem_shared>>
      %dma_start3A_142 = arith.constant 0 : i32
      %dma_start3A_143 = arith.constant 0 : i32
      %dma_start3A_144 = tpu.memref_slice %arg17[%run_scoped3A_25, %dma_start3A_142, %dma_start3A_143] : memref<2x32x128xf32, #tpu.memory_space<vmem>> -> memref<1x32x128xf32, #tpu.memory_space<vmem>>
      %dma_start3A_145 = tpu.memref_squeeze %dma_start3A_144 : memref<1x32x128xf32, #tpu.memory_space<vmem>> -> memref<32x128xf32, #tpu.memory_space<vmem>>
      tpu.enqueue_dma source(%dma_start3A_145 : memref<32x128xf32, #tpu.memory_space<vmem>>) target(%dma_start3A_141 : memref<32x128xf32, #tpu.memory_space<vmem_shared>>) target_semaphore(%run_scoped3A_134 : memref<!tpu.dma_semaphore, #tpu.memory_space<semaphore_mem>>)
      %dma_wait3A = arith.constant 0 : i32
      %dma_wait3A_146 = arith.constant 0 : i32
      %dma_wait3A_147 = tpu.memref_slice %arg17[%run_scoped3A_25, %dma_wait3A, %dma_wait3A_146] : memref<2x32x128xf32, #tpu.memory_space<vmem>> -> memref<1x32x128xf32, #tpu.memory_space<vmem>>
      %dma_wait3A_148 = tpu.memref_squeeze %dma_wait3A_147 : memref<1x32x128xf32, #tpu.memory_space<vmem>> -> memref<32x128xf32, #tpu.memory_space<vmem>>
      %dma_wait3A_149 = arith.constant 0 : i32
      %dma_wait3A_150 = tpu.memref_slice %arg25[%add3A_24, %dma_wait3A_149] : memref<10240x128xf32, #tpu.memory_space<vmem_shared>> -> memref<32x128xf32, #tpu.memory_space<vmem_shared>>
      %dma_wait3A_151 = arith.constant 0 : i32
      %dma_wait3A_152 = tpu.memref_slice %arg25[%add3A_24, %dma_wait3A_151] : memref<10240x128xf32, #tpu.memory_space<vmem_shared>> -> memref<32x128xf32, #tpu.memory_space<vmem_shared>>
      %dma_wait3A_153 = arith.constant 0 : i32
      %dma_wait3A_154 = arith.constant 0 : i32
      %dma_wait3A_155 = tpu.memref_slice %arg17[%run_scoped3A_25, %dma_wait3A_153, %dma_wait3A_154] : memref<2x32x128xf32, #tpu.memory_space<vmem>> -> memref<1x32x128xf32, #tpu.memory_space<vmem>>
      %dma_wait3A_156 = tpu.memref_squeeze %dma_wait3A_155 : memref<1x32x128xf32, #tpu.memory_space<vmem>> -> memref<32x128xf32, #tpu.memory_space<vmem>>
      tpu.wait_dma2 semaphore(%run_scoped3A_134 : memref<!tpu.dma_semaphore, #tpu.memory_space<semaphore_mem>>) src(%dma_wait3A_156 : memref<32x128xf32, #tpu.memory_space<vmem>>) dst(%dma_wait3A_152 : memref<32x128xf32, #tpu.memory_space<vmem_shared>>)
      tpu.yield
    }) : () -> ()
    %mul3A_26 = arith.constant 640 : i32
    %mul3A_27 = arith.muli %arg1, %mul3A_26 : i32
    %add3A_28 = arith.constant 64 : i32
    %add3A_29 = arith.addi %mul3A_27, %add3A_28 : i32
    %run_scoped3A_30 = arith.constant 0 : i32
    "tpu.region"() ({
      %run_scoped3A_134 = tpu.sem_alloc : memref<!tpu.dma_semaphore, #tpu.memory_space<semaphore_mem>>
      %dma_start3A = arith.constant 0 : i32
      %dma_start3A_135 = arith.constant 0 : i32
      %dma_start3A_136 = tpu.memref_slice %arg17[%run_scoped3A_30, %dma_start3A, %dma_start3A_135] : memref<2x32x128xf32, #tpu.memory_space<vmem>> -> memref<1x32x128xf32, #tpu.memory_space<vmem>>
      %dma_start3A_137 = tpu.memref_squeeze %dma_start3A_136 : memref<1x32x128xf32, #tpu.memory_space<vmem>> -> memref<32x128xf32, #tpu.memory_space<vmem>>
      %dma_start3A_138 = arith.constant 0 : i32
      %dma_start3A_139 = tpu.memref_slice %arg25[%add3A_29, %dma_start3A_138] : memref<10240x128xf32, #tpu.memory_space<vmem_shared>> -> memref<32x128xf32, #tpu.memory_space<vmem_shared>>
      %dma_start3A_140 = arith.constant 0 : i32
      %dma_start3A_141 = tpu.memref_slice %arg25[%add3A_29, %dma_start3A_140] : memref<10240x128xf32, #tpu.memory_space<vmem_shared>> -> memref<32x128xf32, #tpu.memory_space<vmem_shared>>
      %dma_start3A_142 = arith.constant 0 : i32
      %dma_start3A_143 = arith.constant 0 : i32
      %dma_start3A_144 = tpu.memref_slice %arg17[%run_scoped3A_30, %dma_start3A_142, %dma_start3A_143] : memref<2x32x128xf32, #tpu.memory_space<vmem>> -> memref<1x32x128xf32, #tpu.memory_space<vmem>>
      %dma_start3A_145 = tpu.memref_squeeze %dma_start3A_144 : memref<1x32x128xf32, #tpu.memory_space<vmem>> -> memref<32x128xf32, #tpu.memory_space<vmem>>
      tpu.enqueue_dma source(%dma_start3A_145 : memref<32x128xf32, #tpu.memory_space<vmem>>) target(%dma_start3A_141 : memref<32x128xf32, #tpu.memory_space<vmem_shared>>) target_semaphore(%run_scoped3A_134 : memref<!tpu.dma_semaphore, #tpu.memory_space<semaphore_mem>>)
      %dma_wait3A = arith.constant 0 : i32
      %dma_wait3A_146 = arith.constant 0 : i32
      %dma_wait3A_147 = tpu.memref_slice %arg17[%run_scoped3A_30, %dma_wait3A, %dma_wait3A_146] : memref<2x32x128xf32, #tpu.memory_space<vmem>> -> memref<1x32x128xf32, #tpu.memory_space<vmem>>
      %dma_wait3A_148 = tpu.memref_squeeze %dma_wait3A_147 : memref<1x32x128xf32, #tpu.memory_space<vmem>> -> memref<32x128xf32, #tpu.memory_space<vmem>>
      %dma_wait3A_149 = arith.constant 0 : i32
      %dma_wait3A_150 = tpu.memref_slice %arg25[%add3A_29, %dma_wait3A_149] : memref<10240x128xf32, #tpu.memory_space<vmem_shared>> -> memref<32x128xf32, #tpu.memory_space<vmem_shared>>
      %dma_wait3A_151 = arith.constant 0 : i32
      %dma_wait3A_152 = tpu.memref_slice %arg25[%add3A_29, %dma_wait3A_151] : memref<10240x128xf32, #tpu.memory_space<vmem_shared>> -> memref<32x128xf32, #tpu.memory_space<vmem_shared>>
      %dma_wait3A_153 = arith.constant 0 : i32
      %dma_wait3A_154 = arith.constant 0 : i32
      %dma_wait3A_155 = tpu.memref_slice %arg17[%run_scoped3A_30, %dma_wait3A_153, %dma_wait3A_154] : memref<2x32x128xf32, #tpu.memory_space<vmem>> -> memref<1x32x128xf32, #tpu.memory_space<vmem>>
      %dma_wait3A_156 = tpu.memref_squeeze %dma_wait3A_155 : memref<1x32x128xf32, #tpu.memory_space<vmem>> -> memref<32x128xf32, #tpu.memory_space<vmem>>
      tpu.wait_dma2 semaphore(%run_scoped3A_134 : memref<!tpu.dma_semaphore, #tpu.memory_space<semaphore_mem>>) src(%dma_wait3A_156 : memref<32x128xf32, #tpu.memory_space<vmem>>) dst(%dma_wait3A_152 : memref<32x128xf32, #tpu.memory_space<vmem_shared>>)
      tpu.yield
    }) : () -> ()
    %mul3A_31 = arith.constant 640 : i32
    %mul3A_32 = arith.muli %arg1, %mul3A_31 : i32
    %add3A_33 = arith.constant 96 : i32
    %add3A_34 = arith.addi %mul3A_32, %add3A_33 : i32
    %run_scoped3A_35 = arith.constant 0 : i32
    "tpu.region"() ({
      %run_scoped3A_134 = tpu.sem_alloc : memref<!tpu.dma_semaphore, #tpu.memory_space<semaphore_mem>>
      %dma_start3A = arith.constant 0 : i32
      %dma_start3A_135 = arith.constant 0 : i32
      %dma_start3A_136 = tpu.memref_slice %arg17[%run_scoped3A_35, %dma_start3A, %dma_start3A_135] : memref<2x32x128xf32, #tpu.memory_space<vmem>> -> memref<1x32x128xf32, #tpu.memory_space<vmem>>
      %dma_start3A_137 = tpu.memref_squeeze %dma_start3A_136 : memref<1x32x128xf32, #tpu.memory_space<vmem>> -> memref<32x128xf32, #tpu.memory_space<vmem>>
      %dma_start3A_138 = arith.constant 0 : i32
      %dma_start3A_139 = tpu.memref_slice %arg25[%add3A_34, %dma_start3A_138] : memref<10240x128xf32, #tpu.memory_space<vmem_shared>> -> memref<32x128xf32, #tpu.memory_space<vmem_shared>>
      %dma_start3A_140 = arith.constant 0 : i32
      %dma_start3A_141 = tpu.memref_slice %arg25[%add3A_34, %dma_start3A_140] : memref<10240x128xf32, #tpu.memory_space<vmem_shared>> -> memref<32x128xf32, #tpu.memory_space<vmem_shared>>
      %dma_start3A_142 = arith.constant 0 : i32
      %dma_start3A_143 = arith.constant 0 : i32
      %dma_start3A_144 = tpu.memref_slice %arg17[%run_scoped3A_35, %dma_start3A_142, %dma_start3A_143] : memref<2x32x128xf32, #tpu.memory_space<vmem>> -> memref<1x32x128xf32, #tpu.memory_space<vmem>>
      %dma_start3A_145 = tpu.memref_squeeze %dma_start3A_144 : memref<1x32x128xf32, #tpu.memory_space<vmem>> -> memref<32x128xf32, #tpu.memory_space<vmem>>
      tpu.enqueue_dma source(%dma_start3A_145 : memref<32x128xf32, #tpu.memory_space<vmem>>) target(%dma_start3A_141 : memref<32x128xf32, #tpu.memory_space<vmem_shared>>) target_semaphore(%run_scoped3A_134 : memref<!tpu.dma_semaphore, #tpu.memory_space<semaphore_mem>>)
      %dma_wait3A = arith.constant 0 : i32
      %dma_wait3A_146 = arith.constant 0 : i32
      %dma_wait3A_147 = tpu.memref_slice %arg17[%run_scoped3A_35, %dma_wait3A, %dma_wait3A_146] : memref<2x32x128xf32, #tpu.memory_space<vmem>> -> memref<1x32x128xf32, #tpu.memory_space<vmem>>
      %dma_wait3A_148 = tpu.memref_squeeze %dma_wait3A_147 : memref<1x32x128xf32, #tpu.memory_space<vmem>> -> memref<32x128xf32, #tpu.memory_space<vmem>>
      %dma_wait3A_149 = arith.constant 0 : i32
      %dma_wait3A_150 = tpu.memref_slice %arg25[%add3A_34, %dma_wait3A_149] : memref<10240x128xf32, #tpu.memory_space<vmem_shared>> -> memref<32x128xf32, #tpu.memory_space<vmem_shared>>
      %dma_wait3A_151 = arith.constant 0 : i32
      %dma_wait3A_152 = tpu.memref_slice %arg25[%add3A_34, %dma_wait3A_151] : memref<10240x128xf32, #tpu.memory_space<vmem_shared>> -> memref<32x128xf32, #tpu.memory_space<vmem_shared>>
      %dma_wait3A_153 = arith.constant 0 : i32
      %dma_wait3A_154 = arith.constant 0 : i32
      %dma_wait3A_155 = tpu.memref_slice %arg17[%run_scoped3A_35, %dma_wait3A_153, %dma_wait3A_154] : memref<2x32x128xf32, #tpu.memory_space<vmem>> -> memref<1x32x128xf32, #tpu.memory_space<vmem>>
      %dma_wait3A_156 = tpu.memref_squeeze %dma_wait3A_155 : memref<1x32x128xf32, #tpu.memory_space<vmem>> -> memref<32x128xf32, #tpu.memory_space<vmem>>
      tpu.wait_dma2 semaphore(%run_scoped3A_134 : memref<!tpu.dma_semaphore, #tpu.memory_space<semaphore_mem>>) src(%dma_wait3A_156 : memref<32x128xf32, #tpu.memory_space<vmem>>) dst(%dma_wait3A_152 : memref<32x128xf32, #tpu.memory_space<vmem_shared>>)
      tpu.yield
    }) : () -> ()
    %mul3A_36 = arith.constant 640 : i32
    %mul3A_37 = arith.muli %arg1, %mul3A_36 : i32
    %add3A_38 = arith.constant 128 : i32
    %add3A_39 = arith.addi %mul3A_37, %add3A_38 : i32
    %run_scoped3A_40 = arith.constant 0 : i32
    "tpu.region"() ({
      %run_scoped3A_134 = tpu.sem_alloc : memref<!tpu.dma_semaphore, #tpu.memory_space<semaphore_mem>>
      %dma_start3A = arith.constant 0 : i32
      %dma_start3A_135 = arith.constant 0 : i32
      %dma_start3A_136 = tpu.memref_slice %arg17[%run_scoped3A_40, %dma_start3A, %dma_start3A_135] : memref<2x32x128xf32, #tpu.memory_space<vmem>> -> memref<1x32x128xf32, #tpu.memory_space<vmem>>
      %dma_start3A_137 = tpu.memref_squeeze %dma_start3A_136 : memref<1x32x128xf32, #tpu.memory_space<vmem>> -> memref<32x128xf32, #tpu.memory_space<vmem>>
      %dma_start3A_138 = arith.constant 0 : i32
      %dma_start3A_139 = tpu.memref_slice %arg25[%add3A_39, %dma_start3A_138] : memref<10240x128xf32, #tpu.memory_space<vmem_shared>> -> memref<32x128xf32, #tpu.memory_space<vmem_shared>>
      %dma_start3A_140 = arith.constant 0 : i32
      %dma_start3A_141 = tpu.memref_slice %arg25[%add3A_39, %dma_start3A_140] : memref<10240x128xf32, #tpu.memory_space<vmem_shared>> -> memref<32x128xf32, #tpu.memory_space<vmem_shared>>
      %dma_start3A_142 = arith.constant 0 : i32
      %dma_start3A_143 = arith.constant 0 : i32
      %dma_start3A_144 = tpu.memref_slice %arg17[%run_scoped3A_40, %dma_start3A_142, %dma_start3A_143] : memref<2x32x128xf32, #tpu.memory_space<vmem>> -> memref<1x32x128xf32, #tpu.memory_space<vmem>>
      %dma_start3A_145 = tpu.memref_squeeze %dma_start3A_144 : memref<1x32x128xf32, #tpu.memory_space<vmem>> -> memref<32x128xf32, #tpu.memory_space<vmem>>
      tpu.enqueue_dma source(%dma_start3A_145 : memref<32x128xf32, #tpu.memory_space<vmem>>) target(%dma_start3A_141 : memref<32x128xf32, #tpu.memory_space<vmem_shared>>) target_semaphore(%run_scoped3A_134 : memref<!tpu.dma_semaphore, #tpu.memory_space<semaphore_mem>>)
      %dma_wait3A = arith.constant 0 : i32
      %dma_wait3A_146 = arith.constant 0 : i32
      %dma_wait3A_147 = tpu.memref_slice %arg17[%run_scoped3A_40, %dma_wait3A, %dma_wait3A_146] : memref<2x32x128xf32, #tpu.memory_space<vmem>> -> memref<1x32x128xf32, #tpu.memory_space<vmem>>
      %dma_wait3A_148 = tpu.memref_squeeze %dma_wait3A_147 : memref<1x32x128xf32, #tpu.memory_space<vmem>> -> memref<32x128xf32, #tpu.memory_space<vmem>>
      %dma_wait3A_149 = arith.constant 0 : i32
      %dma_wait3A_150 = tpu.memref_slice %arg25[%add3A_39, %dma_wait3A_149] : memref<10240x128xf32, #tpu.memory_space<vmem_shared>> -> memref<32x128xf32, #tpu.memory_space<vmem_shared>>
      %dma_wait3A_151 = arith.constant 0 : i32
      %dma_wait3A_152 = tpu.memref_slice %arg25[%add3A_39, %dma_wait3A_151] : memref<10240x128xf32, #tpu.memory_space<vmem_shared>> -> memref<32x128xf32, #tpu.memory_space<vmem_shared>>
      %dma_wait3A_153 = arith.constant 0 : i32
      %dma_wait3A_154 = arith.constant 0 : i32
      %dma_wait3A_155 = tpu.memref_slice %arg17[%run_scoped3A_40, %dma_wait3A_153, %dma_wait3A_154] : memref<2x32x128xf32, #tpu.memory_space<vmem>> -> memref<1x32x128xf32, #tpu.memory_space<vmem>>
      %dma_wait3A_156 = tpu.memref_squeeze %dma_wait3A_155 : memref<1x32x128xf32, #tpu.memory_space<vmem>> -> memref<32x128xf32, #tpu.memory_space<vmem>>
      tpu.wait_dma2 semaphore(%run_scoped3A_134 : memref<!tpu.dma_semaphore, #tpu.memory_space<semaphore_mem>>) src(%dma_wait3A_156 : memref<32x128xf32, #tpu.memory_space<vmem>>) dst(%dma_wait3A_152 : memref<32x128xf32, #tpu.memory_space<vmem_shared>>)
      tpu.yield
    }) : () -> ()
    %mul3A_41 = arith.constant 640 : i32
    %mul3A_42 = arith.muli %arg1, %mul3A_41 : i32
    %add3A_43 = arith.constant 160 : i32
    %add3A_44 = arith.addi %mul3A_42, %add3A_43 : i32
    %run_scoped3A_45 = arith.constant 0 : i32
    "tpu.region"() ({
      %run_scoped3A_134 = tpu.sem_alloc : memref<!tpu.dma_semaphore, #tpu.memory_space<semaphore_mem>>
      %dma_start3A = arith.constant 0 : i32
      %dma_start3A_135 = arith.constant 0 : i32
      %dma_start3A_136 = tpu.memref_slice %arg17[%run_scoped3A_45, %dma_start3A, %dma_start3A_135] : memref<2x32x128xf32, #tpu.memory_space<vmem>> -> memref<1x32x128xf32, #tpu.memory_space<vmem>>
      %dma_start3A_137 = tpu.memref_squeeze %dma_start3A_136 : memref<1x32x128xf32, #tpu.memory_space<vmem>> -> memref<32x128xf32, #tpu.memory_space<vmem>>
      %dma_start3A_138 = arith.constant 0 : i32
      %dma_start3A_139 = tpu.memref_slice %arg25[%add3A_44, %dma_start3A_138] : memref<10240x128xf32, #tpu.memory_space<vmem_shared>> -> memref<32x128xf32, #tpu.memory_space<vmem_shared>>
      %dma_start3A_140 = arith.constant 0 : i32
      %dma_start3A_141 = tpu.memref_slice %arg25[%add3A_44, %dma_start3A_140] : memref<10240x128xf32, #tpu.memory_space<vmem_shared>> -> memref<32x128xf32, #tpu.memory_space<vmem_shared>>
      %dma_start3A_142 = arith.constant 0 : i32
      %dma_start3A_143 = arith.constant 0 : i32
      %dma_start3A_144 = tpu.memref_slice %arg17[%run_scoped3A_45, %dma_start3A_142, %dma_start3A_143] : memref<2x32x128xf32, #tpu.memory_space<vmem>> -> memref<1x32x128xf32, #tpu.memory_space<vmem>>
      %dma_start3A_145 = tpu.memref_squeeze %dma_start3A_144 : memref<1x32x128xf32, #tpu.memory_space<vmem>> -> memref<32x128xf32, #tpu.memory_space<vmem>>
      tpu.enqueue_dma source(%dma_start3A_145 : memref<32x128xf32, #tpu.memory_space<vmem>>) target(%dma_start3A_141 : memref<32x128xf32, #tpu.memory_space<vmem_shared>>) target_semaphore(%run_scoped3A_134 : memref<!tpu.dma_semaphore, #tpu.memory_space<semaphore_mem>>)
      %dma_wait3A = arith.constant 0 : i32
      %dma_wait3A_146 = arith.constant 0 : i32
      %dma_wait3A_147 = tpu.memref_slice %arg17[%run_scoped3A_45, %dma_wait3A, %dma_wait3A_146] : memref<2x32x128xf32, #tpu.memory_space<vmem>> -> memref<1x32x128xf32, #tpu.memory_space<vmem>>
      %dma_wait3A_148 = tpu.memref_squeeze %dma_wait3A_147 : memref<1x32x128xf32, #tpu.memory_space<vmem>> -> memref<32x128xf32, #tpu.memory_space<vmem>>
      %dma_wait3A_149 = arith.constant 0 : i32
      %dma_wait3A_150 = tpu.memref_slice %arg25[%add3A_44, %dma_wait3A_149] : memref<10240x128xf32, #tpu.memory_space<vmem_shared>> -> memref<32x128xf32, #tpu.memory_space<vmem_shared>>
      %dma_wait3A_151 = arith.constant 0 : i32
      %dma_wait3A_152 = tpu.memref_slice %arg25[%add3A_44, %dma_wait3A_151] : memref<10240x128xf32, #tpu.memory_space<vmem_shared>> -> memref<32x128xf32, #tpu.memory_space<vmem_shared>>
      %dma_wait3A_153 = arith.constant 0 : i32
      %dma_wait3A_154 = arith.constant 0 : i32
      %dma_wait3A_155 = tpu.memref_slice %arg17[%run_scoped3A_45, %dma_wait3A_153, %dma_wait3A_154] : memref<2x32x128xf32, #tpu.memory_space<vmem>> -> memref<1x32x128xf32, #tpu.memory_space<vmem>>
      %dma_wait3A_156 = tpu.memref_squeeze %dma_wait3A_155 : memref<1x32x128xf32, #tpu.memory_space<vmem>> -> memref<32x128xf32, #tpu.memory_space<vmem>>
      tpu.wait_dma2 semaphore(%run_scoped3A_134 : memref<!tpu.dma_semaphore, #tpu.memory_space<semaphore_mem>>) src(%dma_wait3A_156 : memref<32x128xf32, #tpu.memory_space<vmem>>) dst(%dma_wait3A_152 : memref<32x128xf32, #tpu.memory_space<vmem_shared>>)
      tpu.yield
    }) : () -> ()
    %mul3A_46 = arith.constant 640 : i32
    %mul3A_47 = arith.muli %arg1, %mul3A_46 : i32
    %add3A_48 = arith.constant 192 : i32
    %add3A_49 = arith.addi %mul3A_47, %add3A_48 : i32
    %run_scoped3A_50 = arith.constant 0 : i32
    "tpu.region"() ({
      %run_scoped3A_134 = tpu.sem_alloc : memref<!tpu.dma_semaphore, #tpu.memory_space<semaphore_mem>>
      %dma_start3A = arith.constant 0 : i32
      %dma_start3A_135 = arith.constant 0 : i32
      %dma_start3A_136 = tpu.memref_slice %arg17[%run_scoped3A_50, %dma_start3A, %dma_start3A_135] : memref<2x32x128xf32, #tpu.memory_space<vmem>> -> memref<1x32x128xf32, #tpu.memory_space<vmem>>
      %dma_start3A_137 = tpu.memref_squeeze %dma_start3A_136 : memref<1x32x128xf32, #tpu.memory_space<vmem>> -> memref<32x128xf32, #tpu.memory_space<vmem>>
      %dma_start3A_138 = arith.constant 0 : i32
      %dma_start3A_139 = tpu.memref_slice %arg25[%add3A_49, %dma_start3A_138] : memref<10240x128xf32, #tpu.memory_space<vmem_shared>> -> memref<32x128xf32, #tpu.memory_space<vmem_shared>>
      %dma_start3A_140 = arith.constant 0 : i32
      %dma_start3A_141 = tpu.memref_slice %arg25[%add3A_49, %dma_start3A_140] : memref<10240x128xf32, #tpu.memory_space<vmem_shared>> -> memref<32x128xf32, #tpu.memory_space<vmem_shared>>
      %dma_start3A_142 = arith.constant 0 : i32
      %dma_start3A_143 = arith.constant 0 : i32
      %dma_start3A_144 = tpu.memref_slice %arg17[%run_scoped3A_50, %dma_start3A_142, %dma_start3A_143] : memref<2x32x128xf32, #tpu.memory_space<vmem>> -> memref<1x32x128xf32, #tpu.memory_space<vmem>>
      %dma_start3A_145 = tpu.memref_squeeze %dma_start3A_144 : memref<1x32x128xf32, #tpu.memory_space<vmem>> -> memref<32x128xf32, #tpu.memory_space<vmem>>
      tpu.enqueue_dma source(%dma_start3A_145 : memref<32x128xf32, #tpu.memory_space<vmem>>) target(%dma_start3A_141 : memref<32x128xf32, #tpu.memory_space<vmem_shared>>) target_semaphore(%run_scoped3A_134 : memref<!tpu.dma_semaphore, #tpu.memory_space<semaphore_mem>>)
      %dma_wait3A = arith.constant 0 : i32
      %dma_wait3A_146 = arith.constant 0 : i32
      %dma_wait3A_147 = tpu.memref_slice %arg17[%run_scoped3A_50, %dma_wait3A, %dma_wait3A_146] : memref<2x32x128xf32, #tpu.memory_space<vmem>> -> memref<1x32x128xf32, #tpu.memory_space<vmem>>
      %dma_wait3A_148 = tpu.memref_squeeze %dma_wait3A_147 : memref<1x32x128xf32, #tpu.memory_space<vmem>> -> memref<32x128xf32, #tpu.memory_space<vmem>>
      %dma_wait3A_149 = arith.constant 0 : i32
      %dma_wait3A_150 = tpu.memref_slice %arg25[%add3A_49, %dma_wait3A_149] : memref<10240x128xf32, #tpu.memory_space<vmem_shared>> -> memref<32x128xf32, #tpu.memory_space<vmem_shared>>
      %dma_wait3A_151 = arith.constant 0 : i32
      %dma_wait3A_152 = tpu.memref_slice %arg25[%add3A_49, %dma_wait3A_151] : memref<10240x128xf32, #tpu.memory_space<vmem_shared>> -> memref<32x128xf32, #tpu.memory_space<vmem_shared>>
      %dma_wait3A_153 = arith.constant 0 : i32
      %dma_wait3A_154 = arith.constant 0 : i32
      %dma_wait3A_155 = tpu.memref_slice %arg17[%run_scoped3A_50, %dma_wait3A_153, %dma_wait3A_154] : memref<2x32x128xf32, #tpu.memory_space<vmem>> -> memref<1x32x128xf32, #tpu.memory_space<vmem>>
      %dma_wait3A_156 = tpu.memref_squeeze %dma_wait3A_155 : memref<1x32x128xf32, #tpu.memory_space<vmem>> -> memref<32x128xf32, #tpu.memory_space<vmem>>
      tpu.wait_dma2 semaphore(%run_scoped3A_134 : memref<!tpu.dma_semaphore, #tpu.memory_space<semaphore_mem>>) src(%dma_wait3A_156 : memref<32x128xf32, #tpu.memory_space<vmem>>) dst(%dma_wait3A_152 : memref<32x128xf32, #tpu.memory_space<vmem_shared>>)
      tpu.yield
    }) : () -> ()
    %mul3A_51 = arith.constant 640 : i32
    %mul3A_52 = arith.muli %arg1, %mul3A_51 : i32
    %add3A_53 = arith.constant 224 : i32
    %add3A_54 = arith.addi %mul3A_52, %add3A_53 : i32
    %run_scoped3A_55 = arith.constant 0 : i32
    "tpu.region"() ({
      %run_scoped3A_134 = tpu.sem_alloc : memref<!tpu.dma_semaphore, #tpu.memory_space<semaphore_mem>>
      %dma_start3A = arith.constant 0 : i32
      %dma_start3A_135 = arith.constant 0 : i32
      %dma_start3A_136 = tpu.memref_slice %arg17[%run_scoped3A_55, %dma_start3A, %dma_start3A_135] : memref<2x32x128xf32, #tpu.memory_space<vmem>> -> memref<1x32x128xf32, #tpu.memory_space<vmem>>
      %dma_start3A_137 = tpu.memref_squeeze %dma_start3A_136 : memref<1x32x128xf32, #tpu.memory_space<vmem>> -> memref<32x128xf32, #tpu.memory_space<vmem>>
      %dma_start3A_138 = arith.constant 0 : i32
      %dma_start3A_139 = tpu.memref_slice %arg25[%add3A_54, %dma_start3A_138] : memref<10240x128xf32, #tpu.memory_space<vmem_shared>> -> memref<32x128xf32, #tpu.memory_space<vmem_shared>>
      %dma_start3A_140 = arith.constant 0 : i32
      %dma_start3A_141 = tpu.memref_slice %arg25[%add3A_54, %dma_start3A_140] : memref<10240x128xf32, #tpu.memory_space<vmem_shared>> -> memref<32x128xf32, #tpu.memory_space<vmem_shared>>
      %dma_start3A_142 = arith.constant 0 : i32
      %dma_start3A_143 = arith.constant 0 : i32
      %dma_start3A_144 = tpu.memref_slice %arg17[%run_scoped3A_55, %dma_start3A_142, %dma_start3A_143] : memref<2x32x128xf32, #tpu.memory_space<vmem>> -> memref<1x32x128xf32, #tpu.memory_space<vmem>>
      %dma_start3A_145 = tpu.memref_squeeze %dma_start3A_144 : memref<1x32x128xf32, #tpu.memory_space<vmem>> -> memref<32x128xf32, #tpu.memory_space<vmem>>
      tpu.enqueue_dma source(%dma_start3A_145 : memref<32x128xf32, #tpu.memory_space<vmem>>) target(%dma_start3A_141 : memref<32x128xf32, #tpu.memory_space<vmem_shared>>) target_semaphore(%run_scoped3A_134 : memref<!tpu.dma_semaphore, #tpu.memory_space<semaphore_mem>>)
      %dma_wait3A = arith.constant 0 : i32
      %dma_wait3A_146 = arith.constant 0 : i32
      %dma_wait3A_147 = tpu.memref_slice %arg17[%run_scoped3A_55, %dma_wait3A, %dma_wait3A_146] : memref<2x32x128xf32, #tpu.memory_space<vmem>> -> memref<1x32x128xf32, #tpu.memory_space<vmem>>
      %dma_wait3A_148 = tpu.memref_squeeze %dma_wait3A_147 : memref<1x32x128xf32, #tpu.memory_space<vmem>> -> memref<32x128xf32, #tpu.memory_space<vmem>>
      %dma_wait3A_149 = arith.constant 0 : i32
      %dma_wait3A_150 = tpu.memref_slice %arg25[%add3A_54, %dma_wait3A_149] : memref<10240x128xf32, #tpu.memory_space<vmem_shared>> -> memref<32x128xf32, #tpu.memory_space<vmem_shared>>
      %dma_wait3A_151 = arith.constant 0 : i32
      %dma_wait3A_152 = tpu.memref_slice %arg25[%add3A_54, %dma_wait3A_151] : memref<10240x128xf32, #tpu.memory_space<vmem_shared>> -> memref<32x128xf32, #tpu.memory_space<vmem_shared>>
      %dma_wait3A_153 = arith.constant 0 : i32
      %dma_wait3A_154 = arith.constant 0 : i32
      %dma_wait3A_155 = tpu.memref_slice %arg17[%run_scoped3A_55, %dma_wait3A_153, %dma_wait3A_154] : memref<2x32x128xf32, #tpu.memory_space<vmem>> -> memref<1x32x128xf32, #tpu.memory_space<vmem>>
      %dma_wait3A_156 = tpu.memref_squeeze %dma_wait3A_155 : memref<1x32x128xf32, #tpu.memory_space<vmem>> -> memref<32x128xf32, #tpu.memory_space<vmem>>
      tpu.wait_dma2 semaphore(%run_scoped3A_134 : memref<!tpu.dma_semaphore, #tpu.memory_space<semaphore_mem>>) src(%dma_wait3A_156 : memref<32x128xf32, #tpu.memory_space<vmem>>) dst(%dma_wait3A_152 : memref<32x128xf32, #tpu.memory_space<vmem_shared>>)
      tpu.yield
    }) : () -> ()
    %mul3A_56 = arith.constant 640 : i32
    %mul3A_57 = arith.muli %arg1, %mul3A_56 : i32
    %add3A_58 = arith.constant 256 : i32
    %add3A_59 = arith.addi %mul3A_57, %add3A_58 : i32
    %run_scoped3A_60 = arith.constant 0 : i32
    "tpu.region"() ({
      %run_scoped3A_134 = tpu.sem_alloc : memref<!tpu.dma_semaphore, #tpu.memory_space<semaphore_mem>>
      %dma_start3A = arith.constant 0 : i32
      %dma_start3A_135 = arith.constant 0 : i32
      %dma_start3A_136 = tpu.memref_slice %arg17[%run_scoped3A_60, %dma_start3A, %dma_start3A_135] : memref<2x32x128xf32, #tpu.memory_space<vmem>> -> memref<1x32x128xf32, #tpu.memory_space<vmem>>
      %dma_start3A_137 = tpu.memref_squeeze %dma_start3A_136 : memref<1x32x128xf32, #tpu.memory_space<vmem>> -> memref<32x128xf32, #tpu.memory_space<vmem>>
      %dma_start3A_138 = arith.constant 0 : i32
      %dma_start3A_139 = tpu.memref_slice %arg25[%add3A_59, %dma_start3A_138] : memref<10240x128xf32, #tpu.memory_space<vmem_shared>> -> memref<32x128xf32, #tpu.memory_space<vmem_shared>>
      %dma_start3A_140 = arith.constant 0 : i32
      %dma_start3A_141 = tpu.memref_slice %arg25[%add3A_59, %dma_start3A_140] : memref<10240x128xf32, #tpu.memory_space<vmem_shared>> -> memref<32x128xf32, #tpu.memory_space<vmem_shared>>
      %dma_start3A_142 = arith.constant 0 : i32
      %dma_start3A_143 = arith.constant 0 : i32
      %dma_start3A_144 = tpu.memref_slice %arg17[%run_scoped3A_60, %dma_start3A_142, %dma_start3A_143] : memref<2x32x128xf32, #tpu.memory_space<vmem>> -> memref<1x32x128xf32, #tpu.memory_space<vmem>>
      %dma_start3A_145 = tpu.memref_squeeze %dma_start3A_144 : memref<1x32x128xf32, #tpu.memory_space<vmem>> -> memref<32x128xf32, #tpu.memory_space<vmem>>
      tpu.enqueue_dma source(%dma_start3A_145 : memref<32x128xf32, #tpu.memory_space<vmem>>) target(%dma_start3A_141 : memref<32x128xf32, #tpu.memory_space<vmem_shared>>) target_semaphore(%run_scoped3A_134 : memref<!tpu.dma_semaphore, #tpu.memory_space<semaphore_mem>>)
      %dma_wait3A = arith.constant 0 : i32
      %dma_wait3A_146 = arith.constant 0 : i32
      %dma_wait3A_147 = tpu.memref_slice %arg17[%run_scoped3A_60, %dma_wait3A, %dma_wait3A_146] : memref<2x32x128xf32, #tpu.memory_space<vmem>> -> memref<1x32x128xf32, #tpu.memory_space<vmem>>
      %dma_wait3A_148 = tpu.memref_squeeze %dma_wait3A_147 : memref<1x32x128xf32, #tpu.memory_space<vmem>> -> memref<32x128xf32, #tpu.memory_space<vmem>>
      %dma_wait3A_149 = arith.constant 0 : i32
      %dma_wait3A_150 = tpu.memref_slice %arg25[%add3A_59, %dma_wait3A_149] : memref<10240x128xf32, #tpu.memory_space<vmem_shared>> -> memref<32x128xf32, #tpu.memory_space<vmem_shared>>
      %dma_wait3A_151 = arith.constant 0 : i32
      %dma_wait3A_152 = tpu.memref_slice %arg25[%add3A_59, %dma_wait3A_151] : memref<10240x128xf32, #tpu.memory_space<vmem_shared>> -> memref<32x128xf32, #tpu.memory_space<vmem_shared>>
      %dma_wait3A_153 = arith.constant 0 : i32
      %dma_wait3A_154 = arith.constant 0 : i32
      %dma_wait3A_155 = tpu.memref_slice %arg17[%run_scoped3A_60, %dma_wait3A_153, %dma_wait3A_154] : memref<2x32x128xf32, #tpu.memory_space<vmem>> -> memref<1x32x128xf32, #tpu.memory_space<vmem>>
      %dma_wait3A_156 = tpu.memref_squeeze %dma_wait3A_155 : memref<1x32x128xf32, #tpu.memory_space<vmem>> -> memref<32x128xf32, #tpu.memory_space<vmem>>
      tpu.wait_dma2 semaphore(%run_scoped3A_134 : memref<!tpu.dma_semaphore, #tpu.memory_space<semaphore_mem>>) src(%dma_wait3A_156 : memref<32x128xf32, #tpu.memory_space<vmem>>) dst(%dma_wait3A_152 : memref<32x128xf32, #tpu.memory_space<vmem_shared>>)
      tpu.yield
    }) : () -> ()
    %mul3A_61 = arith.constant 640 : i32
    %mul3A_62 = arith.muli %arg1, %mul3A_61 : i32
    %add3A_63 = arith.constant 288 : i32
    %add3A_64 = arith.addi %mul3A_62, %add3A_63 : i32
    %run_scoped3A_65 = arith.constant 0 : i32
    "tpu.region"() ({
      %run_scoped3A_134 = tpu.sem_alloc : memref<!tpu.dma_semaphore, #tpu.memory_space<semaphore_mem>>
      %dma_start3A = arith.constant 0 : i32
      %dma_start3A_135 = arith.constant 0 : i32
      %dma_start3A_136 = tpu.memref_slice %arg17[%run_scoped3A_65, %dma_start3A, %dma_start3A_135] : memref<2x32x128xf32, #tpu.memory_space<vmem>> -> memref<1x32x128xf32, #tpu.memory_space<vmem>>
      %dma_start3A_137 = tpu.memref_squeeze %dma_start3A_136 : memref<1x32x128xf32, #tpu.memory_space<vmem>> -> memref<32x128xf32, #tpu.memory_space<vmem>>
      %dma_start3A_138 = arith.constant 0 : i32
      %dma_start3A_139 = tpu.memref_slice %arg25[%add3A_64, %dma_start3A_138] : memref<10240x128xf32, #tpu.memory_space<vmem_shared>> -> memref<32x128xf32, #tpu.memory_space<vmem_shared>>
      %dma_start3A_140 = arith.constant 0 : i32
      %dma_start3A_141 = tpu.memref_slice %arg25[%add3A_64, %dma_start3A_140] : memref<10240x128xf32, #tpu.memory_space<vmem_shared>> -> memref<32x128xf32, #tpu.memory_space<vmem_shared>>
      %dma_start3A_142 = arith.constant 0 : i32
      %dma_start3A_143 = arith.constant 0 : i32
      %dma_start3A_144 = tpu.memref_slice %arg17[%run_scoped3A_65, %dma_start3A_142, %dma_start3A_143] : memref<2x32x128xf32, #tpu.memory_space<vmem>> -> memref<1x32x128xf32, #tpu.memory_space<vmem>>
      %dma_start3A_145 = tpu.memref_squeeze %dma_start3A_144 : memref<1x32x128xf32, #tpu.memory_space<vmem>> -> memref<32x128xf32, #tpu.memory_space<vmem>>
      tpu.enqueue_dma source(%dma_start3A_145 : memref<32x128xf32, #tpu.memory_space<vmem>>) target(%dma_start3A_141 : memref<32x128xf32, #tpu.memory_space<vmem_shared>>) target_semaphore(%run_scoped3A_134 : memref<!tpu.dma_semaphore, #tpu.memory_space<semaphore_mem>>)
      %dma_wait3A = arith.constant 0 : i32
      %dma_wait3A_146 = arith.constant 0 : i32
      %dma_wait3A_147 = tpu.memref_slice %arg17[%run_scoped3A_65, %dma_wait3A, %dma_wait3A_146] : memref<2x32x128xf32, #tpu.memory_space<vmem>> -> memref<1x32x128xf32, #tpu.memory_space<vmem>>
      %dma_wait3A_148 = tpu.memref_squeeze %dma_wait3A_147 : memref<1x32x128xf32, #tpu.memory_space<vmem>> -> memref<32x128xf32, #tpu.memory_space<vmem>>
      %dma_wait3A_149 = arith.constant 0 : i32
      %dma_wait3A_150 = tpu.memref_slice %arg25[%add3A_64, %dma_wait3A_149] : memref<10240x128xf32, #tpu.memory_space<vmem_shared>> -> memref<32x128xf32, #tpu.memory_space<vmem_shared>>
      %dma_wait3A_151 = arith.constant 0 : i32
      %dma_wait3A_152 = tpu.memref_slice %arg25[%add3A_64, %dma_wait3A_151] : memref<10240x128xf32, #tpu.memory_space<vmem_shared>> -> memref<32x128xf32, #tpu.memory_space<vmem_shared>>
      %dma_wait3A_153 = arith.constant 0 : i32
      %dma_wait3A_154 = arith.constant 0 : i32
      %dma_wait3A_155 = tpu.memref_slice %arg17[%run_scoped3A_65, %dma_wait3A_153, %dma_wait3A_154] : memref<2x32x128xf32, #tpu.memory_space<vmem>> -> memref<1x32x128xf32, #tpu.memory_space<vmem>>
      %dma_wait3A_156 = tpu.memref_squeeze %dma_wait3A_155 : memref<1x32x128xf32, #tpu.memory_space<vmem>> -> memref<32x128xf32, #tpu.memory_space<vmem>>
      tpu.wait_dma2 semaphore(%run_scoped3A_134 : memref<!tpu.dma_semaphore, #tpu.memory_space<semaphore_mem>>) src(%dma_wait3A_156 : memref<32x128xf32, #tpu.memory_space<vmem>>) dst(%dma_wait3A_152 : memref<32x128xf32, #tpu.memory_space<vmem_shared>>)
      tpu.yield
    }) : () -> ()
    %mul3A_66 = arith.constant 640 : i32
    %mul3A_67 = arith.muli %arg1, %mul3A_66 : i32
    %add3A_68 = arith.constant 320 : i32
    %add3A_69 = arith.addi %mul3A_67, %add3A_68 : i32
    %run_scoped3A_70 = arith.constant 0 : i32
    "tpu.region"() ({
      %run_scoped3A_134 = tpu.sem_alloc : memref<!tpu.dma_semaphore, #tpu.memory_space<semaphore_mem>>
      %dma_start3A = arith.constant 0 : i32
      %dma_start3A_135 = arith.constant 0 : i32
      %dma_start3A_136 = tpu.memref_slice %arg17[%run_scoped3A_70, %dma_start3A, %dma_start3A_135] : memref<2x32x128xf32, #tpu.memory_space<vmem>> -> memref<1x32x128xf32, #tpu.memory_space<vmem>>
      %dma_start3A_137 = tpu.memref_squeeze %dma_start3A_136 : memref<1x32x128xf32, #tpu.memory_space<vmem>> -> memref<32x128xf32, #tpu.memory_space<vmem>>
      %dma_start3A_138 = arith.constant 0 : i32
      %dma_start3A_139 = tpu.memref_slice %arg25[%add3A_69, %dma_start3A_138] : memref<10240x128xf32, #tpu.memory_space<vmem_shared>> -> memref<32x128xf32, #tpu.memory_space<vmem_shared>>
      %dma_start3A_140 = arith.constant 0 : i32
      %dma_start3A_141 = tpu.memref_slice %arg25[%add3A_69, %dma_start3A_140] : memref<10240x128xf32, #tpu.memory_space<vmem_shared>> -> memref<32x128xf32, #tpu.memory_space<vmem_shared>>
      %dma_start3A_142 = arith.constant 0 : i32
      %dma_start3A_143 = arith.constant 0 : i32
      %dma_start3A_144 = tpu.memref_slice %arg17[%run_scoped3A_70, %dma_start3A_142, %dma_start3A_143] : memref<2x32x128xf32, #tpu.memory_space<vmem>> -> memref<1x32x128xf32, #tpu.memory_space<vmem>>
      %dma_start3A_145 = tpu.memref_squeeze %dma_start3A_144 : memref<1x32x128xf32, #tpu.memory_space<vmem>> -> memref<32x128xf32, #tpu.memory_space<vmem>>
      tpu.enqueue_dma source(%dma_start3A_145 : memref<32x128xf32, #tpu.memory_space<vmem>>) target(%dma_start3A_141 : memref<32x128xf32, #tpu.memory_space<vmem_shared>>) target_semaphore(%run_scoped3A_134 : memref<!tpu.dma_semaphore, #tpu.memory_space<semaphore_mem>>)
      %dma_wait3A = arith.constant 0 : i32
      %dma_wait3A_146 = arith.constant 0 : i32
      %dma_wait3A_147 = tpu.memref_slice %arg17[%run_scoped3A_70, %dma_wait3A, %dma_wait3A_146] : memref<2x32x128xf32, #tpu.memory_space<vmem>> -> memref<1x32x128xf32, #tpu.memory_space<vmem>>
      %dma_wait3A_148 = tpu.memref_squeeze %dma_wait3A_147 : memref<1x32x128xf32, #tpu.memory_space<vmem>> -> memref<32x128xf32, #tpu.memory_space<vmem>>
      %dma_wait3A_149 = arith.constant 0 : i32
      %dma_wait3A_150 = tpu.memref_slice %arg25[%add3A_69, %dma_wait3A_149] : memref<10240x128xf32, #tpu.memory_space<vmem_shared>> -> memref<32x128xf32, #tpu.memory_space<vmem_shared>>
      %dma_wait3A_151 = arith.constant 0 : i32
      %dma_wait3A_152 = tpu.memref_slice %arg25[%add3A_69, %dma_wait3A_151] : memref<10240x128xf32, #tpu.memory_space<vmem_shared>> -> memref<32x128xf32, #tpu.memory_space<vmem_shared>>
      %dma_wait3A_153 = arith.constant 0 : i32
      %dma_wait3A_154 = arith.constant 0 : i32
      %dma_wait3A_155 = tpu.memref_slice %arg17[%run_scoped3A_70, %dma_wait3A_153, %dma_wait3A_154] : memref<2x32x128xf32, #tpu.memory_space<vmem>> -> memref<1x32x128xf32, #tpu.memory_space<vmem>>
      %dma_wait3A_156 = tpu.memref_squeeze %dma_wait3A_155 : memref<1x32x128xf32, #tpu.memory_space<vmem>> -> memref<32x128xf32, #tpu.memory_space<vmem>>
      tpu.wait_dma2 semaphore(%run_scoped3A_134 : memref<!tpu.dma_semaphore, #tpu.memory_space<semaphore_mem>>) src(%dma_wait3A_156 : memref<32x128xf32, #tpu.memory_space<vmem>>) dst(%dma_wait3A_152 : memref<32x128xf32, #tpu.memory_space<vmem_shared>>)
      tpu.yield
    }) : () -> ()
    %mul3A_71 = arith.constant 640 : i32
    %mul3A_72 = arith.muli %arg1, %mul3A_71 : i32
    %add3A_73 = arith.constant 352 : i32
    %add3A_74 = arith.addi %mul3A_72, %add3A_73 : i32
    %run_scoped3A_75 = arith.constant 0 : i32
    "tpu.region"() ({
      %run_scoped3A_134 = tpu.sem_alloc : memref<!tpu.dma_semaphore, #tpu.memory_space<semaphore_mem>>
      %dma_start3A = arith.constant 0 : i32
      %dma_start3A_135 = arith.constant 0 : i32
      %dma_start3A_136 = tpu.memref_slice %arg17[%run_scoped3A_75, %dma_start3A, %dma_start3A_135] : memref<2x32x128xf32, #tpu.memory_space<vmem>> -> memref<1x32x128xf32, #tpu.memory_space<vmem>>
      %dma_start3A_137 = tpu.memref_squeeze %dma_start3A_136 : memref<1x32x128xf32, #tpu.memory_space<vmem>> -> memref<32x128xf32, #tpu.memory_space<vmem>>
      %dma_start3A_138 = arith.constant 0 : i32
      %dma_start3A_139 = tpu.memref_slice %arg25[%add3A_74, %dma_start3A_138] : memref<10240x128xf32, #tpu.memory_space<vmem_shared>> -> memref<32x128xf32, #tpu.memory_space<vmem_shared>>
      %dma_start3A_140 = arith.constant 0 : i32
      %dma_start3A_141 = tpu.memref_slice %arg25[%add3A_74, %dma_start3A_140] : memref<10240x128xf32, #tpu.memory_space<vmem_shared>> -> memref<32x128xf32, #tpu.memory_space<vmem_shared>>
      %dma_start3A_142 = arith.constant 0 : i32
      %dma_start3A_143 = arith.constant 0 : i32
      %dma_start3A_144 = tpu.memref_slice %arg17[%run_scoped3A_75, %dma_start3A_142, %dma_start3A_143] : memref<2x32x128xf32, #tpu.memory_space<vmem>> -> memref<1x32x128xf32, #tpu.memory_space<vmem>>
      %dma_start3A_145 = tpu.memref_squeeze %dma_start3A_144 : memref<1x32x128xf32, #tpu.memory_space<vmem>> -> memref<32x128xf32, #tpu.memory_space<vmem>>
      tpu.enqueue_dma source(%dma_start3A_145 : memref<32x128xf32, #tpu.memory_space<vmem>>) target(%dma_start3A_141 : memref<32x128xf32, #tpu.memory_space<vmem_shared>>) target_semaphore(%run_scoped3A_134 : memref<!tpu.dma_semaphore, #tpu.memory_space<semaphore_mem>>)
      %dma_wait3A = arith.constant 0 : i32
      %dma_wait3A_146 = arith.constant 0 : i32
      %dma_wait3A_147 = tpu.memref_slice %arg17[%run_scoped3A_75, %dma_wait3A, %dma_wait3A_146] : memref<2x32x128xf32, #tpu.memory_space<vmem>> -> memref<1x32x128xf32, #tpu.memory_space<vmem>>
      %dma_wait3A_148 = tpu.memref_squeeze %dma_wait3A_147 : memref<1x32x128xf32, #tpu.memory_space<vmem>> -> memref<32x128xf32, #tpu.memory_space<vmem>>
      %dma_wait3A_149 = arith.constant 0 : i32
      %dma_wait3A_150 = tpu.memref_slice %arg25[%add3A_74, %dma_wait3A_149] : memref<10240x128xf32, #tpu.memory_space<vmem_shared>> -> memref<32x128xf32, #tpu.memory_space<vmem_shared>>
      %dma_wait3A_151 = arith.constant 0 : i32
      %dma_wait3A_152 = tpu.memref_slice %arg25[%add3A_74, %dma_wait3A_151] : memref<10240x128xf32, #tpu.memory_space<vmem_shared>> -> memref<32x128xf32, #tpu.memory_space<vmem_shared>>
      %dma_wait3A_153 = arith.constant 0 : i32
      %dma_wait3A_154 = arith.constant 0 : i32
      %dma_wait3A_155 = tpu.memref_slice %arg17[%run_scoped3A_75, %dma_wait3A_153, %dma_wait3A_154] : memref<2x32x128xf32, #tpu.memory_space<vmem>> -> memref<1x32x128xf32, #tpu.memory_space<vmem>>
      %dma_wait3A_156 = tpu.memref_squeeze %dma_wait3A_155 : memref<1x32x128xf32, #tpu.memory_space<vmem>> -> memref<32x128xf32, #tpu.memory_space<vmem>>
      tpu.wait_dma2 semaphore(%run_scoped3A_134 : memref<!tpu.dma_semaphore, #tpu.memory_space<semaphore_mem>>) src(%dma_wait3A_156 : memref<32x128xf32, #tpu.memory_space<vmem>>) dst(%dma_wait3A_152 : memref<32x128xf32, #tpu.memory_space<vmem_shared>>)
      tpu.yield
    }) : () -> ()
    %mul3A_76 = arith.constant 640 : i32
    %mul3A_77 = arith.muli %arg1, %mul3A_76 : i32
    %add3A_78 = arith.constant 384 : i32
    %add3A_79 = arith.addi %mul3A_77, %add3A_78 : i32
    %run_scoped3A_80 = arith.constant 0 : i32
    "tpu.region"() ({
      %run_scoped3A_134 = tpu.sem_alloc : memref<!tpu.dma_semaphore, #tpu.memory_space<semaphore_mem>>
      %dma_start3A = arith.constant 0 : i32
      %dma_start3A_135 = arith.constant 0 : i32
      %dma_start3A_136 = tpu.memref_slice %arg17[%run_scoped3A_80, %dma_start3A, %dma_start3A_135] : memref<2x32x128xf32, #tpu.memory_space<vmem>> -> memref<1x32x128xf32, #tpu.memory_space<vmem>>
      %dma_start3A_137 = tpu.memref_squeeze %dma_start3A_136 : memref<1x32x128xf32, #tpu.memory_space<vmem>> -> memref<32x128xf32, #tpu.memory_space<vmem>>
      %dma_start3A_138 = arith.constant 0 : i32
      %dma_start3A_139 = tpu.memref_slice %arg25[%add3A_79, %dma_start3A_138] : memref<10240x128xf32, #tpu.memory_space<vmem_shared>> -> memref<32x128xf32, #tpu.memory_space<vmem_shared>>
      %dma_start3A_140 = arith.constant 0 : i32
      %dma_start3A_141 = tpu.memref_slice %arg25[%add3A_79, %dma_start3A_140] : memref<10240x128xf32, #tpu.memory_space<vmem_shared>> -> memref<32x128xf32, #tpu.memory_space<vmem_shared>>
      %dma_start3A_142 = arith.constant 0 : i32
      %dma_start3A_143 = arith.constant 0 : i32
      %dma_start3A_144 = tpu.memref_slice %arg17[%run_scoped3A_80, %dma_start3A_142, %dma_start3A_143] : memref<2x32x128xf32, #tpu.memory_space<vmem>> -> memref<1x32x128xf32, #tpu.memory_space<vmem>>
      %dma_start3A_145 = tpu.memref_squeeze %dma_start3A_144 : memref<1x32x128xf32, #tpu.memory_space<vmem>> -> memref<32x128xf32, #tpu.memory_space<vmem>>
      tpu.enqueue_dma source(%dma_start3A_145 : memref<32x128xf32, #tpu.memory_space<vmem>>) target(%dma_start3A_141 : memref<32x128xf32, #tpu.memory_space<vmem_shared>>) target_semaphore(%run_scoped3A_134 : memref<!tpu.dma_semaphore, #tpu.memory_space<semaphore_mem>>)
      %dma_wait3A = arith.constant 0 : i32
      %dma_wait3A_146 = arith.constant 0 : i32
      %dma_wait3A_147 = tpu.memref_slice %arg17[%run_scoped3A_80, %dma_wait3A, %dma_wait3A_146] : memref<2x32x128xf32, #tpu.memory_space<vmem>> -> memref<1x32x128xf32, #tpu.memory_space<vmem>>
      %dma_wait3A_148 = tpu.memref_squeeze %dma_wait3A_147 : memref<1x32x128xf32, #tpu.memory_space<vmem>> -> memref<32x128xf32, #tpu.memory_space<vmem>>
      %dma_wait3A_149 = arith.constant 0 : i32
      %dma_wait3A_150 = tpu.memref_slice %arg25[%add3A_79, %dma_wait3A_149] : memref<10240x128xf32, #tpu.memory_space<vmem_shared>> -> memref<32x128xf32, #tpu.memory_space<vmem_shared>>
      %dma_wait3A_151 = arith.constant 0 : i32
      %dma_wait3A_152 = tpu.memref_slice %arg25[%add3A_79, %dma_wait3A_151] : memref<10240x128xf32, #tpu.memory_space<vmem_shared>> -> memref<32x128xf32, #tpu.memory_space<vmem_shared>>
      %dma_wait3A_153 = arith.constant 0 : i32
      %dma_wait3A_154 = arith.constant 0 : i32
      %dma_wait3A_155 = tpu.memref_slice %arg17[%run_scoped3A_80, %dma_wait3A_153, %dma_wait3A_154] : memref<2x32x128xf32, #tpu.memory_space<vmem>> -> memref<1x32x128xf32, #tpu.memory_space<vmem>>
      %dma_wait3A_156 = tpu.memref_squeeze %dma_wait3A_155 : memref<1x32x128xf32, #tpu.memory_space<vmem>> -> memref<32x128xf32, #tpu.memory_space<vmem>>
      tpu.wait_dma2 semaphore(%run_scoped3A_134 : memref<!tpu.dma_semaphore, #tpu.memory_space<semaphore_mem>>) src(%dma_wait3A_156 : memref<32x128xf32, #tpu.memory_space<vmem>>) dst(%dma_wait3A_152 : memref<32x128xf32, #tpu.memory_space<vmem_shared>>)
      tpu.yield
    }) : () -> ()
    %mul3A_81 = arith.constant 640 : i32
    %mul3A_82 = arith.muli %arg1, %mul3A_81 : i32
    %add3A_83 = arith.constant 416 : i32
    %add3A_84 = arith.addi %mul3A_82, %add3A_83 : i32
    %run_scoped3A_85 = arith.constant 0 : i32
    "tpu.region"() ({
      %run_scoped3A_134 = tpu.sem_alloc : memref<!tpu.dma_semaphore, #tpu.memory_space<semaphore_mem>>
      %dma_start3A = arith.constant 0 : i32
      %dma_start3A_135 = arith.constant 0 : i32
      %dma_start3A_136 = tpu.memref_slice %arg17[%run_scoped3A_85, %dma_start3A, %dma_start3A_135] : memref<2x32x128xf32, #tpu.memory_space<vmem>> -> memref<1x32x128xf32, #tpu.memory_space<vmem>>
      %dma_start3A_137 = tpu.memref_squeeze %dma_start3A_136 : memref<1x32x128xf32, #tpu.memory_space<vmem>> -> memref<32x128xf32, #tpu.memory_space<vmem>>
      %dma_start3A_138 = arith.constant 0 : i32
      %dma_start3A_139 = tpu.memref_slice %arg25[%add3A_84, %dma_start3A_138] : memref<10240x128xf32, #tpu.memory_space<vmem_shared>> -> memref<32x128xf32, #tpu.memory_space<vmem_shared>>
      %dma_start3A_140 = arith.constant 0 : i32
      %dma_start3A_141 = tpu.memref_slice %arg25[%add3A_84, %dma_start3A_140] : memref<10240x128xf32, #tpu.memory_space<vmem_shared>> -> memref<32x128xf32, #tpu.memory_space<vmem_shared>>
      %dma_start3A_142 = arith.constant 0 : i32
      %dma_start3A_143 = arith.constant 0 : i32
      %dma_start3A_144 = tpu.memref_slice %arg17[%run_scoped3A_85, %dma_start3A_142, %dma_start3A_143] : memref<2x32x128xf32, #tpu.memory_space<vmem>> -> memref<1x32x128xf32, #tpu.memory_space<vmem>>
      %dma_start3A_145 = tpu.memref_squeeze %dma_start3A_144 : memref<1x32x128xf32, #tpu.memory_space<vmem>> -> memref<32x128xf32, #tpu.memory_space<vmem>>
      tpu.enqueue_dma source(%dma_start3A_145 : memref<32x128xf32, #tpu.memory_space<vmem>>) target(%dma_start3A_141 : memref<32x128xf32, #tpu.memory_space<vmem_shared>>) target_semaphore(%run_scoped3A_134 : memref<!tpu.dma_semaphore, #tpu.memory_space<semaphore_mem>>)
      %dma_wait3A = arith.constant 0 : i32
      %dma_wait3A_146 = arith.constant 0 : i32
      %dma_wait3A_147 = tpu.memref_slice %arg17[%run_scoped3A_85, %dma_wait3A, %dma_wait3A_146] : memref<2x32x128xf32, #tpu.memory_space<vmem>> -> memref<1x32x128xf32, #tpu.memory_space<vmem>>
      %dma_wait3A_148 = tpu.memref_squeeze %dma_wait3A_147 : memref<1x32x128xf32, #tpu.memory_space<vmem>> -> memref<32x128xf32, #tpu.memory_space<vmem>>
      %dma_wait3A_149 = arith.constant 0 : i32
      %dma_wait3A_150 = tpu.memref_slice %arg25[%add3A_84, %dma_wait3A_149] : memref<10240x128xf32, #tpu.memory_space<vmem_shared>> -> memref<32x128xf32, #tpu.memory_space<vmem_shared>>
      %dma_wait3A_151 = arith.constant 0 : i32
      %dma_wait3A_152 = tpu.memref_slice %arg25[%add3A_84, %dma_wait3A_151] : memref<10240x128xf32, #tpu.memory_space<vmem_shared>> -> memref<32x128xf32, #tpu.memory_space<vmem_shared>>
      %dma_wait3A_153 = arith.constant 0 : i32
      %dma_wait3A_154 = arith.constant 0 : i32
      %dma_wait3A_155 = tpu.memref_slice %arg17[%run_scoped3A_85, %dma_wait3A_153, %dma_wait3A_154] : memref<2x32x128xf32, #tpu.memory_space<vmem>> -> memref<1x32x128xf32, #tpu.memory_space<vmem>>
      %dma_wait3A_156 = tpu.memref_squeeze %dma_wait3A_155 : memref<1x32x128xf32, #tpu.memory_space<vmem>> -> memref<32x128xf32, #tpu.memory_space<vmem>>
      tpu.wait_dma2 semaphore(%run_scoped3A_134 : memref<!tpu.dma_semaphore, #tpu.memory_space<semaphore_mem>>) src(%dma_wait3A_156 : memref<32x128xf32, #tpu.memory_space<vmem>>) dst(%dma_wait3A_152 : memref<32x128xf32, #tpu.memory_space<vmem_shared>>)
      tpu.yield
    }) : () -> ()
    %mul3A_86 = arith.constant 640 : i32
    %mul3A_87 = arith.muli %arg1, %mul3A_86 : i32
    %add3A_88 = arith.constant 448 : i32
    %add3A_89 = arith.addi %mul3A_87, %add3A_88 : i32
    %run_scoped3A_90 = arith.constant 0 : i32
    "tpu.region"() ({
      %run_scoped3A_134 = tpu.sem_alloc : memref<!tpu.dma_semaphore, #tpu.memory_space<semaphore_mem>>
      %dma_start3A = arith.constant 0 : i32
      %dma_start3A_135 = arith.constant 0 : i32
      %dma_start3A_136 = tpu.memref_slice %arg17[%run_scoped3A_90, %dma_start3A, %dma_start3A_135] : memref<2x32x128xf32, #tpu.memory_space<vmem>> -> memref<1x32x128xf32, #tpu.memory_space<vmem>>
      %dma_start3A_137 = tpu.memref_squeeze %dma_start3A_136 : memref<1x32x128xf32, #tpu.memory_space<vmem>> -> memref<32x128xf32, #tpu.memory_space<vmem>>
      %dma_start3A_138 = arith.constant 0 : i32
      %dma_start3A_139 = tpu.memref_slice %arg25[%add3A_89, %dma_start3A_138] : memref<10240x128xf32, #tpu.memory_space<vmem_shared>> -> memref<32x128xf32, #tpu.memory_space<vmem_shared>>
      %dma_start3A_140 = arith.constant 0 : i32
      %dma_start3A_141 = tpu.memref_slice %arg25[%add3A_89, %dma_start3A_140] : memref<10240x128xf32, #tpu.memory_space<vmem_shared>> -> memref<32x128xf32, #tpu.memory_space<vmem_shared>>
      %dma_start3A_142 = arith.constant 0 : i32
      %dma_start3A_143 = arith.constant 0 : i32
      %dma_start3A_144 = tpu.memref_slice %arg17[%run_scoped3A_90, %dma_start3A_142, %dma_start3A_143] : memref<2x32x128xf32, #tpu.memory_space<vmem>> -> memref<1x32x128xf32, #tpu.memory_space<vmem>>
      %dma_start3A_145 = tpu.memref_squeeze %dma_start3A_144 : memref<1x32x128xf32, #tpu.memory_space<vmem>> -> memref<32x128xf32, #tpu.memory_space<vmem>>
      tpu.enqueue_dma source(%dma_start3A_145 : memref<32x128xf32, #tpu.memory_space<vmem>>) target(%dma_start3A_141 : memref<32x128xf32, #tpu.memory_space<vmem_shared>>) target_semaphore(%run_scoped3A_134 : memref<!tpu.dma_semaphore, #tpu.memory_space<semaphore_mem>>)
      %dma_wait3A = arith.constant 0 : i32
      %dma_wait3A_146 = arith.constant 0 : i32
      %dma_wait3A_147 = tpu.memref_slice %arg17[%run_scoped3A_90, %dma_wait3A, %dma_wait3A_146] : memref<2x32x128xf32, #tpu.memory_space<vmem>> -> memref<1x32x128xf32, #tpu.memory_space<vmem>>
      %dma_wait3A_148 = tpu.memref_squeeze %dma_wait3A_147 : memref<1x32x128xf32, #tpu.memory_space<vmem>> -> memref<32x128xf32, #tpu.memory_space<vmem>>
      %dma_wait3A_149 = arith.constant 0 : i32
      %dma_wait3A_150 = tpu.memref_slice %arg25[%add3A_89, %dma_wait3A_149] : memref<10240x128xf32, #tpu.memory_space<vmem_shared>> -> memref<32x128xf32, #tpu.memory_space<vmem_shared>>
      %dma_wait3A_151 = arith.constant 0 : i32
      %dma_wait3A_152 = tpu.memref_slice %arg25[%add3A_89, %dma_wait3A_151] : memref<10240x128xf32, #tpu.memory_space<vmem_shared>> -> memref<32x128xf32, #tpu.memory_space<vmem_shared>>
      %dma_wait3A_153 = arith.constant 0 : i32
      %dma_wait3A_154 = arith.constant 0 : i32
      %dma_wait3A_155 = tpu.memref_slice %arg17[%run_scoped3A_90, %dma_wait3A_153, %dma_wait3A_154] : memref<2x32x128xf32, #tpu.memory_space<vmem>> -> memref<1x32x128xf32, #tpu.memory_space<vmem>>
      %dma_wait3A_156 = tpu.memref_squeeze %dma_wait3A_155 : memref<1x32x128xf32, #tpu.memory_space<vmem>> -> memref<32x128xf32, #tpu.memory_space<vmem>>
      tpu.wait_dma2 semaphore(%run_scoped3A_134 : memref<!tpu.dma_semaphore, #tpu.memory_space<semaphore_mem>>) src(%dma_wait3A_156 : memref<32x128xf32, #tpu.memory_space<vmem>>) dst(%dma_wait3A_152 : memref<32x128xf32, #tpu.memory_space<vmem_shared>>)
      tpu.yield
    }) : () -> ()
    %mul3A_91 = arith.constant 640 : i32
    %mul3A_92 = arith.muli %arg1, %mul3A_91 : i32
    %add3A_93 = arith.constant 480 : i32
    %add3A_94 = arith.addi %mul3A_92, %add3A_93 : i32
    %run_scoped3A_95 = arith.constant 0 : i32
    "tpu.region"() ({
      %run_scoped3A_134 = tpu.sem_alloc : memref<!tpu.dma_semaphore, #tpu.memory_space<semaphore_mem>>
      %dma_start3A = arith.constant 0 : i32
      %dma_start3A_135 = arith.constant 0 : i32
      %dma_start3A_136 = tpu.memref_slice %arg17[%run_scoped3A_95, %dma_start3A, %dma_start3A_135] : memref<2x32x128xf32, #tpu.memory_space<vmem>> -> memref<1x32x128xf32, #tpu.memory_space<vmem>>
      %dma_start3A_137 = tpu.memref_squeeze %dma_start3A_136 : memref<1x32x128xf32, #tpu.memory_space<vmem>> -> memref<32x128xf32, #tpu.memory_space<vmem>>
      %dma_start3A_138 = arith.constant 0 : i32
      %dma_start3A_139 = tpu.memref_slice %arg25[%add3A_94, %dma_start3A_138] : memref<10240x128xf32, #tpu.memory_space<vmem_shared>> -> memref<32x128xf32, #tpu.memory_space<vmem_shared>>
      %dma_start3A_140 = arith.constant 0 : i32
      %dma_start3A_141 = tpu.memref_slice %arg25[%add3A_94, %dma_start3A_140] : memref<10240x128xf32, #tpu.memory_space<vmem_shared>> -> memref<32x128xf32, #tpu.memory_space<vmem_shared>>
      %dma_start3A_142 = arith.constant 0 : i32
      %dma_start3A_143 = arith.constant 0 : i32
      %dma_start3A_144 = tpu.memref_slice %arg17[%run_scoped3A_95, %dma_start3A_142, %dma_start3A_143] : memref<2x32x128xf32, #tpu.memory_space<vmem>> -> memref<1x32x128xf32, #tpu.memory_space<vmem>>
      %dma_start3A_145 = tpu.memref_squeeze %dma_start3A_144 : memref<1x32x128xf32, #tpu.memory_space<vmem>> -> memref<32x128xf32, #tpu.memory_space<vmem>>
      tpu.enqueue_dma source(%dma_start3A_145 : memref<32x128xf32, #tpu.memory_space<vmem>>) target(%dma_start3A_141 : memref<32x128xf32, #tpu.memory_space<vmem_shared>>) target_semaphore(%run_scoped3A_134 : memref<!tpu.dma_semaphore, #tpu.memory_space<semaphore_mem>>)
      %dma_wait3A = arith.constant 0 : i32
      %dma_wait3A_146 = arith.constant 0 : i32
      %dma_wait3A_147 = tpu.memref_slice %arg17[%run_scoped3A_95, %dma_wait3A, %dma_wait3A_146] : memref<2x32x128xf32, #tpu.memory_space<vmem>> -> memref<1x32x128xf32, #tpu.memory_space<vmem>>
      %dma_wait3A_148 = tpu.memref_squeeze %dma_wait3A_147 : memref<1x32x128xf32, #tpu.memory_space<vmem>> -> memref<32x128xf32, #tpu.memory_space<vmem>>
      %dma_wait3A_149 = arith.constant 0 : i32
      %dma_wait3A_150 = tpu.memref_slice %arg25[%add3A_94, %dma_wait3A_149] : memref<10240x128xf32, #tpu.memory_space<vmem_shared>> -> memref<32x128xf32, #tpu.memory_space<vmem_shared>>
      %dma_wait3A_151 = arith.constant 0 : i32
      %dma_wait3A_152 = tpu.memref_slice %arg25[%add3A_94, %dma_wait3A_151] : memref<10240x128xf32, #tpu.memory_space<vmem_shared>> -> memref<32x128xf32, #tpu.memory_space<vmem_shared>>
      %dma_wait3A_153 = arith.constant 0 : i32
      %dma_wait3A_154 = arith.constant 0 : i32
      %dma_wait3A_155 = tpu.memref_slice %arg17[%run_scoped3A_95, %dma_wait3A_153, %dma_wait3A_154] : memref<2x32x128xf32, #tpu.memory_space<vmem>> -> memref<1x32x128xf32, #tpu.memory_space<vmem>>
      %dma_wait3A_156 = tpu.memref_squeeze %dma_wait3A_155 : memref<1x32x128xf32, #tpu.memory_space<vmem>> -> memref<32x128xf32, #tpu.memory_space<vmem>>
      tpu.wait_dma2 semaphore(%run_scoped3A_134 : memref<!tpu.dma_semaphore, #tpu.memory_space<semaphore_mem>>) src(%dma_wait3A_156 : memref<32x128xf32, #tpu.memory_space<vmem>>) dst(%dma_wait3A_152 : memref<32x128xf32, #tpu.memory_space<vmem_shared>>)
      tpu.yield
    }) : () -> ()
    %mul3A_96 = arith.constant 640 : i32
    %mul3A_97 = arith.muli %arg1, %mul3A_96 : i32
    %add3A_98 = arith.constant 512 : i32
    %add3A_99 = arith.addi %mul3A_97, %add3A_98 : i32
    %run_scoped3A_100 = arith.constant 0 : i32
    "tpu.region"() ({
      %run_scoped3A_134 = tpu.sem_alloc : memref<!tpu.dma_semaphore, #tpu.memory_space<semaphore_mem>>
      %dma_start3A = arith.constant 0 : i32
      %dma_start3A_135 = arith.constant 0 : i32
      %dma_start3A_136 = tpu.memref_slice %arg17[%run_scoped3A_100, %dma_start3A, %dma_start3A_135] : memref<2x32x128xf32, #tpu.memory_space<vmem>> -> memref<1x32x128xf32, #tpu.memory_space<vmem>>
      %dma_start3A_137 = tpu.memref_squeeze %dma_start3A_136 : memref<1x32x128xf32, #tpu.memory_space<vmem>> -> memref<32x128xf32, #tpu.memory_space<vmem>>
      %dma_start3A_138 = arith.constant 0 : i32
      %dma_start3A_139 = tpu.memref_slice %arg25[%add3A_99, %dma_start3A_138] : memref<10240x128xf32, #tpu.memory_space<vmem_shared>> -> memref<32x128xf32, #tpu.memory_space<vmem_shared>>
      %dma_start3A_140 = arith.constant 0 : i32
      %dma_start3A_141 = tpu.memref_slice %arg25[%add3A_99, %dma_start3A_140] : memref<10240x128xf32, #tpu.memory_space<vmem_shared>> -> memref<32x128xf32, #tpu.memory_space<vmem_shared>>
      %dma_start3A_142 = arith.constant 0 : i32
      %dma_start3A_143 = arith.constant 0 : i32
      %dma_start3A_144 = tpu.memref_slice %arg17[%run_scoped3A_100, %dma_start3A_142, %dma_start3A_143] : memref<2x32x128xf32, #tpu.memory_space<vmem>> -> memref<1x32x128xf32, #tpu.memory_space<vmem>>
      %dma_start3A_145 = tpu.memref_squeeze %dma_start3A_144 : memref<1x32x128xf32, #tpu.memory_space<vmem>> -> memref<32x128xf32, #tpu.memory_space<vmem>>
      tpu.enqueue_dma source(%dma_start3A_145 : memref<32x128xf32, #tpu.memory_space<vmem>>) target(%dma_start3A_141 : memref<32x128xf32, #tpu.memory_space<vmem_shared>>) target_semaphore(%run_scoped3A_134 : memref<!tpu.dma_semaphore, #tpu.memory_space<semaphore_mem>>)
      %dma_wait3A = arith.constant 0 : i32
      %dma_wait3A_146 = arith.constant 0 : i32
      %dma_wait3A_147 = tpu.memref_slice %arg17[%run_scoped3A_100, %dma_wait3A, %dma_wait3A_146] : memref<2x32x128xf32, #tpu.memory_space<vmem>> -> memref<1x32x128xf32, #tpu.memory_space<vmem>>
      %dma_wait3A_148 = tpu.memref_squeeze %dma_wait3A_147 : memref<1x32x128xf32, #tpu.memory_space<vmem>> -> memref<32x128xf32, #tpu.memory_space<vmem>>
      %dma_wait3A_149 = arith.constant 0 : i32
      %dma_wait3A_150 = tpu.memref_slice %arg25[%add3A_99, %dma_wait3A_149] : memref<10240x128xf32, #tpu.memory_space<vmem_shared>> -> memref<32x128xf32, #tpu.memory_space<vmem_shared>>
      %dma_wait3A_151 = arith.constant 0 : i32
      %dma_wait3A_152 = tpu.memref_slice %arg25[%add3A_99, %dma_wait3A_151] : memref<10240x128xf32, #tpu.memory_space<vmem_shared>> -> memref<32x128xf32, #tpu.memory_space<vmem_shared>>
      %dma_wait3A_153 = arith.constant 0 : i32
      %dma_wait3A_154 = arith.constant 0 : i32
      %dma_wait3A_155 = tpu.memref_slice %arg17[%run_scoped3A_100, %dma_wait3A_153, %dma_wait3A_154] : memref<2x32x128xf32, #tpu.memory_space<vmem>> -> memref<1x32x128xf32, #tpu.memory_space<vmem>>
      %dma_wait3A_156 = tpu.memref_squeeze %dma_wait3A_155 : memref<1x32x128xf32, #tpu.memory_space<vmem>> -> memref<32x128xf32, #tpu.memory_space<vmem>>
      tpu.wait_dma2 semaphore(%run_scoped3A_134 : memref<!tpu.dma_semaphore, #tpu.memory_space<semaphore_mem>>) src(%dma_wait3A_156 : memref<32x128xf32, #tpu.memory_space<vmem>>) dst(%dma_wait3A_152 : memref<32x128xf32, #tpu.memory_space<vmem_shared>>)
      tpu.yield
    }) : () -> ()
    %mul3A_101 = arith.constant 640 : i32
    %mul3A_102 = arith.muli %arg1, %mul3A_101 : i32
    %add3A_103 = arith.constant 544 : i32
    %add3A_104 = arith.addi %mul3A_102, %add3A_103 : i32
    %run_scoped3A_105 = arith.constant 0 : i32
    "tpu.region"() ({
      %run_scoped3A_134 = tpu.sem_alloc : memref<!tpu.dma_semaphore, #tpu.memory_space<semaphore_mem>>
      %dma_start3A = arith.constant 0 : i32
      %dma_start3A_135 = arith.constant 0 : i32
      %dma_start3A_136 = tpu.memref_slice %arg17[%run_scoped3A_105, %dma_start3A, %dma_start3A_135] : memref<2x32x128xf32, #tpu.memory_space<vmem>> -> memref<1x32x128xf32, #tpu.memory_space<vmem>>
      %dma_start3A_137 = tpu.memref_squeeze %dma_start3A_136 : memref<1x32x128xf32, #tpu.memory_space<vmem>> -> memref<32x128xf32, #tpu.memory_space<vmem>>
      %dma_start3A_138 = arith.constant 0 : i32
      %dma_start3A_139 = tpu.memref_slice %arg25[%add3A_104, %dma_start3A_138] : memref<10240x128xf32, #tpu.memory_space<vmem_shared>> -> memref<32x128xf32, #tpu.memory_space<vmem_shared>>
      %dma_start3A_140 = arith.constant 0 : i32
      %dma_start3A_141 = tpu.memref_slice %arg25[%add3A_104, %dma_start3A_140] : memref<10240x128xf32, #tpu.memory_space<vmem_shared>> -> memref<32x128xf32, #tpu.memory_space<vmem_shared>>
      %dma_start3A_142 = arith.constant 0 : i32
      %dma_start3A_143 = arith.constant 0 : i32
      %dma_start3A_144 = tpu.memref_slice %arg17[%run_scoped3A_105, %dma_start3A_142, %dma_start3A_143] : memref<2x32x128xf32, #tpu.memory_space<vmem>> -> memref<1x32x128xf32, #tpu.memory_space<vmem>>
      %dma_start3A_145 = tpu.memref_squeeze %dma_start3A_144 : memref<1x32x128xf32, #tpu.memory_space<vmem>> -> memref<32x128xf32, #tpu.memory_space<vmem>>
      tpu.enqueue_dma source(%dma_start3A_145 : memref<32x128xf32, #tpu.memory_space<vmem>>) target(%dma_start3A_141 : memref<32x128xf32, #tpu.memory_space<vmem_shared>>) target_semaphore(%run_scoped3A_134 : memref<!tpu.dma_semaphore, #tpu.memory_space<semaphore_mem>>)
      %dma_wait3A = arith.constant 0 : i32
      %dma_wait3A_146 = arith.constant 0 : i32
      %dma_wait3A_147 = tpu.memref_slice %arg17[%run_scoped3A_105, %dma_wait3A, %dma_wait3A_146] : memref<2x32x128xf32, #tpu.memory_space<vmem>> -> memref<1x32x128xf32, #tpu.memory_space<vmem>>
      %dma_wait3A_148 = tpu.memref_squeeze %dma_wait3A_147 : memref<1x32x128xf32, #tpu.memory_space<vmem>> -> memref<32x128xf32, #tpu.memory_space<vmem>>
      %dma_wait3A_149 = arith.constant 0 : i32
      %dma_wait3A_150 = tpu.memref_slice %arg25[%add3A_104, %dma_wait3A_149] : memref<10240x128xf32, #tpu.memory_space<vmem_shared>> -> memref<32x128xf32, #tpu.memory_space<vmem_shared>>
      %dma_wait3A_151 = arith.constant 0 : i32
      %dma_wait3A_152 = tpu.memref_slice %arg25[%add3A_104, %dma_wait3A_151] : memref<10240x128xf32, #tpu.memory_space<vmem_shared>> -> memref<32x128xf32, #tpu.memory_space<vmem_shared>>
      %dma_wait3A_153 = arith.constant 0 : i32
      %dma_wait3A_154 = arith.constant 0 : i32
      %dma_wait3A_155 = tpu.memref_slice %arg17[%run_scoped3A_105, %dma_wait3A_153, %dma_wait3A_154] : memref<2x32x128xf32, #tpu.memory_space<vmem>> -> memref<1x32x128xf32, #tpu.memory_space<vmem>>
      %dma_wait3A_156 = tpu.memref_squeeze %dma_wait3A_155 : memref<1x32x128xf32, #tpu.memory_space<vmem>> -> memref<32x128xf32, #tpu.memory_space<vmem>>
      tpu.wait_dma2 semaphore(%run_scoped3A_134 : memref<!tpu.dma_semaphore, #tpu.memory_space<semaphore_mem>>) src(%dma_wait3A_156 : memref<32x128xf32, #tpu.memory_space<vmem>>) dst(%dma_wait3A_152 : memref<32x128xf32, #tpu.memory_space<vmem_shared>>)
      tpu.yield
    }) : () -> ()
    %mul3A_106 = arith.constant 640 : i32
    %mul3A_107 = arith.muli %arg1, %mul3A_106 : i32
    %add3A_108 = arith.constant 576 : i32
    %add3A_109 = arith.addi %mul3A_107, %add3A_108 : i32
    %run_scoped3A_110 = arith.constant 0 : i32
    "tpu.region"() ({
      %run_scoped3A_134 = tpu.sem_alloc : memref<!tpu.dma_semaphore, #tpu.memory_space<semaphore_mem>>
      %dma_start3A = arith.constant 0 : i32
      %dma_start3A_135 = arith.constant 0 : i32
      %dma_start3A_136 = tpu.memref_slice %arg17[%run_scoped3A_110, %dma_start3A, %dma_start3A_135] : memref<2x32x128xf32, #tpu.memory_space<vmem>> -> memref<1x32x128xf32, #tpu.memory_space<vmem>>
      %dma_start3A_137 = tpu.memref_squeeze %dma_start3A_136 : memref<1x32x128xf32, #tpu.memory_space<vmem>> -> memref<32x128xf32, #tpu.memory_space<vmem>>
      %dma_start3A_138 = arith.constant 0 : i32
      %dma_start3A_139 = tpu.memref_slice %arg25[%add3A_109, %dma_start3A_138] : memref<10240x128xf32, #tpu.memory_space<vmem_shared>> -> memref<32x128xf32, #tpu.memory_space<vmem_shared>>
      %dma_start3A_140 = arith.constant 0 : i32
      %dma_start3A_141 = tpu.memref_slice %arg25[%add3A_109, %dma_start3A_140] : memref<10240x128xf32, #tpu.memory_space<vmem_shared>> -> memref<32x128xf32, #tpu.memory_space<vmem_shared>>
      %dma_start3A_142 = arith.constant 0 : i32
      %dma_start3A_143 = arith.constant 0 : i32
      %dma_start3A_144 = tpu.memref_slice %arg17[%run_scoped3A_110, %dma_start3A_142, %dma_start3A_143] : memref<2x32x128xf32, #tpu.memory_space<vmem>> -> memref<1x32x128xf32, #tpu.memory_space<vmem>>
      %dma_start3A_145 = tpu.memref_squeeze %dma_start3A_144 : memref<1x32x128xf32, #tpu.memory_space<vmem>> -> memref<32x128xf32, #tpu.memory_space<vmem>>
      tpu.enqueue_dma source(%dma_start3A_145 : memref<32x128xf32, #tpu.memory_space<vmem>>) target(%dma_start3A_141 : memref<32x128xf32, #tpu.memory_space<vmem_shared>>) target_semaphore(%run_scoped3A_134 : memref<!tpu.dma_semaphore, #tpu.memory_space<semaphore_mem>>)
      %dma_wait3A = arith.constant 0 : i32
      %dma_wait3A_146 = arith.constant 0 : i32
      %dma_wait3A_147 = tpu.memref_slice %arg17[%run_scoped3A_110, %dma_wait3A, %dma_wait3A_146] : memref<2x32x128xf32, #tpu.memory_space<vmem>> -> memref<1x32x128xf32, #tpu.memory_space<vmem>>
      %dma_wait3A_148 = tpu.memref_squeeze %dma_wait3A_147 : memref<1x32x128xf32, #tpu.memory_space<vmem>> -> memref<32x128xf32, #tpu.memory_space<vmem>>
      %dma_wait3A_149 = arith.constant 0 : i32
      %dma_wait3A_150 = tpu.memref_slice %arg25[%add3A_109, %dma_wait3A_149] : memref<10240x128xf32, #tpu.memory_space<vmem_shared>> -> memref<32x128xf32, #tpu.memory_space<vmem_shared>>
      %dma_wait3A_151 = arith.constant 0 : i32
      %dma_wait3A_152 = tpu.memref_slice %arg25[%add3A_109, %dma_wait3A_151] : memref<10240x128xf32, #tpu.memory_space<vmem_shared>> -> memref<32x128xf32, #tpu.memory_space<vmem_shared>>
      %dma_wait3A_153 = arith.constant 0 : i32
      %dma_wait3A_154 = arith.constant 0 : i32
      %dma_wait3A_155 = tpu.memref_slice %arg17[%run_scoped3A_110, %dma_wait3A_153, %dma_wait3A_154] : memref<2x32x128xf32, #tpu.memory_space<vmem>> -> memref<1x32x128xf32, #tpu.memory_space<vmem>>
      %dma_wait3A_156 = tpu.memref_squeeze %dma_wait3A_155 : memref<1x32x128xf32, #tpu.memory_space<vmem>> -> memref<32x128xf32, #tpu.memory_space<vmem>>
      tpu.wait_dma2 semaphore(%run_scoped3A_134 : memref<!tpu.dma_semaphore, #tpu.memory_space<semaphore_mem>>) src(%dma_wait3A_156 : memref<32x128xf32, #tpu.memory_space<vmem>>) dst(%dma_wait3A_152 : memref<32x128xf32, #tpu.memory_space<vmem_shared>>)
      tpu.yield
    }) : () -> ()
    %mul3A_111 = arith.constant 640 : i32
    %mul3A_112 = arith.muli %arg1, %mul3A_111 : i32
    %add3A_113 = arith.constant 608 : i32
    %add3A_114 = arith.addi %mul3A_112, %add3A_113 : i32
    %run_scoped3A_115 = arith.constant 0 : i32
    "tpu.region"() ({
      %run_scoped3A_134 = tpu.sem_alloc : memref<!tpu.dma_semaphore, #tpu.memory_space<semaphore_mem>>
      %dma_start3A = arith.constant 0 : i32
      %dma_start3A_135 = arith.constant 0 : i32
      %dma_start3A_136 = tpu.memref_slice %arg17[%run_scoped3A_115, %dma_start3A, %dma_start3A_135] : memref<2x32x128xf32, #tpu.memory_space<vmem>> -> memref<1x32x128xf32, #tpu.memory_space<vmem>>
      %dma_start3A_137 = tpu.memref_squeeze %dma_start3A_136 : memref<1x32x128xf32, #tpu.memory_space<vmem>> -> memref<32x128xf32, #tpu.memory_space<vmem>>
      %dma_start3A_138 = arith.constant 0 : i32
      %dma_start3A_139 = tpu.memref_slice %arg25[%add3A_114, %dma_start3A_138] : memref<10240x128xf32, #tpu.memory_space<vmem_shared>> -> memref<32x128xf32, #tpu.memory_space<vmem_shared>>
      %dma_start3A_140 = arith.constant 0 : i32
      %dma_start3A_141 = tpu.memref_slice %arg25[%add3A_114, %dma_start3A_140] : memref<10240x128xf32, #tpu.memory_space<vmem_shared>> -> memref<32x128xf32, #tpu.memory_space<vmem_shared>>
      %dma_start3A_142 = arith.constant 0 : i32
      %dma_start3A_143 = arith.constant 0 : i32
      %dma_start3A_144 = tpu.memref_slice %arg17[%run_scoped3A_115, %dma_start3A_142, %dma_start3A_143] : memref<2x32x128xf32, #tpu.memory_space<vmem>> -> memref<1x32x128xf32, #tpu.memory_space<vmem>>
      %dma_start3A_145 = tpu.memref_squeeze %dma_start3A_144 : memref<1x32x128xf32, #tpu.memory_space<vmem>> -> memref<32x128xf32, #tpu.memory_space<vmem>>
      tpu.enqueue_dma source(%dma_start3A_145 : memref<32x128xf32, #tpu.memory_space<vmem>>) target(%dma_start3A_141 : memref<32x128xf32, #tpu.memory_space<vmem_shared>>) target_semaphore(%run_scoped3A_134 : memref<!tpu.dma_semaphore, #tpu.memory_space<semaphore_mem>>)
      %dma_wait3A = arith.constant 0 : i32
      %dma_wait3A_146 = arith.constant 0 : i32
      %dma_wait3A_147 = tpu.memref_slice %arg17[%run_scoped3A_115, %dma_wait3A, %dma_wait3A_146] : memref<2x32x128xf32, #tpu.memory_space<vmem>> -> memref<1x32x128xf32, #tpu.memory_space<vmem>>
      %dma_wait3A_148 = tpu.memref_squeeze %dma_wait3A_147 : memref<1x32x128xf32, #tpu.memory_space<vmem>> -> memref<32x128xf32, #tpu.memory_space<vmem>>
      %dma_wait3A_149 = arith.constant 0 : i32
      %dma_wait3A_150 = tpu.memref_slice %arg25[%add3A_114, %dma_wait3A_149] : memref<10240x128xf32, #tpu.memory_space<vmem_shared>> -> memref<32x128xf32, #tpu.memory_space<vmem_shared>>
      %dma_wait3A_151 = arith.constant 0 : i32
      %dma_wait3A_152 = tpu.memref_slice %arg25[%add3A_114, %dma_wait3A_151] : memref<10240x128xf32, #tpu.memory_space<vmem_shared>> -> memref<32x128xf32, #tpu.memory_space<vmem_shared>>
      %dma_wait3A_153 = arith.constant 0 : i32
      %dma_wait3A_154 = arith.constant 0 : i32
      %dma_wait3A_155 = tpu.memref_slice %arg17[%run_scoped3A_115, %dma_wait3A_153, %dma_wait3A_154] : memref<2x32x128xf32, #tpu.memory_space<vmem>> -> memref<1x32x128xf32, #tpu.memory_space<vmem>>
      %dma_wait3A_156 = tpu.memref_squeeze %dma_wait3A_155 : memref<1x32x128xf32, #tpu.memory_space<vmem>> -> memref<32x128xf32, #tpu.memory_space<vmem>>
      tpu.wait_dma2 semaphore(%run_scoped3A_134 : memref<!tpu.dma_semaphore, #tpu.memory_space<semaphore_mem>>) src(%dma_wait3A_156 : memref<32x128xf32, #tpu.memory_space<vmem>>) dst(%dma_wait3A_152 : memref<32x128xf32, #tpu.memory_space<vmem_shared>>)
      tpu.yield
    }) : () -> ()
    %mul3A_116 = arith.constant 640 : i32
    %mul3A_117 = arith.muli %arg1, %mul3A_116 : i32
    "tpu.region"() ({
      %run_scoped3A_134 = tpu.sem_alloc : memref<!tpu.dma_semaphore, #tpu.memory_space<semaphore_mem>>
      %dma_start3A = tpu.memref_slice %arg26[%mul3A_117] : memref<10240xf32, #tpu.memory_space<vmem_shared>> -> memref<640xf32, #tpu.memory_space<vmem_shared>>
      %dma_start3A_135 = tpu.memref_slice %arg26[%mul3A_117] : memref<10240xf32, #tpu.memory_space<vmem_shared>> -> memref<640xf32, #tpu.memory_space<vmem_shared>>
      tpu.enqueue_dma source(%arg20 : memref<640xf32, #tpu.memory_space<vmem>>) target(%dma_start3A_135 : memref<640xf32, #tpu.memory_space<vmem_shared>>) target_semaphore(%run_scoped3A_134 : memref<!tpu.dma_semaphore, #tpu.memory_space<semaphore_mem>>)
      %dma_wait3A = tpu.memref_slice %arg26[%mul3A_117] : memref<10240xf32, #tpu.memory_space<vmem_shared>> -> memref<640xf32, #tpu.memory_space<vmem_shared>>
      %dma_wait3A_136 = tpu.memref_slice %arg26[%mul3A_117] : memref<10240xf32, #tpu.memory_space<vmem_shared>> -> memref<640xf32, #tpu.memory_space<vmem_shared>>
      tpu.wait_dma2 semaphore(%run_scoped3A_134 : memref<!tpu.dma_semaphore, #tpu.memory_space<semaphore_mem>>) src(%arg20 : memref<640xf32, #tpu.memory_space<vmem>>) dst(%dma_wait3A_136 : memref<640xf32, #tpu.memory_space<vmem_shared>>)
      tpu.yield
    }) : () -> ()
    "tpu.region"() ({
      %run_scoped3A_134 = tpu.sem_alloc : memref<!tpu.dma_semaphore, #tpu.memory_space<semaphore_mem>>
      tpu.enqueue_dma source(%arg6 : memref<32x128xf32, #tpu.memory_space<hbm>>) target(%arg15 : memref<32x128xf32, #tpu.memory_space<vmem>>) target_semaphore(%run_scoped3A_134 : memref<!tpu.dma_semaphore, #tpu.memory_space<semaphore_mem>>)
      tpu.wait_dma2 semaphore(%run_scoped3A_134 : memref<!tpu.dma_semaphore, #tpu.memory_space<semaphore_mem>>) src(%arg6 : memref<32x128xf32, #tpu.memory_space<hbm>>) dst(%arg15 : memref<32x128xf32, #tpu.memory_space<vmem>>)
      tpu.yield
    }) : () -> ()
    "tpu.region"() ({
      %run_scoped3A_134 = tpu.sem_alloc : memref<!tpu.dma_semaphore, #tpu.memory_space<semaphore_mem>>
      tpu.enqueue_dma source(%arg7 : memref<10240xf32, #tpu.memory_space<hbm>>) target(%arg19 : memref<10240xf32, #tpu.memory_space<vmem>>) target_semaphore(%run_scoped3A_134 : memref<!tpu.dma_semaphore, #tpu.memory_space<semaphore_mem>>)
      tpu.wait_dma2 semaphore(%run_scoped3A_134 : memref<!tpu.dma_semaphore, #tpu.memory_space<semaphore_mem>>) src(%arg7 : memref<10240xf32, #tpu.memory_space<hbm>>) dst(%arg19 : memref<10240xf32, #tpu.memory_space<vmem>>)
      tpu.yield
    }) : () -> ()
    %barrier3A = arith.constant 0 : index
    tpu.barrier barrier_id(%barrier3A)
    %scan3A_118 = arith.constant 0 : i32
    %scan3A_119 = arith.constant 0 : i32
    %scan3A_120 = arith.constant 25 : i32
    %scan3A_121 = arith.addi %scan3A_119, %scan3A_120 : i32
    %scan3A_122 = arith.constant 1 : i32
    %scan3A_123 = scf.for %scan3A_134 = %scan3A_119 to %scan3A_121 step %scan3A_122 iter_args(%scan3A_135 = %scan3A_118) -> (i32)  : i32 {
      %mul3A_136 = arith.constant 800 : i32
      %mul3A_137 = arith.muli %scan3A_134, %mul3A_136 : i32
      %add3A_138 = arith.addi %mul3A_2, %mul3A_137 : i32
      "tpu.region"() ({
        %run_scoped3A_209 = tpu.sem_alloc : memref<!tpu.dma_semaphore, #tpu.memory_space<semaphore_mem>>
        %dma_start3A_210 = tpu.memref_slice %arg3[%add3A_138] : memref<320000xi32, #tpu.memory_space<hbm>> -> memref<800xi32, #tpu.memory_space<hbm>>
        %dma_start3A_211 = tpu.memref_slice %arg3[%add3A_138] : memref<320000xi32, #tpu.memory_space<hbm>> -> memref<800xi32, #tpu.memory_space<hbm>>
        tpu.enqueue_dma source(%dma_start3A_211 : memref<800xi32, #tpu.memory_space<hbm>>) target(%arg10 : memref<800xi32, #tpu.memory_space<vmem>>) target_semaphore(%run_scoped3A_209 : memref<!tpu.dma_semaphore, #tpu.memory_space<semaphore_mem>>)
        %dma_wait3A_212 = tpu.memref_slice %arg3[%add3A_138] : memref<320000xi32, #tpu.memory_space<hbm>> -> memref<800xi32, #tpu.memory_space<hbm>>
        %dma_wait3A_213 = tpu.memref_slice %arg3[%add3A_138] : memref<320000xi32, #tpu.memory_space<hbm>> -> memref<800xi32, #tpu.memory_space<hbm>>
        tpu.wait_dma2 semaphore(%run_scoped3A_209 : memref<!tpu.dma_semaphore, #tpu.memory_space<semaphore_mem>>) src(%dma_wait3A_213 : memref<800xi32, #tpu.memory_space<hbm>>) dst(%arg10 : memref<800xi32, #tpu.memory_space<vmem>>)
        tpu.yield
      }) : () -> ()
      "tpu.region"() ({
        %run_scoped3A_209 = tpu.sem_alloc : memref<!tpu.dma_semaphore, #tpu.memory_space<semaphore_mem>>
        %dma_start3A_210 = tpu.memref_slice %arg4[%add3A_138] : memref<320000xi32, #tpu.memory_space<hbm>> -> memref<800xi32, #tpu.memory_space<hbm>>
        %dma_start3A_211 = tpu.memref_slice %arg4[%add3A_138] : memref<320000xi32, #tpu.memory_space<hbm>> -> memref<800xi32, #tpu.memory_space<hbm>>
        tpu.enqueue_dma source(%dma_start3A_211 : memref<800xi32, #tpu.memory_space<hbm>>) target(%arg11 : memref<800xi32, #tpu.memory_space<vmem>>) target_semaphore(%run_scoped3A_209 : memref<!tpu.dma_semaphore, #tpu.memory_space<semaphore_mem>>)
        %dma_wait3A_212 = tpu.memref_slice %arg4[%add3A_138] : memref<320000xi32, #tpu.memory_space<hbm>> -> memref<800xi32, #tpu.memory_space<hbm>>
        %dma_wait3A_213 = tpu.memref_slice %arg4[%add3A_138] : memref<320000xi32, #tpu.memory_space<hbm>> -> memref<800xi32, #tpu.memory_space<hbm>>
        tpu.wait_dma2 semaphore(%run_scoped3A_209 : memref<!tpu.dma_semaphore, #tpu.memory_space<semaphore_mem>>) src(%dma_wait3A_213 : memref<800xi32, #tpu.memory_space<hbm>>) dst(%arg11 : memref<800xi32, #tpu.memory_space<vmem>>)
        tpu.yield
      }) : () -> ()
      "tpu.region"() ({
        %run_scoped3A_209 = tpu.sem_alloc : memref<!tpu.dma_semaphore, #tpu.memory_space<semaphore_mem>>
        %dma_start3A_210 = tpu.memref_slice %arg5[%add3A_138] : memref<320000xi32, #tpu.memory_space<hbm>> -> memref<800xi32, #tpu.memory_space<hbm>>
        %dma_start3A_211 = tpu.memref_slice %arg5[%add3A_138] : memref<320000xi32, #tpu.memory_space<hbm>> -> memref<800xi32, #tpu.memory_space<hbm>>
        tpu.enqueue_dma source(%dma_start3A_211 : memref<800xi32, #tpu.memory_space<hbm>>) target(%arg12 : memref<800xi32, #tpu.memory_space<vmem>>) target_semaphore(%run_scoped3A_209 : memref<!tpu.dma_semaphore, #tpu.memory_space<semaphore_mem>>)
        %dma_wait3A_212 = tpu.memref_slice %arg5[%add3A_138] : memref<320000xi32, #tpu.memory_space<hbm>> -> memref<800xi32, #tpu.memory_space<hbm>>
        %dma_wait3A_213 = tpu.memref_slice %arg5[%add3A_138] : memref<320000xi32, #tpu.memory_space<hbm>> -> memref<800xi32, #tpu.memory_space<hbm>>
        tpu.wait_dma2 semaphore(%run_scoped3A_209 : memref<!tpu.dma_semaphore, #tpu.memory_space<semaphore_mem>>) src(%dma_wait3A_213 : memref<800xi32, #tpu.memory_space<hbm>>) dst(%arg12 : memref<800xi32, #tpu.memory_space<vmem>>)
        tpu.yield
      }) : () -> ()
      %get3A = arith.constant 0 : index
      %get3A_139 = tpu.vector_load %arg10[%get3A] {strides = array<i32>} : memref<800xi32, #tpu.memory_space<vmem>>, vector<16xi32>,
      %get3A_140 = arith.constant 0 : index
      %get3A_141 = tpu.vector_load %arg11[%get3A_140] {strides = array<i32>} : memref<800xi32, #tpu.memory_space<vmem>>, vector<16xi32>,
      %swap3A = arith.constant 0 : i32
      %swap3A_142 = arith.index_cast %swap3A : i32 to index
      %swap3A_143 = arith.constant 0 : index
      %swap3A_144 = tpu.vector_load %arg13[%swap3A_142, %swap3A_143] {strides = array<i32>} : memref<2x64xi32, #tpu.memory_space<vmem>>, vector<16xi32>,
      tpu.vector_store %arg13[%swap3A_142, %swap3A_143], %get3A_139 {strides = array<i32>} : memref<2x64xi32, #tpu.memory_space<vmem>>, vector<16xi32>,
      %swap3A_145 = arith.constant 0 : i32
      %swap3A_146 = arith.index_cast %swap3A_145 : i32 to index
      %swap3A_147 = arith.constant 32 : index
      %swap3A_148 = tpu.vector_load %arg13[%swap3A_146, %swap3A_147] {strides = array<i32>} : memref<2x64xi32, #tpu.memory_space<vmem>>, vector<16xi32>,
      tpu.vector_store %arg13[%swap3A_146, %swap3A_147], %get3A_141 {strides = array<i32>} : memref<2x64xi32, #tpu.memory_space<vmem>>, vector<16xi32>,
      %swap3A_149 = arith.constant 0 : i32
      %swap3A_150 = arith.index_cast %swap3A_149 : i32 to index
      %swap3A_151 = arith.constant 0 : index
      %swap3A_152 = tpu.vector_load %arg14[%swap3A_150, %swap3A_151] {strides = array<i32>} : memref<2x32xi32, #tpu.memory_space<vmem>>, vector<16xi32>,
      tpu.vector_store %arg14[%swap3A_150, %swap3A_151], %get3A_141 {strides = array<i32>} : memref<2x32xi32, #tpu.memory_space<vmem>>, vector<16xi32>,
      %get3A_153 = arith.constant 16 : index
      %get3A_154 = tpu.vector_load %arg10[%get3A_153] {strides = array<i32>} : memref<800xi32, #tpu.memory_space<vmem>>, vector<16xi32>,
      %get3A_155 = arith.constant 16 : index
      %get3A_156 = tpu.vector_load %arg11[%get3A_155] {strides = array<i32>} : memref<800xi32, #tpu.memory_space<vmem>>, vector<16xi32>,
      %swap3A_157 = arith.constant 0 : i32
      %swap3A_158 = arith.index_cast %swap3A_157 : i32 to index
      %swap3A_159 = arith.constant 16 : index
      %swap3A_160 = tpu.vector_load %arg13[%swap3A_158, %swap3A_159] {strides = array<i32>} : memref<2x64xi32, #tpu.memory_space<vmem>>, vector<16xi32>,
      tpu.vector_store %arg13[%swap3A_158, %swap3A_159], %get3A_154 {strides = array<i32>} : memref<2x64xi32, #tpu.memory_space<vmem>>, vector<16xi32>,
      %swap3A_161 = arith.constant 0 : i32
      %swap3A_162 = arith.index_cast %swap3A_161 : i32 to index
      %swap3A_163 = arith.constant 48 : index
      %swap3A_164 = tpu.vector_load %arg13[%swap3A_162, %swap3A_163] {strides = array<i32>} : memref<2x64xi32, #tpu.memory_space<vmem>>, vector<16xi32>,
      tpu.vector_store %arg13[%swap3A_162, %swap3A_163], %get3A_156 {strides = array<i32>} : memref<2x64xi32, #tpu.memory_space<vmem>>, vector<16xi32>,
      %swap3A_165 = arith.constant 0 : i32
      %swap3A_166 = arith.index_cast %swap3A_165 : i32 to index
      %swap3A_167 = arith.constant 16 : index
      %swap3A_168 = tpu.vector_load %arg14[%swap3A_166, %swap3A_167] {strides = array<i32>} : memref<2x32xi32, #tpu.memory_space<vmem>>, vector<16xi32>,
      tpu.vector_store %arg14[%swap3A_166, %swap3A_167], %get3A_156 {strides = array<i32>} : memref<2x32xi32, #tpu.memory_space<vmem>>, vector<16xi32>,
      %dma_start3A = arith.constant 0 : i32
      %dma_start3A_169 = arith.constant 0 : i32
      %dma_start3A_170 = arith.constant 0 : i32
      %dma_start3A_171 = arith.constant 0 : i32
      %dma_start3A_172 = tpu.memref_slice %arg16[%dma_start3A_169, %dma_start3A_170, %dma_start3A_171] : memref<2x64x128xf32, #tpu.memory_space<vmem>> -> memref<1x64x128xf32, #tpu.memory_space<vmem>>
      %dma_start3A_173 = tpu.memref_squeeze %dma_start3A_172 : memref<1x64x128xf32, #tpu.memory_space<vmem>> -> memref<64x128xf32, #tpu.memory_space<vmem>>
      %dma_start3A_174 = arith.constant 0 : i32
      %dma_start3A_175 = tpu.memref_slice %arg13[%dma_start3A, %dma_start3A_174] : memref<2x64xi32, #tpu.memory_space<vmem>> -> memref<1x64xi32, #tpu.memory_space<vmem>>
      %dma_start3A_176 = tpu.memref_squeeze %dma_start3A_175 : memref<1x64xi32, #tpu.memory_space<vmem>> -> memref<64xi32, #tpu.memory_space<vmem>>
      %dma_start3A_177 = arith.constant 0 : i32
      %dma_start3A_178 = arith.constant 0 : i32
      %dma_start3A_179 = tpu.memref_slice %arg2[%dma_start3A_177, %dma_start3A_178] : memref<10000x128xf32, #tpu.memory_space<hbm>> -> memref<10000x128xf32, #tpu.memory_space<hbm>>
      tpu.enqueue_indirect_dma source(%dma_start3A_179 : memref<10000x128xf32, #tpu.memory_space<hbm>>) target(%dma_start3A_173 : memref<64x128xf32, #tpu.memory_space<vmem>>) offsets(%dma_start3A_176 : memref<64xi32, #tpu.memory_space<vmem>>) semaphore(%arg21 : memref<!tpu.dma_semaphore, #tpu.memory_space<semaphore_mem>>)
      %scan3A_180 = arith.constant 0 : i32
      %scan3A_181 = arith.constant 0 : i32
      %scan3A_182 = arith.constant 13 : i32
      %scan3A_183 = arith.addi %scan3A_181, %scan3A_182 : i32
      %scan3A_184 = arith.constant 1 : i32
      %scan3A_185 = scf.for %scan3A_209 = %scan3A_181 to %scan3A_183 step %scan3A_184 iter_args(%scan3A_210 = %scan3A_180) -> (i32)  : i32 {
        %mul3A_211 = arith.constant 2 : i32
        %mul3A_212 = arith.muli %scan3A_209, %mul3A_211 : i32
        %add3A_213 = arith.constant 0 : i32
        %add3A_214 = arith.addi %mul3A_212, %add3A_213 : i32
        %lt3A = arith.constant 25 : i32
        %lt3A_215 = arith.cmpi slt, %add3A_214, %lt3A : i32
        %convert_element_type3A = arith.extui %lt3A_215 : i1 to i32
        %cond3A = arith.constant 0 : i32
        %cond3A_216 = arith.cmpi ne, %convert_element_type3A, %cond3A : i32
        scf.if %cond3A_216 {
          %mul3A_227 = arith.constant 32 : i32
          %mul3A_228 = arith.muli %add3A_214, %mul3A_227 : i32
          %gt3A = arith.constant 0 : i32
          %gt3A_229 = arith.cmpi sgt, %add3A_214, %gt3A : i32
          %convert_element_type3A_230 = arith.extui %gt3A_229 : i1 to i32
          %cond3A_231 = arith.constant 0 : i32
          %cond3A_232 = arith.cmpi ne, %convert_element_type3A_230, %cond3A_231 : i32
          scf.if %cond3A_232 {
            %dma_wait3A_286 = arith.constant 1 : i32
            %dma_wait3A_287 = arith.constant 1 : i32
            %dma_wait3A_288 = arith.constant 0 : i32
            %dma_wait3A_289 = arith.constant 0 : i32
            %dma_wait3A_290 = tpu.memref_slice %arg17[%dma_wait3A_286, %dma_wait3A_288, %dma_wait3A_289] : memref<2x32x128xf32, #tpu.memory_space<vmem>> -> memref<1x32x128xf32, #tpu.memory_space<vmem>>
            %dma_wait3A_291 = tpu.memref_squeeze %dma_wait3A_290 : memref<1x32x128xf32, #tpu.memory_space<vmem>> -> memref<32x128xf32, #tpu.memory_space<vmem>>
            %dma_wait3A_292 = arith.constant 0 : i32
            %dma_wait3A_293 = tpu.memref_slice %arg14[%dma_wait3A_287, %dma_wait3A_292] : memref<2x32xi32, #tpu.memory_space<vmem>> -> memref<1x32xi32, #tpu.memory_space<vmem>>
            %dma_wait3A_294 = tpu.memref_squeeze %dma_wait3A_293 : memref<1x32xi32, #tpu.memory_space<vmem>> -> memref<32xi32, #tpu.memory_space<vmem>>
            %dma_wait3A_295 = arith.constant 0 : i32
            %dma_wait3A_296 = arith.constant 0 : i32
            %dma_wait3A_297 = tpu.memref_slice %arg25[%dma_wait3A_295, %dma_wait3A_296] : memref<10240x128xf32, #tpu.memory_space<vmem_shared>> -> memref<10240x128xf32, #tpu.memory_space<vmem_shared>>
            tpu.wait_indirect_dma semaphore(%arg24 : memref<!tpu.dma_semaphore, #tpu.memory_space<semaphore_mem>>) src(%dma_wait3A_291 : memref<32x128xf32, #tpu.memory_space<vmem>>) dst(%dma_wait3A_297 : memref<10240x128xf32, #tpu.memory_space<vmem_shared>>)
            %dma_wait3A_298 = arith.constant 1 : i32
            %dma_wait3A_299 = arith.constant 1 : i32
            %dma_wait3A_300 = arith.constant 0 : i32
            %dma_wait3A_301 = tpu.memref_slice %arg18[%dma_wait3A_298, %dma_wait3A_300] : memref<2x32xf32, #tpu.memory_space<vmem>> -> memref<1x32xf32, #tpu.memory_space<vmem>>
            %dma_wait3A_302 = tpu.memref_squeeze %dma_wait3A_301 : memref<1x32xf32, #tpu.memory_space<vmem>> -> memref<32xf32, #tpu.memory_space<vmem>>
            %dma_wait3A_303 = arith.constant 0 : i32
            %dma_wait3A_304 = tpu.memref_slice %arg14[%dma_wait3A_299, %dma_wait3A_303] : memref<2x32xi32, #tpu.memory_space<vmem>> -> memref<1x32xi32, #tpu.memory_space<vmem>>
            %dma_wait3A_305 = tpu.memref_squeeze %dma_wait3A_304 : memref<1x32xi32, #tpu.memory_space<vmem>> -> memref<32xi32, #tpu.memory_space<vmem>>
            %dma_wait3A_306 = arith.constant 0 : i32
            %dma_wait3A_307 = tpu.memref_slice %arg26[%dma_wait3A_306] : memref<10240xf32, #tpu.memory_space<vmem_shared>> -> memref<10240xf32, #tpu.memory_space<vmem_shared>>
            tpu.wait_indirect_dma semaphore(%arg24 : memref<!tpu.dma_semaphore, #tpu.memory_space<semaphore_mem>>) src(%dma_wait3A_302 : memref<32xf32, #tpu.memory_space<vmem>>) dst(%dma_wait3A_307 : memref<10240xf32, #tpu.memory_space<vmem_shared>>)
          } else {
          }
          %add3A_233 = arith.constant 1 : i32
          %add3A_234 = arith.addi %add3A_214, %add3A_233 : i32
          %lt3A_235 = arith.constant 25 : i32
          %lt3A_236 = arith.cmpi slt, %add3A_234, %lt3A_235 : i32
          %convert_element_type3A_237 = arith.extui %lt3A_236 : i1 to i32
          %cond3A_238 = arith.constant 0 : i32
          %cond3A_239 = arith.cmpi ne, %convert_element_type3A_237, %cond3A_238 : i32
          scf.if %cond3A_239 {
            %add3A_286 = arith.constant 32 : i32
            %add3A_287 = arith.addi %mul3A_228, %add3A_286 : i32
            %add3A_288 = arith.constant 0 : i32
            %add3A_289 = arith.addi %add3A_287, %add3A_288 : i32
            %get3A_290 = arith.index_cast %add3A_289 : i32 to index
            %get3A_291 = tpu.vector_load %arg10[%get3A_290] {strides = array<i32>} : memref<800xi32, #tpu.memory_space<vmem>>, vector<16xi32>,
            %add3A_292 = arith.constant 0 : i32
            %add3A_293 = arith.addi %add3A_287, %add3A_292 : i32
            %get3A_294 = arith.index_cast %add3A_293 : i32 to index
            %get3A_295 = tpu.vector_load %arg11[%get3A_294] {strides = array<i32>} : memref<800xi32, #tpu.memory_space<vmem>>, vector<16xi32>,
            %swap3A_296 = arith.constant 1 : i32
            %swap3A_297 = arith.index_cast %swap3A_296 : i32 to index
            %swap3A_298 = arith.constant 0 : index
            %swap3A_299 = tpu.vector_load %arg13[%swap3A_297, %swap3A_298] {strides = array<i32>} : memref<2x64xi32, #tpu.memory_space<vmem>>, vector<16xi32>,
            tpu.vector_store %arg13[%swap3A_297, %swap3A_298], %get3A_291 {strides = array<i32>} : memref<2x64xi32, #tpu.memory_space<vmem>>, vector<16xi32>,
            %swap3A_300 = arith.constant 1 : i32
            %swap3A_301 = arith.index_cast %swap3A_300 : i32 to index
            %swap3A_302 = arith.constant 32 : index
            %swap3A_303 = tpu.vector_load %arg13[%swap3A_301, %swap3A_302] {strides = array<i32>} : memref<2x64xi32, #tpu.memory_space<vmem>>, vector<16xi32>,
            tpu.vector_store %arg13[%swap3A_301, %swap3A_302], %get3A_295 {strides = array<i32>} : memref<2x64xi32, #tpu.memory_space<vmem>>, vector<16xi32>,
            %swap3A_304 = arith.constant 1 : i32
            %swap3A_305 = arith.index_cast %swap3A_304 : i32 to index
            %swap3A_306 = arith.constant 0 : index
            %swap3A_307 = tpu.vector_load %arg14[%swap3A_305, %swap3A_306] {strides = array<i32>} : memref<2x32xi32, #tpu.memory_space<vmem>>, vector<16xi32>,
            tpu.vector_store %arg14[%swap3A_305, %swap3A_306], %get3A_295 {strides = array<i32>} : memref<2x32xi32, #tpu.memory_space<vmem>>, vector<16xi32>,
            %add3A_308 = arith.constant 16 : i32
            %add3A_309 = arith.addi %add3A_287, %add3A_308 : i32
            %get3A_310 = arith.index_cast %add3A_309 : i32 to index
            %get3A_311 = tpu.vector_load %arg10[%get3A_310] {strides = array<i32>} : memref<800xi32, #tpu.memory_space<vmem>>, vector<16xi32>,
            %add3A_312 = arith.constant 16 : i32
            %add3A_313 = arith.addi %add3A_287, %add3A_312 : i32
            %get3A_314 = arith.index_cast %add3A_313 : i32 to index
            %get3A_315 = tpu.vector_load %arg11[%get3A_314] {strides = array<i32>} : memref<800xi32, #tpu.memory_space<vmem>>, vector<16xi32>,
            %swap3A_316 = arith.constant 1 : i32
            %swap3A_317 = arith.index_cast %swap3A_316 : i32 to index
            %swap3A_318 = arith.constant 16 : index
            %swap3A_319 = tpu.vector_load %arg13[%swap3A_317, %swap3A_318] {strides = array<i32>} : memref<2x64xi32, #tpu.memory_space<vmem>>, vector<16xi32>,
            tpu.vector_store %arg13[%swap3A_317, %swap3A_318], %get3A_311 {strides = array<i32>} : memref<2x64xi32, #tpu.memory_space<vmem>>, vector<16xi32>,
            %swap3A_320 = arith.constant 1 : i32
            %swap3A_321 = arith.index_cast %swap3A_320 : i32 to index
            %swap3A_322 = arith.constant 48 : index
            %swap3A_323 = tpu.vector_load %arg13[%swap3A_321, %swap3A_322] {strides = array<i32>} : memref<2x64xi32, #tpu.memory_space<vmem>>, vector<16xi32>,
            tpu.vector_store %arg13[%swap3A_321, %swap3A_322], %get3A_315 {strides = array<i32>} : memref<2x64xi32, #tpu.memory_space<vmem>>, vector<16xi32>,
            %swap3A_324 = arith.constant 1 : i32
            %swap3A_325 = arith.index_cast %swap3A_324 : i32 to index
            %swap3A_326 = arith.constant 16 : index
            %swap3A_327 = tpu.vector_load %arg14[%swap3A_325, %swap3A_326] {strides = array<i32>} : memref<2x32xi32, #tpu.memory_space<vmem>>, vector<16xi32>,
            tpu.vector_store %arg14[%swap3A_325, %swap3A_326], %get3A_315 {strides = array<i32>} : memref<2x32xi32, #tpu.memory_space<vmem>>, vector<16xi32>,
            %dma_start3A_328 = arith.constant 1 : i32
            %dma_start3A_329 = arith.constant 1 : i32
            %dma_start3A_330 = arith.constant 0 : i32
            %dma_start3A_331 = arith.constant 0 : i32
            %dma_start3A_332 = tpu.memref_slice %arg16[%dma_start3A_329, %dma_start3A_330, %dma_start3A_331] : memref<2x64x128xf32, #tpu.memory_space<vmem>> -> memref<1x64x128xf32, #tpu.memory_space<vmem>>
            %dma_start3A_333 = tpu.memref_squeeze %dma_start3A_332 : memref<1x64x128xf32, #tpu.memory_space<vmem>> -> memref<64x128xf32, #tpu.memory_space<vmem>>
            %dma_start3A_334 = arith.constant 0 : i32
            %dma_start3A_335 = tpu.memref_slice %arg13[%dma_start3A_328, %dma_start3A_334] : memref<2x64xi32, #tpu.memory_space<vmem>> -> memref<1x64xi32, #tpu.memory_space<vmem>>
            %dma_start3A_336 = tpu.memref_squeeze %dma_start3A_335 : memref<1x64xi32, #tpu.memory_space<vmem>> -> memref<64xi32, #tpu.memory_space<vmem>>
            %dma_start3A_337 = arith.constant 0 : i32
            %dma_start3A_338 = arith.constant 0 : i32
            %dma_start3A_339 = tpu.memref_slice %arg2[%dma_start3A_337, %dma_start3A_338] : memref<10000x128xf32, #tpu.memory_space<hbm>> -> memref<10000x128xf32, #tpu.memory_space<hbm>>
            tpu.enqueue_indirect_dma source(%dma_start3A_339 : memref<10000x128xf32, #tpu.memory_space<hbm>>) target(%dma_start3A_333 : memref<64x128xf32, #tpu.memory_space<vmem>>) offsets(%dma_start3A_336 : memref<64xi32, #tpu.memory_space<vmem>>) semaphore(%arg22 : memref<!tpu.dma_semaphore, #tpu.memory_space<semaphore_mem>>)
          } else {
          }
          %dma_wait3A_240 = arith.constant 0 : i32
          %dma_wait3A_241 = arith.constant 0 : i32
          %dma_wait3A_242 = arith.constant 0 : i32
          %dma_wait3A_243 = arith.constant 0 : i32
          %dma_wait3A_244 = tpu.memref_slice %arg16[%dma_wait3A_241, %dma_wait3A_242, %dma_wait3A_243] : memref<2x64x128xf32, #tpu.memory_space<vmem>> -> memref<1x64x128xf32, #tpu.memory_space<vmem>>
          %dma_wait3A_245 = tpu.memref_squeeze %dma_wait3A_244 : memref<1x64x128xf32, #tpu.memory_space<vmem>> -> memref<64x128xf32, #tpu.memory_space<vmem>>
          %dma_wait3A_246 = arith.constant 0 : i32
          %dma_wait3A_247 = tpu.memref_slice %arg13[%dma_wait3A_240, %dma_wait3A_246] : memref<2x64xi32, #tpu.memory_space<vmem>> -> memref<1x64xi32, #tpu.memory_space<vmem>>
          %dma_wait3A_248 = tpu.memref_squeeze %dma_wait3A_247 : memref<1x64xi32, #tpu.memory_space<vmem>> -> memref<64xi32, #tpu.memory_space<vmem>>
          %dma_wait3A_249 = arith.constant 0 : i32
          %dma_wait3A_250 = arith.constant 0 : i32
          %dma_wait3A_251 = tpu.memref_slice %arg2[%dma_wait3A_249, %dma_wait3A_250] : memref<10000x128xf32, #tpu.memory_space<hbm>> -> memref<10000x128xf32, #tpu.memory_space<hbm>>
          tpu.wait_indirect_dma semaphore(%arg21 : memref<!tpu.dma_semaphore, #tpu.memory_space<semaphore_mem>>) src(%dma_wait3A_251 : memref<10000x128xf32, #tpu.memory_space<hbm>>) dst(%dma_wait3A_245 : memref<64x128xf32, #tpu.memory_space<vmem>>)
          %broadcast_in_dim3A_252 = arith.constant 1.000000e+00 : f32
          %broadcast_in_dim3A_253 = vector.broadcast %broadcast_in_dim3A_252 : f32 to vector<16xf32>
          %swap3A_254 = arith.constant 0 : i32
          %swap3A_255 = arith.index_cast %swap3A_254 : i32 to index
          %swap3A_256 = arith.constant 0 : index
          %swap3A_257 = tpu.vector_load %arg18[%swap3A_255, %swap3A_256] {strides = array<i32>} : memref<2x32xf32, #tpu.memory_space<vmem>>, vector<16xf32>,
          tpu.vector_store %arg18[%swap3A_255, %swap3A_256], %broadcast_in_dim3A_253 {strides = array<i32>} : memref<2x32xf32, #tpu.memory_space<vmem>>, vector<16xf32>,
          %broadcast_in_dim3A_258 = arith.constant 1.000000e+00 : f32
          %broadcast_in_dim3A_259 = vector.broadcast %broadcast_in_dim3A_258 : f32 to vector<16xf32>
          %swap3A_260 = arith.constant 0 : i32
          %swap3A_261 = arith.index_cast %swap3A_260 : i32 to index
          %swap3A_262 = arith.constant 16 : index
          %swap3A_263 = tpu.vector_load %arg18[%swap3A_261, %swap3A_262] {strides = array<i32>} : memref<2x32xf32, #tpu.memory_space<vmem>>, vector<16xf32>,
          tpu.vector_store %arg18[%swap3A_261, %swap3A_262], %broadcast_in_dim3A_259 {strides = array<i32>} : memref<2x32xf32, #tpu.memory_space<vmem>>, vector<16xf32>,
          %dma_start3A_264 = arith.constant 0 : i32
          %dma_start3A_265 = arith.constant 0 : i32
          %dma_start3A_266 = arith.constant 0 : i32
          %dma_start3A_267 = arith.constant 0 : i32
          %dma_start3A_268 = tpu.memref_slice %arg17[%dma_start3A_264, %dma_start3A_266, %dma_start3A_267] : memref<2x32x128xf32, #tpu.memory_space<vmem>> -> memref<1x32x128xf32, #tpu.memory_space<vmem>>
          %dma_start3A_269 = tpu.memref_squeeze %dma_start3A_268 : memref<1x32x128xf32, #tpu.memory_space<vmem>> -> memref<32x128xf32, #tpu.memory_space<vmem>>
          %dma_start3A_270 = arith.constant 0 : i32
          %dma_start3A_271 = tpu.memref_slice %arg14[%dma_start3A_265, %dma_start3A_270] : memref<2x32xi32, #tpu.memory_space<vmem>> -> memref<1x32xi32, #tpu.memory_space<vmem>>
          %dma_start3A_272 = tpu.memref_squeeze %dma_start3A_271 : memref<1x32xi32, #tpu.memory_space<vmem>> -> memref<32xi32, #tpu.memory_space<vmem>>
          %dma_start3A_273 = arith.constant 0 : i32
          %dma_start3A_274 = arith.constant 0 : i32
          %dma_start3A_275 = tpu.memref_slice %arg25[%dma_start3A_273, %dma_start3A_274] : memref<10240x128xf32, #tpu.memory_space<vmem_shared>> -> memref<10240x128xf32, #tpu.memory_space<vmem_shared>>
          tpu.enqueue_indirect_dma source(%dma_start3A_269 : memref<32x128xf32, #tpu.memory_space<vmem>>) target(%dma_start3A_275 : memref<10240x128xf32, #tpu.memory_space<vmem_shared>>) offsets(%dma_start3A_272 : memref<32xi32, #tpu.memory_space<vmem>>) semaphore(%arg23 : memref<!tpu.dma_semaphore, #tpu.memory_space<semaphore_mem>>) {add = true}
          %dma_start3A_276 = arith.constant 0 : i32
          %dma_start3A_277 = arith.constant 0 : i32
          %dma_start3A_278 = arith.constant 0 : i32
          %dma_start3A_279 = tpu.memref_slice %arg18[%dma_start3A_276, %dma_start3A_278] : memref<2x32xf32, #tpu.memory_space<vmem>> -> memref<1x32xf32, #tpu.memory_space<vmem>>
          %dma_start3A_280 = tpu.memref_squeeze %dma_start3A_279 : memref<1x32xf32, #tpu.memory_space<vmem>> -> memref<32xf32, #tpu.memory_space<vmem>>
          %dma_start3A_281 = arith.constant 0 : i32
          %dma_start3A_282 = tpu.memref_slice %arg14[%dma_start3A_277, %dma_start3A_281] : memref<2x32xi32, #tpu.memory_space<vmem>> -> memref<1x32xi32, #tpu.memory_space<vmem>>
          %dma_start3A_283 = tpu.memref_squeeze %dma_start3A_282 : memref<1x32xi32, #tpu.memory_space<vmem>> -> memref<32xi32, #tpu.memory_space<vmem>>
          %dma_start3A_284 = arith.constant 0 : i32
          %dma_start3A_285 = tpu.memref_slice %arg26[%dma_start3A_284] : memref<10240xf32, #tpu.memory_space<vmem_shared>> -> memref<10240xf32, #tpu.memory_space<vmem_shared>>
          tpu.enqueue_indirect_dma source(%dma_start3A_280 : memref<32xf32, #tpu.memory_space<vmem>>) target(%dma_start3A_285 : memref<10240xf32, #tpu.memory_space<vmem_shared>>) offsets(%dma_start3A_283 : memref<32xi32, #tpu.memory_space<vmem>>) semaphore(%arg23 : memref<!tpu.dma_semaphore, #tpu.memory_space<semaphore_mem>>) {add = true}
        } else {
        }
        %mul3A_217 = arith.constant 2 : i32
        %mul3A_218 = arith.muli %scan3A_209, %mul3A_217 : i32
        %add3A_219 = arith.constant 1 : i32
        %add3A_220 = arith.addi %mul3A_218, %add3A_219 : i32
        %lt3A_221 = arith.constant 25 : i32
        %lt3A_222 = arith.cmpi slt, %add3A_220, %lt3A_221 : i32
        %convert_element_type3A_223 = arith.extui %lt3A_222 : i1 to i32
        %cond3A_224 = arith.constant 0 : i32
        %cond3A_225 = arith.cmpi ne, %convert_element_type3A_223, %cond3A_224 : i32
        scf.if %cond3A_225 {
          %mul3A_227 = arith.constant 32 : i32
          %mul3A_228 = arith.muli %add3A_220, %mul3A_227 : i32
          %gt3A = arith.constant 0 : i32
          %gt3A_229 = arith.cmpi sgt, %add3A_220, %gt3A : i32
          %convert_element_type3A_230 = arith.extui %gt3A_229 : i1 to i32
          %cond3A_231 = arith.constant 0 : i32
          %cond3A_232 = arith.cmpi ne, %convert_element_type3A_230, %cond3A_231 : i32
          scf.if %cond3A_232 {
            %dma_wait3A_286 = arith.constant 0 : i32
            %dma_wait3A_287 = arith.constant 0 : i32
            %dma_wait3A_288 = arith.constant 0 : i32
            %dma_wait3A_289 = arith.constant 0 : i32
            %dma_wait3A_290 = tpu.memref_slice %arg17[%dma_wait3A_286, %dma_wait3A_288, %dma_wait3A_289] : memref<2x32x128xf32, #tpu.memory_space<vmem>> -> memref<1x32x128xf32, #tpu.memory_space<vmem>>
            %dma_wait3A_291 = tpu.memref_squeeze %dma_wait3A_290 : memref<1x32x128xf32, #tpu.memory_space<vmem>> -> memref<32x128xf32, #tpu.memory_space<vmem>>
            %dma_wait3A_292 = arith.constant 0 : i32
            %dma_wait3A_293 = tpu.memref_slice %arg14[%dma_wait3A_287, %dma_wait3A_292] : memref<2x32xi32, #tpu.memory_space<vmem>> -> memref<1x32xi32, #tpu.memory_space<vmem>>
            %dma_wait3A_294 = tpu.memref_squeeze %dma_wait3A_293 : memref<1x32xi32, #tpu.memory_space<vmem>> -> memref<32xi32, #tpu.memory_space<vmem>>
            %dma_wait3A_295 = arith.constant 0 : i32
            %dma_wait3A_296 = arith.constant 0 : i32
            %dma_wait3A_297 = tpu.memref_slice %arg25[%dma_wait3A_295, %dma_wait3A_296] : memref<10240x128xf32, #tpu.memory_space<vmem_shared>> -> memref<10240x128xf32, #tpu.memory_space<vmem_shared>>
            tpu.wait_indirect_dma semaphore(%arg23 : memref<!tpu.dma_semaphore, #tpu.memory_space<semaphore_mem>>) src(%dma_wait3A_291 : memref<32x128xf32, #tpu.memory_space<vmem>>) dst(%dma_wait3A_297 : memref<10240x128xf32, #tpu.memory_space<vmem_shared>>)
            %dma_wait3A_298 = arith.constant 0 : i32
            %dma_wait3A_299 = arith.constant 0 : i32
            %dma_wait3A_300 = arith.constant 0 : i32
            %dma_wait3A_301 = tpu.memref_slice %arg18[%dma_wait3A_298, %dma_wait3A_300] : memref<2x32xf32, #tpu.memory_space<vmem>> -> memref<1x32xf32, #tpu.memory_space<vmem>>
            %dma_wait3A_302 = tpu.memref_squeeze %dma_wait3A_301 : memref<1x32xf32, #tpu.memory_space<vmem>> -> memref<32xf32, #tpu.memory_space<vmem>>
            %dma_wait3A_303 = arith.constant 0 : i32
            %dma_wait3A_304 = tpu.memref_slice %arg14[%dma_wait3A_299, %dma_wait3A_303] : memref<2x32xi32, #tpu.memory_space<vmem>> -> memref<1x32xi32, #tpu.memory_space<vmem>>
            %dma_wait3A_305 = tpu.memref_squeeze %dma_wait3A_304 : memref<1x32xi32, #tpu.memory_space<vmem>> -> memref<32xi32, #tpu.memory_space<vmem>>
            %dma_wait3A_306 = arith.constant 0 : i32
            %dma_wait3A_307 = tpu.memref_slice %arg26[%dma_wait3A_306] : memref<10240xf32, #tpu.memory_space<vmem_shared>> -> memref<10240xf32, #tpu.memory_space<vmem_shared>>
            tpu.wait_indirect_dma semaphore(%arg23 : memref<!tpu.dma_semaphore, #tpu.memory_space<semaphore_mem>>) src(%dma_wait3A_302 : memref<32xf32, #tpu.memory_space<vmem>>) dst(%dma_wait3A_307 : memref<10240xf32, #tpu.memory_space<vmem_shared>>)
          } else {
          }
          %add3A_233 = arith.constant 1 : i32
          %add3A_234 = arith.addi %add3A_220, %add3A_233 : i32
          %lt3A_235 = arith.constant 25 : i32
          %lt3A_236 = arith.cmpi slt, %add3A_234, %lt3A_235 : i32
          %convert_element_type3A_237 = arith.extui %lt3A_236 : i1 to i32
          %cond3A_238 = arith.constant 0 : i32
          %cond3A_239 = arith.cmpi ne, %convert_element_type3A_237, %cond3A_238 : i32
          scf.if %cond3A_239 {
            %add3A_286 = arith.constant 32 : i32
            %add3A_287 = arith.addi %mul3A_228, %add3A_286 : i32
            %add3A_288 = arith.constant 0 : i32
            %add3A_289 = arith.addi %add3A_287, %add3A_288 : i32
            %get3A_290 = arith.index_cast %add3A_289 : i32 to index
            %get3A_291 = tpu.vector_load %arg10[%get3A_290] {strides = array<i32>} : memref<800xi32, #tpu.memory_space<vmem>>, vector<16xi32>,
            %add3A_292 = arith.constant 0 : i32
            %add3A_293 = arith.addi %add3A_287, %add3A_292 : i32
            %get3A_294 = arith.index_cast %add3A_293 : i32 to index
            %get3A_295 = tpu.vector_load %arg11[%get3A_294] {strides = array<i32>} : memref<800xi32, #tpu.memory_space<vmem>>, vector<16xi32>,
            %swap3A_296 = arith.constant 0 : i32
            %swap3A_297 = arith.index_cast %swap3A_296 : i32 to index
            %swap3A_298 = arith.constant 0 : index
            %swap3A_299 = tpu.vector_load %arg13[%swap3A_297, %swap3A_298] {strides = array<i32>} : memref<2x64xi32, #tpu.memory_space<vmem>>, vector<16xi32>,
            tpu.vector_store %arg13[%swap3A_297, %swap3A_298], %get3A_291 {strides = array<i32>} : memref<2x64xi32, #tpu.memory_space<vmem>>, vector<16xi32>,
            %swap3A_300 = arith.constant 0 : i32
            %swap3A_301 = arith.index_cast %swap3A_300 : i32 to index
            %swap3A_302 = arith.constant 32 : index
            %swap3A_303 = tpu.vector_load %arg13[%swap3A_301, %swap3A_302] {strides = array<i32>} : memref<2x64xi32, #tpu.memory_space<vmem>>, vector<16xi32>,
            tpu.vector_store %arg13[%swap3A_301, %swap3A_302], %get3A_295 {strides = array<i32>} : memref<2x64xi32, #tpu.memory_space<vmem>>, vector<16xi32>,
            %swap3A_304 = arith.constant 0 : i32
            %swap3A_305 = arith.index_cast %swap3A_304 : i32 to index
            %swap3A_306 = arith.constant 0 : index
            %swap3A_307 = tpu.vector_load %arg14[%swap3A_305, %swap3A_306] {strides = array<i32>} : memref<2x32xi32, #tpu.memory_space<vmem>>, vector<16xi32>,
            tpu.vector_store %arg14[%swap3A_305, %swap3A_306], %get3A_295 {strides = array<i32>} : memref<2x32xi32, #tpu.memory_space<vmem>>, vector<16xi32>,
            %add3A_308 = arith.constant 16 : i32
            %add3A_309 = arith.addi %add3A_287, %add3A_308 : i32
            %get3A_310 = arith.index_cast %add3A_309 : i32 to index
            %get3A_311 = tpu.vector_load %arg10[%get3A_310] {strides = array<i32>} : memref<800xi32, #tpu.memory_space<vmem>>, vector<16xi32>,
            %add3A_312 = arith.constant 16 : i32
            %add3A_313 = arith.addi %add3A_287, %add3A_312 : i32
            %get3A_314 = arith.index_cast %add3A_313 : i32 to index
            %get3A_315 = tpu.vector_load %arg11[%get3A_314] {strides = array<i32>} : memref<800xi32, #tpu.memory_space<vmem>>, vector<16xi32>,
            %swap3A_316 = arith.constant 0 : i32
            %swap3A_317 = arith.index_cast %swap3A_316 : i32 to index
            %swap3A_318 = arith.constant 16 : index
            %swap3A_319 = tpu.vector_load %arg13[%swap3A_317, %swap3A_318] {strides = array<i32>} : memref<2x64xi32, #tpu.memory_space<vmem>>, vector<16xi32>,
            tpu.vector_store %arg13[%swap3A_317, %swap3A_318], %get3A_311 {strides = array<i32>} : memref<2x64xi32, #tpu.memory_space<vmem>>, vector<16xi32>,
            %swap3A_320 = arith.constant 0 : i32
            %swap3A_321 = arith.index_cast %swap3A_320 : i32 to index
            %swap3A_322 = arith.constant 48 : index
            %swap3A_323 = tpu.vector_load %arg13[%swap3A_321, %swap3A_322] {strides = array<i32>} : memref<2x64xi32, #tpu.memory_space<vmem>>, vector<16xi32>,
            tpu.vector_store %arg13[%swap3A_321, %swap3A_322], %get3A_315 {strides = array<i32>} : memref<2x64xi32, #tpu.memory_space<vmem>>, vector<16xi32>,
            %swap3A_324 = arith.constant 0 : i32
            %swap3A_325 = arith.index_cast %swap3A_324 : i32 to index
            %swap3A_326 = arith.constant 16 : index
            %swap3A_327 = tpu.vector_load %arg14[%swap3A_325, %swap3A_326] {strides = array<i32>} : memref<2x32xi32, #tpu.memory_space<vmem>>, vector<16xi32>,
            tpu.vector_store %arg14[%swap3A_325, %swap3A_326], %get3A_315 {strides = array<i32>} : memref<2x32xi32, #tpu.memory_space<vmem>>, vector<16xi32>,
            %dma_start3A_328 = arith.constant 0 : i32
            %dma_start3A_329 = arith.constant 0 : i32
            %dma_start3A_330 = arith.constant 0 : i32
            %dma_start3A_331 = arith.constant 0 : i32
            %dma_start3A_332 = tpu.memref_slice %arg16[%dma_start3A_329, %dma_start3A_330, %dma_start3A_331] : memref<2x64x128xf32, #tpu.memory_space<vmem>> -> memref<1x64x128xf32, #tpu.memory_space<vmem>>
            %dma_start3A_333 = tpu.memref_squeeze %dma_start3A_332 : memref<1x64x128xf32, #tpu.memory_space<vmem>> -> memref<64x128xf32, #tpu.memory_space<vmem>>
            %dma_start3A_334 = arith.constant 0 : i32
            %dma_start3A_335 = tpu.memref_slice %arg13[%dma_start3A_328, %dma_start3A_334] : memref<2x64xi32, #tpu.memory_space<vmem>> -> memref<1x64xi32, #tpu.memory_space<vmem>>
            %dma_start3A_336 = tpu.memref_squeeze %dma_start3A_335 : memref<1x64xi32, #tpu.memory_space<vmem>> -> memref<64xi32, #tpu.memory_space<vmem>>
            %dma_start3A_337 = arith.constant 0 : i32
            %dma_start3A_338 = arith.constant 0 : i32
            %dma_start3A_339 = tpu.memref_slice %arg2[%dma_start3A_337, %dma_start3A_338] : memref<10000x128xf32, #tpu.memory_space<hbm>> -> memref<10000x128xf32, #tpu.memory_space<hbm>>
            tpu.enqueue_indirect_dma source(%dma_start3A_339 : memref<10000x128xf32, #tpu.memory_space<hbm>>) target(%dma_start3A_333 : memref<64x128xf32, #tpu.memory_space<vmem>>) offsets(%dma_start3A_336 : memref<64xi32, #tpu.memory_space<vmem>>) semaphore(%arg21 : memref<!tpu.dma_semaphore, #tpu.memory_space<semaphore_mem>>)
          } else {
          }
          %dma_wait3A_240 = arith.constant 1 : i32
          %dma_wait3A_241 = arith.constant 1 : i32
          %dma_wait3A_242 = arith.constant 0 : i32
          %dma_wait3A_243 = arith.constant 0 : i32
          %dma_wait3A_244 = tpu.memref_slice %arg16[%dma_wait3A_241, %dma_wait3A_242, %dma_wait3A_243] : memref<2x64x128xf32, #tpu.memory_space<vmem>> -> memref<1x64x128xf32, #tpu.memory_space<vmem>>
          %dma_wait3A_245 = tpu.memref_squeeze %dma_wait3A_244 : memref<1x64x128xf32, #tpu.memory_space<vmem>> -> memref<64x128xf32, #tpu.memory_space<vmem>>
          %dma_wait3A_246 = arith.constant 0 : i32
          %dma_wait3A_247 = tpu.memref_slice %arg13[%dma_wait3A_240, %dma_wait3A_246] : memref<2x64xi32, #tpu.memory_space<vmem>> -> memref<1x64xi32, #tpu.memory_space<vmem>>
          %dma_wait3A_248 = tpu.memref_squeeze %dma_wait3A_247 : memref<1x64xi32, #tpu.memory_space<vmem>> -> memref<64xi32, #tpu.memory_space<vmem>>
          %dma_wait3A_249 = arith.constant 0 : i32
          %dma_wait3A_250 = arith.constant 0 : i32
          %dma_wait3A_251 = tpu.memref_slice %arg2[%dma_wait3A_249, %dma_wait3A_250] : memref<10000x128xf32, #tpu.memory_space<hbm>> -> memref<10000x128xf32, #tpu.memory_space<hbm>>
          tpu.wait_indirect_dma semaphore(%arg22 : memref<!tpu.dma_semaphore, #tpu.memory_space<semaphore_mem>>) src(%dma_wait3A_251 : memref<10000x128xf32, #tpu.memory_space<hbm>>) dst(%dma_wait3A_245 : memref<64x128xf32, #tpu.memory_space<vmem>>)
          %broadcast_in_dim3A_252 = arith.constant 1.000000e+00 : f32
          %broadcast_in_dim3A_253 = vector.broadcast %broadcast_in_dim3A_252 : f32 to vector<16xf32>
          %swap3A_254 = arith.constant 1 : i32
          %swap3A_255 = arith.index_cast %swap3A_254 : i32 to index
          %swap3A_256 = arith.constant 0 : index
          %swap3A_257 = tpu.vector_load %arg18[%swap3A_255, %swap3A_256] {strides = array<i32>} : memref<2x32xf32, #tpu.memory_space<vmem>>, vector<16xf32>,
          tpu.vector_store %arg18[%swap3A_255, %swap3A_256], %broadcast_in_dim3A_253 {strides = array<i32>} : memref<2x32xf32, #tpu.memory_space<vmem>>, vector<16xf32>,
          %broadcast_in_dim3A_258 = arith.constant 1.000000e+00 : f32
          %broadcast_in_dim3A_259 = vector.broadcast %broadcast_in_dim3A_258 : f32 to vector<16xf32>
          %swap3A_260 = arith.constant 1 : i32
          %swap3A_261 = arith.index_cast %swap3A_260 : i32 to index
          %swap3A_262 = arith.constant 16 : index
          %swap3A_263 = tpu.vector_load %arg18[%swap3A_261, %swap3A_262] {strides = array<i32>} : memref<2x32xf32, #tpu.memory_space<vmem>>, vector<16xf32>,
          tpu.vector_store %arg18[%swap3A_261, %swap3A_262], %broadcast_in_dim3A_259 {strides = array<i32>} : memref<2x32xf32, #tpu.memory_space<vmem>>, vector<16xf32>,
          %dma_start3A_264 = arith.constant 1 : i32
          %dma_start3A_265 = arith.constant 1 : i32
          %dma_start3A_266 = arith.constant 0 : i32
          %dma_start3A_267 = arith.constant 0 : i32
          %dma_start3A_268 = tpu.memref_slice %arg17[%dma_start3A_264, %dma_start3A_266, %dma_start3A_267] : memref<2x32x128xf32, #tpu.memory_space<vmem>> -> memref<1x32x128xf32, #tpu.memory_space<vmem>>
          %dma_start3A_269 = tpu.memref_squeeze %dma_start3A_268 : memref<1x32x128xf32, #tpu.memory_space<vmem>> -> memref<32x128xf32, #tpu.memory_space<vmem>>
          %dma_start3A_270 = arith.constant 0 : i32
          %dma_start3A_271 = tpu.memref_slice %arg14[%dma_start3A_265, %dma_start3A_270] : memref<2x32xi32, #tpu.memory_space<vmem>> -> memref<1x32xi32, #tpu.memory_space<vmem>>
          %dma_start3A_272 = tpu.memref_squeeze %dma_start3A_271 : memref<1x32xi32, #tpu.memory_space<vmem>> -> memref<32xi32, #tpu.memory_space<vmem>>
          %dma_start3A_273 = arith.constant 0 : i32
          %dma_start3A_274 = arith.constant 0 : i32
          %dma_start3A_275 = tpu.memref_slice %arg25[%dma_start3A_273, %dma_start3A_274] : memref<10240x128xf32, #tpu.memory_space<vmem_shared>> -> memref<10240x128xf32, #tpu.memory_space<vmem_shared>>
          tpu.enqueue_indirect_dma source(%dma_start3A_269 : memref<32x128xf32, #tpu.memory_space<vmem>>) target(%dma_start3A_275 : memref<10240x128xf32, #tpu.memory_space<vmem_shared>>) offsets(%dma_start3A_272 : memref<32xi32, #tpu.memory_space<vmem>>) semaphore(%arg24 : memref<!tpu.dma_semaphore, #tpu.memory_space<semaphore_mem>>) {add = true}
          %dma_start3A_276 = arith.constant 1 : i32
          %dma_start3A_277 = arith.constant 1 : i32
          %dma_start3A_278 = arith.constant 0 : i32
          %dma_start3A_279 = tpu.memref_slice %arg18[%dma_start3A_276, %dma_start3A_278] : memref<2x32xf32, #tpu.memory_space<vmem>> -> memref<1x32xf32, #tpu.memory_space<vmem>>
          %dma_start3A_280 = tpu.memref_squeeze %dma_start3A_279 : memref<1x32xf32, #tpu.memory_space<vmem>> -> memref<32xf32, #tpu.memory_space<vmem>>
          %dma_start3A_281 = arith.constant 0 : i32
          %dma_start3A_282 = tpu.memref_slice %arg14[%dma_start3A_277, %dma_start3A_281] : memref<2x32xi32, #tpu.memory_space<vmem>> -> memref<1x32xi32, #tpu.memory_space<vmem>>
          %dma_start3A_283 = tpu.memref_squeeze %dma_start3A_282 : memref<1x32xi32, #tpu.memory_space<vmem>> -> memref<32xi32, #tpu.memory_space<vmem>>
          %dma_start3A_284 = arith.constant 0 : i32
          %dma_start3A_285 = tpu.memref_slice %arg26[%dma_start3A_284] : memref<10240xf32, #tpu.memory_space<vmem_shared>> -> memref<10240xf32, #tpu.memory_space<vmem_shared>>
          tpu.enqueue_indirect_dma source(%dma_start3A_280 : memref<32xf32, #tpu.memory_space<vmem>>) target(%dma_start3A_285 : memref<10240xf32, #tpu.memory_space<vmem_shared>>) offsets(%dma_start3A_283 : memref<32xi32, #tpu.memory_space<vmem>>) semaphore(%arg24 : memref<!tpu.dma_semaphore, #tpu.memory_space<semaphore_mem>>) {add = true}
        } else {
        }
        %scan3A_226 = arith.constant 0 : i32
        scf.yield %scan3A_226 : i32
      }
      %scan3A_186 = arith.constant 13 : i32
      %dma_wait3A = arith.constant 0 : i32
      %dma_wait3A_187 = arith.constant 0 : i32
      %dma_wait3A_188 = arith.constant 0 : i32
      %dma_wait3A_189 = arith.constant 0 : i32
      %dma_wait3A_190 = tpu.memref_slice %arg17[%dma_wait3A, %dma_wait3A_188, %dma_wait3A_189] : memref<2x32x128xf32, #tpu.memory_space<vmem>> -> memref<1x32x128xf32, #tpu.memory_space<vmem>>
      %dma_wait3A_191 = tpu.memref_squeeze %dma_wait3A_190 : memref<1x32x128xf32, #tpu.memory_space<vmem>> -> memref<32x128xf32, #tpu.memory_space<vmem>>
      %dma_wait3A_192 = arith.constant 0 : i32
      %dma_wait3A_193 = tpu.memref_slice %arg14[%dma_wait3A_187, %dma_wait3A_192] : memref<2x32xi32, #tpu.memory_space<vmem>> -> memref<1x32xi32, #tpu.memory_space<vmem>>
      %dma_wait3A_194 = tpu.memref_squeeze %dma_wait3A_193 : memref<1x32xi32, #tpu.memory_space<vmem>> -> memref<32xi32, #tpu.memory_space<vmem>>
      %dma_wait3A_195 = arith.constant 0 : i32
      %dma_wait3A_196 = arith.constant 0 : i32
      %dma_wait3A_197 = tpu.memref_slice %arg25[%dma_wait3A_195, %dma_wait3A_196] : memref<10240x128xf32, #tpu.memory_space<vmem_shared>> -> memref<10240x128xf32, #tpu.memory_space<vmem_shared>>
      tpu.wait_indirect_dma semaphore(%arg23 : memref<!tpu.dma_semaphore, #tpu.memory_space<semaphore_mem>>) src(%dma_wait3A_191 : memref<32x128xf32, #tpu.memory_space<vmem>>) dst(%dma_wait3A_197 : memref<10240x128xf32, #tpu.memory_space<vmem_shared>>)
      %dma_wait3A_198 = arith.constant 0 : i32
      %dma_wait3A_199 = arith.constant 0 : i32
      %dma_wait3A_200 = arith.constant 0 : i32
      %dma_wait3A_201 = tpu.memref_slice %arg18[%dma_wait3A_198, %dma_wait3A_200] : memref<2x32xf32, #tpu.memory_space<vmem>> -> memref<1x32xf32, #tpu.memory_space<vmem>>
      %dma_wait3A_202 = tpu.memref_squeeze %dma_wait3A_201 : memref<1x32xf32, #tpu.memory_space<vmem>> -> memref<32xf32, #tpu.memory_space<vmem>>
      %dma_wait3A_203 = arith.constant 0 : i32
      %dma_wait3A_204 = tpu.memref_slice %arg14[%dma_wait3A_199, %dma_wait3A_203] : memref<2x32xi32, #tpu.memory_space<vmem>> -> memref<1x32xi32, #tpu.memory_space<vmem>>
      %dma_wait3A_205 = tpu.memref_squeeze %dma_wait3A_204 : memref<1x32xi32, #tpu.memory_space<vmem>> -> memref<32xi32, #tpu.memory_space<vmem>>
      %dma_wait3A_206 = arith.constant 0 : i32
      %dma_wait3A_207 = tpu.memref_slice %arg26[%dma_wait3A_206] : memref<10240xf32, #tpu.memory_space<vmem_shared>> -> memref<10240xf32, #tpu.memory_space<vmem_shared>>
      tpu.wait_indirect_dma semaphore(%arg23 : memref<!tpu.dma_semaphore, #tpu.memory_space<semaphore_mem>>) src(%dma_wait3A_202 : memref<32xf32, #tpu.memory_space<vmem>>) dst(%dma_wait3A_207 : memref<10240xf32, #tpu.memory_space<vmem_shared>>)
      %scan3A_208 = arith.constant 0 : i32
      scf.yield %scan3A_208 : i32
    }
    %scan3A_124 = arith.constant 25 : i32
    %barrier3A_125 = arith.constant 0 : index
    tpu.barrier barrier_id(%barrier3A_125)
    %mul3A_126 = arith.constant 640 : i32
    %mul3A_127 = arith.muli %arg1, %mul3A_126 : i32
    %mul3A_128 = arith.constant 640 : i32
    %mul3A_129 = arith.muli %arg1, %mul3A_128 : i32
    "tpu.region"() ({
      %run_scoped3A_134 = tpu.sem_alloc : memref<!tpu.dma_semaphore, #tpu.memory_space<semaphore_mem>>
      %dma_start3A = arith.constant 0 : i32
      %dma_start3A_135 = tpu.memref_slice %arg8[%arg0, %mul3A_129, %dma_start3A] : memref<1x10240x128xf32, #tpu.memory_space<hbm>> -> memref<1x640x128xf32, #tpu.memory_space<hbm>>
      %dma_start3A_136 = tpu.memref_squeeze %dma_start3A_135 : memref<1x640x128xf32, #tpu.memory_space<hbm>> -> memref<640x128xf32, #tpu.memory_space<hbm>>
      %dma_start3A_137 = arith.constant 0 : i32
      %dma_start3A_138 = tpu.memref_slice %arg25[%mul3A_127, %dma_start3A_137] : memref<10240x128xf32, #tpu.memory_space<vmem_shared>> -> memref<640x128xf32, #tpu.memory_space<vmem_shared>>
      tpu.enqueue_dma source(%dma_start3A_138 : memref<640x128xf32, #tpu.memory_space<vmem_shared>>) target(%dma_start3A_136 : memref<640x128xf32, #tpu.memory_space<hbm>>) target_semaphore(%run_scoped3A_134 : memref<!tpu.dma_semaphore, #tpu.memory_space<semaphore_mem>>)
      %dma_wait3A = arith.constant 0 : i32
      %dma_wait3A_139 = tpu.memref_slice %arg8[%arg0, %mul3A_129, %dma_wait3A] : memref<1x10240x128xf32, #tpu.memory_space<hbm>> -> memref<1x640x128xf32, #tpu.memory_space<hbm>>
      %dma_wait3A_140 = tpu.memref_squeeze %dma_wait3A_139 : memref<1x640x128xf32, #tpu.memory_space<hbm>> -> memref<640x128xf32, #tpu.memory_space<hbm>>
      %dma_wait3A_141 = arith.constant 0 : i32
      %dma_wait3A_142 = tpu.memref_slice %arg25[%mul3A_127, %dma_wait3A_141] : memref<10240x128xf32, #tpu.memory_space<vmem_shared>> -> memref<640x128xf32, #tpu.memory_space<vmem_shared>>
      tpu.wait_dma2 semaphore(%run_scoped3A_134 : memref<!tpu.dma_semaphore, #tpu.memory_space<semaphore_mem>>) src(%dma_wait3A_142 : memref<640x128xf32, #tpu.memory_space<vmem_shared>>) dst(%dma_wait3A_140 : memref<640x128xf32, #tpu.memory_space<hbm>>)
      tpu.yield
    }) : () -> ()
    %mul3A_130 = arith.constant 640 : i32
    %mul3A_131 = arith.muli %arg1, %mul3A_130 : i32
    %mul3A_132 = arith.constant 640 : i32
    %mul3A_133 = arith.muli %arg1, %mul3A_132 : i32
    "tpu.region"() ({
      %run_scoped3A_134 = tpu.sem_alloc : memref<!tpu.dma_semaphore, #tpu.memory_space<semaphore_mem>>
      %dma_start3A = tpu.memref_slice %arg9[%arg0, %mul3A_133] : memref<1x10240xf32, #tpu.memory_space<hbm>> -> memref<1x640xf32, #tpu.memory_space<hbm>>
      %dma_start3A_135 = tpu.memref_squeeze %dma_start3A : memref<1x640xf32, #tpu.memory_space<hbm>> -> memref<640xf32, #tpu.memory_space<hbm>>
      %dma_start3A_136 = tpu.memref_slice %arg26[%mul3A_131] : memref<10240xf32, #tpu.memory_space<vmem_shared>> -> memref<640xf32, #tpu.memory_space<vmem_shared>>
      tpu.enqueue_dma source(%dma_start3A_136 : memref<640xf32, #tpu.memory_space<vmem_shared>>) target(%dma_start3A_135 : memref<640xf32, #tpu.memory_space<hbm>>) target_semaphore(%run_scoped3A_134 : memref<!tpu.dma_semaphore, #tpu.memory_space<semaphore_mem>>)
      %dma_wait3A = tpu.memref_slice %arg9[%arg0, %mul3A_133] : memref<1x10240xf32, #tpu.memory_space<hbm>> -> memref<1x640xf32, #tpu.memory_space<hbm>>
      %dma_wait3A_137 = tpu.memref_squeeze %dma_wait3A : memref<1x640xf32, #tpu.memory_space<hbm>> -> memref<640xf32, #tpu.memory_space<hbm>>
      %dma_wait3A_138 = tpu.memref_slice %arg26[%mul3A_131] : memref<10240xf32, #tpu.memory_space<vmem_shared>> -> memref<640xf32, #tpu.memory_space<vmem_shared>>
      tpu.wait_dma2 semaphore(%run_scoped3A_134 : memref<!tpu.dma_semaphore, #tpu.memory_space<semaphore_mem>>) src(%dma_wait3A_138 : memref<640xf32, #tpu.memory_space<vmem_shared>>) dst(%dma_wait3A_137 : memref<640xf32, #tpu.memory_space<hbm>>)
      tpu.yield
    }) : () -> ()
    return
  }
}

#map = affine_map<(d0, d1) -> (0)>
module attributes {stable_mosaic.version = 14 : i64} {
  func.func @k(%arg0: i32, %arg1: i32, %arg2: memref<320000xi32, #tpu.memory_space<hbm>>, %arg3: memref<320000xi32, #tpu.memory_space<hbm>>, %arg4: memref<10240xf32, #tpu.memory_space<hbm>>, %arg5: memref<800xi32, #tpu.memory_space<vmem>>, %arg6: memref<800xi32, #tpu.memory_space<vmem>>, %arg7: memref<64xi32, #tpu.memory_space<vmem>>, %arg8: memref<64xf32, #tpu.memory_space<vmem>>, %arg9: memref<640xf32, #tpu.memory_space<vmem>>, %arg10: memref<10240xf32, #tpu.memory_space<vmem_shared>>) attributes {dimension_semantics = [#tpu.dimension_semantics<core_parallel>, #tpu.dimension_semantics<subcore_parallel>], iteration_bounds = array<i64: 1, 16>, scalar_prefetch = 0 : i64, scratch_operands = 6 : i64, tpu.core_type = #tpu.core_type<sc_vector_subcore>, window_params = [{transform_indices = #map}, {transform_indices = #map}, {transform_indices = #map}]} {
    %mul3A = arith.constant 1 : i32
    %mul3A_0 = arith.muli %arg1, %mul3A : i32
    %add3A = arith.addi %mul3A_0, %arg0 : i32
    %mul3A_1 = arith.constant 20000 : i32
    %mul3A_2 = arith.muli %add3A, %mul3A_1 : i32
    %broadcast_in_dim3A = arith.constant 0.000000e+00 : f32
    %broadcast_in_dim3A_3 = vector.broadcast %broadcast_in_dim3A : f32 to vector<16xf32>
    %swap3A = arith.constant 0 : index
    %swap3A_4 = tpu.vector_load %arg9[%swap3A] {strides = array<i32>} : memref<640xf32, #tpu.memory_space<vmem>>, vector<16xf32>,
    tpu.vector_store %arg9[%swap3A], %broadcast_in_dim3A_3 {strides = array<i32>} : memref<640xf32, #tpu.memory_space<vmem>>, vector<16xf32>,
    %swap3A_5 = arith.constant 16 : index
    %swap3A_6 = tpu.vector_load %arg9[%swap3A_5] {strides = array<i32>} : memref<640xf32, #tpu.memory_space<vmem>>, vector<16xf32>,
    tpu.vector_store %arg9[%swap3A_5], %broadcast_in_dim3A_3 {strides = array<i32>} : memref<640xf32, #tpu.memory_space<vmem>>, vector<16xf32>,
    %swap3A_7 = arith.constant 32 : index
    %swap3A_8 = tpu.vector_load %arg9[%swap3A_7] {strides = array<i32>} : memref<640xf32, #tpu.memory_space<vmem>>, vector<16xf32>,
    tpu.vector_store %arg9[%swap3A_7], %broadcast_in_dim3A_3 {strides = array<i32>} : memref<640xf32, #tpu.memory_space<vmem>>, vector<16xf32>,
    %swap3A_9 = arith.constant 48 : index
    %swap3A_10 = tpu.vector_load %arg9[%swap3A_9] {strides = array<i32>} : memref<640xf32, #tpu.memory_space<vmem>>, vector<16xf32>,
    tpu.vector_store %arg9[%swap3A_9], %broadcast_in_dim3A_3 {strides = array<i32>} : memref<640xf32, #tpu.memory_space<vmem>>, vector<16xf32>,
    %swap3A_11 = arith.constant 64 : index
    %swap3A_12 = tpu.vector_load %arg9[%swap3A_11] {strides = array<i32>} : memref<640xf32, #tpu.memory_space<vmem>>, vector<16xf32>,
    tpu.vector_store %arg9[%swap3A_11], %broadcast_in_dim3A_3 {strides = array<i32>} : memref<640xf32, #tpu.memory_space<vmem>>, vector<16xf32>,
    %swap3A_13 = arith.constant 80 : index
    %swap3A_14 = tpu.vector_load %arg9[%swap3A_13] {strides = array<i32>} : memref<640xf32, #tpu.memory_space<vmem>>, vector<16xf32>,
    tpu.vector_store %arg9[%swap3A_13], %broadcast_in_dim3A_3 {strides = array<i32>} : memref<640xf32, #tpu.memory_space<vmem>>, vector<16xf32>,
    %swap3A_15 = arith.constant 96 : index
    %swap3A_16 = tpu.vector_load %arg9[%swap3A_15] {strides = array<i32>} : memref<640xf32, #tpu.memory_space<vmem>>, vector<16xf32>,
    tpu.vector_store %arg9[%swap3A_15], %broadcast_in_dim3A_3 {strides = array<i32>} : memref<640xf32, #tpu.memory_space<vmem>>, vector<16xf32>,
    %swap3A_17 = arith.constant 112 : index
    %swap3A_18 = tpu.vector_load %arg9[%swap3A_17] {strides = array<i32>} : memref<640xf32, #tpu.memory_space<vmem>>, vector<16xf32>,
    tpu.vector_store %arg9[%swap3A_17], %broadcast_in_dim3A_3 {strides = array<i32>} : memref<640xf32, #tpu.memory_space<vmem>>, vector<16xf32>,
    %swap3A_19 = arith.constant 128 : index
    %swap3A_20 = tpu.vector_load %arg9[%swap3A_19] {strides = array<i32>} : memref<640xf32, #tpu.memory_space<vmem>>, vector<16xf32>,
    tpu.vector_store %arg9[%swap3A_19], %broadcast_in_dim3A_3 {strides = array<i32>} : memref<640xf32, #tpu.memory_space<vmem>>, vector<16xf32>,
    %swap3A_21 = arith.constant 144 : index
    %swap3A_22 = tpu.vector_load %arg9[%swap3A_21] {strides = array<i32>} : memref<640xf32, #tpu.memory_space<vmem>>, vector<16xf32>,
    tpu.vector_store %arg9[%swap3A_21], %broadcast_in_dim3A_3 {strides = array<i32>} : memref<640xf32, #tpu.memory_space<vmem>>, vector<16xf32>,
    %swap3A_23 = arith.constant 160 : index
    %swap3A_24 = tpu.vector_load %arg9[%swap3A_23] {strides = array<i32>} : memref<640xf32, #tpu.memory_space<vmem>>, vector<16xf32>,
    tpu.vector_store %arg9[%swap3A_23], %broadcast_in_dim3A_3 {strides = array<i32>} : memref<640xf32, #tpu.memory_space<vmem>>, vector<16xf32>,
    %swap3A_25 = arith.constant 176 : index
    %swap3A_26 = tpu.vector_load %arg9[%swap3A_25] {strides = array<i32>} : memref<640xf32, #tpu.memory_space<vmem>>, vector<16xf32>,
    tpu.vector_store %arg9[%swap3A_25], %broadcast_in_dim3A_3 {strides = array<i32>} : memref<640xf32, #tpu.memory_space<vmem>>, vector<16xf32>,
    %swap3A_27 = arith.constant 192 : index
    %swap3A_28 = tpu.vector_load %arg9[%swap3A_27] {strides = array<i32>} : memref<640xf32, #tpu.memory_space<vmem>>, vector<16xf32>,
    tpu.vector_store %arg9[%swap3A_27], %broadcast_in_dim3A_3 {strides = array<i32>} : memref<640xf32, #tpu.memory_space<vmem>>, vector<16xf32>,
    %swap3A_29 = arith.constant 208 : index
    %swap3A_30 = tpu.vector_load %arg9[%swap3A_29] {strides = array<i32>} : memref<640xf32, #tpu.memory_space<vmem>>, vector<16xf32>,
    tpu.vector_store %arg9[%swap3A_29], %broadcast_in_dim3A_3 {strides = array<i32>} : memref<640xf32, #tpu.memory_space<vmem>>, vector<16xf32>,
    %swap3A_31 = arith.constant 224 : index
    %swap3A_32 = tpu.vector_load %arg9[%swap3A_31] {strides = array<i32>} : memref<640xf32, #tpu.memory_space<vmem>>, vector<16xf32>,
    tpu.vector_store %arg9[%swap3A_31], %broadcast_in_dim3A_3 {strides = array<i32>} : memref<640xf32, #tpu.memory_space<vmem>>, vector<16xf32>,
    %swap3A_33 = arith.constant 240 : index
    %swap3A_34 = tpu.vector_load %arg9[%swap3A_33] {strides = array<i32>} : memref<640xf32, #tpu.memory_space<vmem>>, vector<16xf32>,
    tpu.vector_store %arg9[%swap3A_33], %broadcast_in_dim3A_3 {strides = array<i32>} : memref<640xf32, #tpu.memory_space<vmem>>, vector<16xf32>,
    %swap3A_35 = arith.constant 256 : index
    %swap3A_36 = tpu.vector_load %arg9[%swap3A_35] {strides = array<i32>} : memref<640xf32, #tpu.memory_space<vmem>>, vector<16xf32>,
    tpu.vector_store %arg9[%swap3A_35], %broadcast_in_dim3A_3 {strides = array<i32>} : memref<640xf32, #tpu.memory_space<vmem>>, vector<16xf32>,
    %swap3A_37 = arith.constant 272 : index
    %swap3A_38 = tpu.vector_load %arg9[%swap3A_37] {strides = array<i32>} : memref<640xf32, #tpu.memory_space<vmem>>, vector<16xf32>,
    tpu.vector_store %arg9[%swap3A_37], %broadcast_in_dim3A_3 {strides = array<i32>} : memref<640xf32, #tpu.memory_space<vmem>>, vector<16xf32>,
    %swap3A_39 = arith.constant 288 : index
    %swap3A_40 = tpu.vector_load %arg9[%swap3A_39] {strides = array<i32>} : memref<640xf32, #tpu.memory_space<vmem>>, vector<16xf32>,
    tpu.vector_store %arg9[%swap3A_39], %broadcast_in_dim3A_3 {strides = array<i32>} : memref<640xf32, #tpu.memory_space<vmem>>, vector<16xf32>,
    %swap3A_41 = arith.constant 304 : index
    %swap3A_42 = tpu.vector_load %arg9[%swap3A_41] {strides = array<i32>} : memref<640xf32, #tpu.memory_space<vmem>>, vector<16xf32>,
    tpu.vector_store %arg9[%swap3A_41], %broadcast_in_dim3A_3 {strides = array<i32>} : memref<640xf32, #tpu.memory_space<vmem>>, vector<16xf32>,
    %swap3A_43 = arith.constant 320 : index
    %swap3A_44 = tpu.vector_load %arg9[%swap3A_43] {strides = array<i32>} : memref<640xf32, #tpu.memory_space<vmem>>, vector<16xf32>,
    tpu.vector_store %arg9[%swap3A_43], %broadcast_in_dim3A_3 {strides = array<i32>} : memref<640xf32, #tpu.memory_space<vmem>>, vector<16xf32>,
    %swap3A_45 = arith.constant 336 : index
    %swap3A_46 = tpu.vector_load %arg9[%swap3A_45] {strides = array<i32>} : memref<640xf32, #tpu.memory_space<vmem>>, vector<16xf32>,
    tpu.vector_store %arg9[%swap3A_45], %broadcast_in_dim3A_3 {strides = array<i32>} : memref<640xf32, #tpu.memory_space<vmem>>, vector<16xf32>,
    %swap3A_47 = arith.constant 352 : index
    %swap3A_48 = tpu.vector_load %arg9[%swap3A_47] {strides = array<i32>} : memref<640xf32, #tpu.memory_space<vmem>>, vector<16xf32>,
    tpu.vector_store %arg9[%swap3A_47], %broadcast_in_dim3A_3 {strides = array<i32>} : memref<640xf32, #tpu.memory_space<vmem>>, vector<16xf32>,
    %swap3A_49 = arith.constant 368 : index
    %swap3A_50 = tpu.vector_load %arg9[%swap3A_49] {strides = array<i32>} : memref<640xf32, #tpu.memory_space<vmem>>, vector<16xf32>,
    tpu.vector_store %arg9[%swap3A_49], %broadcast_in_dim3A_3 {strides = array<i32>} : memref<640xf32, #tpu.memory_space<vmem>>, vector<16xf32>,
    %swap3A_51 = arith.constant 384 : index
    %swap3A_52 = tpu.vector_load %arg9[%swap3A_51] {strides = array<i32>} : memref<640xf32, #tpu.memory_space<vmem>>, vector<16xf32>,
    tpu.vector_store %arg9[%swap3A_51], %broadcast_in_dim3A_3 {strides = array<i32>} : memref<640xf32, #tpu.memory_space<vmem>>, vector<16xf32>,
    %swap3A_53 = arith.constant 400 : index
    %swap3A_54 = tpu.vector_load %arg9[%swap3A_53] {strides = array<i32>} : memref<640xf32, #tpu.memory_space<vmem>>, vector<16xf32>,
    tpu.vector_store %arg9[%swap3A_53], %broadcast_in_dim3A_3 {strides = array<i32>} : memref<640xf32, #tpu.memory_space<vmem>>, vector<16xf32>,
    %swap3A_55 = arith.constant 416 : index
    %swap3A_56 = tpu.vector_load %arg9[%swap3A_55] {strides = array<i32>} : memref<640xf32, #tpu.memory_space<vmem>>, vector<16xf32>,
    tpu.vector_store %arg9[%swap3A_55], %broadcast_in_dim3A_3 {strides = array<i32>} : memref<640xf32, #tpu.memory_space<vmem>>, vector<16xf32>,
    %swap3A_57 = arith.constant 432 : index
    %swap3A_58 = tpu.vector_load %arg9[%swap3A_57] {strides = array<i32>} : memref<640xf32, #tpu.memory_space<vmem>>, vector<16xf32>,
    tpu.vector_store %arg9[%swap3A_57], %broadcast_in_dim3A_3 {strides = array<i32>} : memref<640xf32, #tpu.memory_space<vmem>>, vector<16xf32>,
    %swap3A_59 = arith.constant 448 : index
    %swap3A_60 = tpu.vector_load %arg9[%swap3A_59] {strides = array<i32>} : memref<640xf32, #tpu.memory_space<vmem>>, vector<16xf32>,
    tpu.vector_store %arg9[%swap3A_59], %broadcast_in_dim3A_3 {strides = array<i32>} : memref<640xf32, #tpu.memory_space<vmem>>, vector<16xf32>,
    %swap3A_61 = arith.constant 464 : index
    %swap3A_62 = tpu.vector_load %arg9[%swap3A_61] {strides = array<i32>} : memref<640xf32, #tpu.memory_space<vmem>>, vector<16xf32>,
    tpu.vector_store %arg9[%swap3A_61], %broadcast_in_dim3A_3 {strides = array<i32>} : memref<640xf32, #tpu.memory_space<vmem>>, vector<16xf32>,
    %swap3A_63 = arith.constant 480 : index
    %swap3A_64 = tpu.vector_load %arg9[%swap3A_63] {strides = array<i32>} : memref<640xf32, #tpu.memory_space<vmem>>, vector<16xf32>,
    tpu.vector_store %arg9[%swap3A_63], %broadcast_in_dim3A_3 {strides = array<i32>} : memref<640xf32, #tpu.memory_space<vmem>>, vector<16xf32>,
    %swap3A_65 = arith.constant 496 : index
    %swap3A_66 = tpu.vector_load %arg9[%swap3A_65] {strides = array<i32>} : memref<640xf32, #tpu.memory_space<vmem>>, vector<16xf32>,
    tpu.vector_store %arg9[%swap3A_65], %broadcast_in_dim3A_3 {strides = array<i32>} : memref<640xf32, #tpu.memory_space<vmem>>, vector<16xf32>,
    %swap3A_67 = arith.constant 512 : index
    %swap3A_68 = tpu.vector_load %arg9[%swap3A_67] {strides = array<i32>} : memref<640xf32, #tpu.memory_space<vmem>>, vector<16xf32>,
    tpu.vector_store %arg9[%swap3A_67], %broadcast_in_dim3A_3 {strides = array<i32>} : memref<640xf32, #tpu.memory_space<vmem>>, vector<16xf32>,
    %swap3A_69 = arith.constant 528 : index
    %swap3A_70 = tpu.vector_load %arg9[%swap3A_69] {strides = array<i32>} : memref<640xf32, #tpu.memory_space<vmem>>, vector<16xf32>,
    tpu.vector_store %arg9[%swap3A_69], %broadcast_in_dim3A_3 {strides = array<i32>} : memref<640xf32, #tpu.memory_space<vmem>>, vector<16xf32>,
    %swap3A_71 = arith.constant 544 : index
    %swap3A_72 = tpu.vector_load %arg9[%swap3A_71] {strides = array<i32>} : memref<640xf32, #tpu.memory_space<vmem>>, vector<16xf32>,
    tpu.vector_store %arg9[%swap3A_71], %broadcast_in_dim3A_3 {strides = array<i32>} : memref<640xf32, #tpu.memory_space<vmem>>, vector<16xf32>,
    %swap3A_73 = arith.constant 560 : index
    %swap3A_74 = tpu.vector_load %arg9[%swap3A_73] {strides = array<i32>} : memref<640xf32, #tpu.memory_space<vmem>>, vector<16xf32>,
    tpu.vector_store %arg9[%swap3A_73], %broadcast_in_dim3A_3 {strides = array<i32>} : memref<640xf32, #tpu.memory_space<vmem>>, vector<16xf32>,
    %swap3A_75 = arith.constant 576 : index
    %swap3A_76 = tpu.vector_load %arg9[%swap3A_75] {strides = array<i32>} : memref<640xf32, #tpu.memory_space<vmem>>, vector<16xf32>,
    tpu.vector_store %arg9[%swap3A_75], %broadcast_in_dim3A_3 {strides = array<i32>} : memref<640xf32, #tpu.memory_space<vmem>>, vector<16xf32>,
    %swap3A_77 = arith.constant 592 : index
    %swap3A_78 = tpu.vector_load %arg9[%swap3A_77] {strides = array<i32>} : memref<640xf32, #tpu.memory_space<vmem>>, vector<16xf32>,
    tpu.vector_store %arg9[%swap3A_77], %broadcast_in_dim3A_3 {strides = array<i32>} : memref<640xf32, #tpu.memory_space<vmem>>, vector<16xf32>,
    %swap3A_79 = arith.constant 608 : index
    %swap3A_80 = tpu.vector_load %arg9[%swap3A_79] {strides = array<i32>} : memref<640xf32, #tpu.memory_space<vmem>>, vector<16xf32>,
    tpu.vector_store %arg9[%swap3A_79], %broadcast_in_dim3A_3 {strides = array<i32>} : memref<640xf32, #tpu.memory_space<vmem>>, vector<16xf32>,
    %swap3A_81 = arith.constant 624 : index
    %swap3A_82 = tpu.vector_load %arg9[%swap3A_81] {strides = array<i32>} : memref<640xf32, #tpu.memory_space<vmem>>, vector<16xf32>,
    tpu.vector_store %arg9[%swap3A_81], %broadcast_in_dim3A_3 {strides = array<i32>} : memref<640xf32, #tpu.memory_space<vmem>>, vector<16xf32>,
    %broadcast_in_dim3A_83 = arith.constant 1.000000e+00 : f32
    %broadcast_in_dim3A_84 = vector.broadcast %broadcast_in_dim3A_83 : f32 to vector<16xf32>
    %swap3A_85 = arith.constant 0 : index
    %swap3A_86 = tpu.vector_load %arg8[%swap3A_85] {strides = array<i32>} : memref<64xf32, #tpu.memory_space<vmem>>, vector<16xf32>,
    tpu.vector_store %arg8[%swap3A_85], %broadcast_in_dim3A_84 {strides = array<i32>} : memref<64xf32, #tpu.memory_space<vmem>>, vector<16xf32>,
    %broadcast_in_dim3A_87 = arith.constant 10239 : i32
    %broadcast_in_dim3A_88 = vector.broadcast %broadcast_in_dim3A_87 : i32 to vector<16xi32>
    %swap3A_89 = arith.constant 0 : index
    %swap3A_90 = tpu.vector_load %arg7[%swap3A_89] {strides = array<i32>} : memref<64xi32, #tpu.memory_space<vmem>>, vector<16xi32>,
    tpu.vector_store %arg7[%swap3A_89], %broadcast_in_dim3A_88 {strides = array<i32>} : memref<64xi32, #tpu.memory_space<vmem>>, vector<16xi32>,
    %broadcast_in_dim3A_91 = arith.constant 1.000000e+00 : f32
    %broadcast_in_dim3A_92 = vector.broadcast %broadcast_in_dim3A_91 : f32 to vector<16xf32>
    %swap3A_93 = arith.constant 16 : index
    %swap3A_94 = tpu.vector_load %arg8[%swap3A_93] {strides = array<i32>} : memref<64xf32, #tpu.memory_space<vmem>>, vector<16xf32>,
    tpu.vector_store %arg8[%swap3A_93], %broadcast_in_dim3A_92 {strides = array<i32>} : memref<64xf32, #tpu.memory_space<vmem>>, vector<16xf32>,
    %broadcast_in_dim3A_95 = arith.constant 10239 : i32
    %broadcast_in_dim3A_96 = vector.broadcast %broadcast_in_dim3A_95 : i32 to vector<16xi32>
    %swap3A_97 = arith.constant 16 : index
    %swap3A_98 = tpu.vector_load %arg7[%swap3A_97] {strides = array<i32>} : memref<64xi32, #tpu.memory_space<vmem>>, vector<16xi32>,
    tpu.vector_store %arg7[%swap3A_97], %broadcast_in_dim3A_96 {strides = array<i32>} : memref<64xi32, #tpu.memory_space<vmem>>, vector<16xi32>,
    %broadcast_in_dim3A_99 = arith.constant 1.000000e+00 : f32
    %broadcast_in_dim3A_100 = vector.broadcast %broadcast_in_dim3A_99 : f32 to vector<16xf32>
    %swap3A_101 = arith.constant 32 : index
    %swap3A_102 = tpu.vector_load %arg8[%swap3A_101] {strides = array<i32>} : memref<64xf32, #tpu.memory_space<vmem>>, vector<16xf32>,
    tpu.vector_store %arg8[%swap3A_101], %broadcast_in_dim3A_100 {strides = array<i32>} : memref<64xf32, #tpu.memory_space<vmem>>, vector<16xf32>,
    %broadcast_in_dim3A_103 = arith.constant 10239 : i32
    %broadcast_in_dim3A_104 = vector.broadcast %broadcast_in_dim3A_103 : i32 to vector<16xi32>
    %swap3A_105 = arith.constant 32 : index
    %swap3A_106 = tpu.vector_load %arg7[%swap3A_105] {strides = array<i32>} : memref<64xi32, #tpu.memory_space<vmem>>, vector<16xi32>,
    tpu.vector_store %arg7[%swap3A_105], %broadcast_in_dim3A_104 {strides = array<i32>} : memref<64xi32, #tpu.memory_space<vmem>>, vector<16xi32>,
    %broadcast_in_dim3A_107 = arith.constant 1.000000e+00 : f32
    %broadcast_in_dim3A_108 = vector.broadcast %broadcast_in_dim3A_107 : f32 to vector<16xf32>
    %swap3A_109 = arith.constant 48 : index
    %swap3A_110 = tpu.vector_load %arg8[%swap3A_109] {strides = array<i32>} : memref<64xf32, #tpu.memory_space<vmem>>, vector<16xf32>,
    tpu.vector_store %arg8[%swap3A_109], %broadcast_in_dim3A_108 {strides = array<i32>} : memref<64xf32, #tpu.memory_space<vmem>>, vector<16xf32>,
    %broadcast_in_dim3A_111 = arith.constant 10239 : i32
    %broadcast_in_dim3A_112 = vector.broadcast %broadcast_in_dim3A_111 : i32 to vector<16xi32>
    %swap3A_113 = arith.constant 48 : index
    %swap3A_114 = tpu.vector_load %arg7[%swap3A_113] {strides = array<i32>} : memref<64xi32, #tpu.memory_space<vmem>>, vector<16xi32>,
    tpu.vector_store %arg7[%swap3A_113], %broadcast_in_dim3A_112 {strides = array<i32>} : memref<64xi32, #tpu.memory_space<vmem>>, vector<16xi32>,
    %mul3A_115 = arith.constant 640 : i32
    %mul3A_116 = arith.muli %arg1, %mul3A_115 : i32
    "tpu.region"() ({
      %run_scoped3A = tpu.sem_alloc : memref<!tpu.dma_semaphore, #tpu.memory_space<semaphore_mem>>
      %dma_start3A = tpu.memref_slice %arg10[%mul3A_116] : memref<10240xf32, #tpu.memory_space<vmem_shared>> -> memref<640xf32, #tpu.memory_space<vmem_shared>>
      %dma_start3A_128 = tpu.memref_slice %arg10[%mul3A_116] : memref<10240xf32, #tpu.memory_space<vmem_shared>> -> memref<640xf32, #tpu.memory_space<vmem_shared>>
      tpu.enqueue_dma source(%arg9 : memref<640xf32, #tpu.memory_space<vmem>>) target(%dma_start3A_128 : memref<640xf32, #tpu.memory_space<vmem_shared>>) target_semaphore(%run_scoped3A : memref<!tpu.dma_semaphore, #tpu.memory_space<semaphore_mem>>)
      %dma_wait3A = tpu.memref_slice %arg10[%mul3A_116] : memref<10240xf32, #tpu.memory_space<vmem_shared>> -> memref<640xf32, #tpu.memory_space<vmem_shared>>
      %dma_wait3A_129 = tpu.memref_slice %arg10[%mul3A_116] : memref<10240xf32, #tpu.memory_space<vmem_shared>> -> memref<640xf32, #tpu.memory_space<vmem_shared>>
      tpu.wait_dma2 semaphore(%run_scoped3A : memref<!tpu.dma_semaphore, #tpu.memory_space<semaphore_mem>>) src(%arg9 : memref<640xf32, #tpu.memory_space<vmem>>) dst(%dma_wait3A_129 : memref<640xf32, #tpu.memory_space<vmem_shared>>)
      tpu.yield
    }) : () -> ()
    %barrier3A = arith.constant 0 : index
    tpu.barrier barrier_id(%barrier3A)
    %scan3A = arith.constant 0 : i32
    %scan3A_117 = arith.constant 0 : i32
    %scan3A_118 = arith.constant 25 : i32
    %scan3A_119 = arith.addi %scan3A_117, %scan3A_118 : i32
    %scan3A_120 = arith.constant 1 : i32
    %scan3A_121 = scf.for %scan3A_128 = %scan3A_117 to %scan3A_119 step %scan3A_120 iter_args(%scan3A_129 = %scan3A) -> (i32)  : i32 {
      %mul3A_130 = arith.constant 800 : i32
      %mul3A_131 = arith.muli %scan3A_128, %mul3A_130 : i32
      %add3A_132 = arith.addi %mul3A_2, %mul3A_131 : i32
      "tpu.region"() ({
        %run_scoped3A = tpu.sem_alloc : memref<!tpu.dma_semaphore, #tpu.memory_space<semaphore_mem>>
        %dma_start3A = tpu.memref_slice %arg2[%add3A_132] : memref<320000xi32, #tpu.memory_space<hbm>> -> memref<800xi32, #tpu.memory_space<hbm>>
        %dma_start3A_139 = tpu.memref_slice %arg2[%add3A_132] : memref<320000xi32, #tpu.memory_space<hbm>> -> memref<800xi32, #tpu.memory_space<hbm>>
        tpu.enqueue_dma source(%dma_start3A_139 : memref<800xi32, #tpu.memory_space<hbm>>) target(%arg5 : memref<800xi32, #tpu.memory_space<vmem>>) target_semaphore(%run_scoped3A : memref<!tpu.dma_semaphore, #tpu.memory_space<semaphore_mem>>)
        %dma_wait3A = tpu.memref_slice %arg2[%add3A_132] : memref<320000xi32, #tpu.memory_space<hbm>> -> memref<800xi32, #tpu.memory_space<hbm>>
        %dma_wait3A_140 = tpu.memref_slice %arg2[%add3A_132] : memref<320000xi32, #tpu.memory_space<hbm>> -> memref<800xi32, #tpu.memory_space<hbm>>
        tpu.wait_dma2 semaphore(%run_scoped3A : memref<!tpu.dma_semaphore, #tpu.memory_space<semaphore_mem>>) src(%dma_wait3A_140 : memref<800xi32, #tpu.memory_space<hbm>>) dst(%arg5 : memref<800xi32, #tpu.memory_space<vmem>>)
        tpu.yield
      }) : () -> ()
      "tpu.region"() ({
        %run_scoped3A = tpu.sem_alloc : memref<!tpu.dma_semaphore, #tpu.memory_space<semaphore_mem>>
        %dma_start3A = tpu.memref_slice %arg3[%add3A_132] : memref<320000xi32, #tpu.memory_space<hbm>> -> memref<800xi32, #tpu.memory_space<hbm>>
        %dma_start3A_139 = tpu.memref_slice %arg3[%add3A_132] : memref<320000xi32, #tpu.memory_space<hbm>> -> memref<800xi32, #tpu.memory_space<hbm>>
        tpu.enqueue_dma source(%dma_start3A_139 : memref<800xi32, #tpu.memory_space<hbm>>) target(%arg6 : memref<800xi32, #tpu.memory_space<vmem>>) target_semaphore(%run_scoped3A : memref<!tpu.dma_semaphore, #tpu.memory_space<semaphore_mem>>)
        %dma_wait3A = tpu.memref_slice %arg3[%add3A_132] : memref<320000xi32, #tpu.memory_space<hbm>> -> memref<800xi32, #tpu.memory_space<hbm>>
        %dma_wait3A_140 = tpu.memref_slice %arg3[%add3A_132] : memref<320000xi32, #tpu.memory_space<hbm>> -> memref<800xi32, #tpu.memory_space<hbm>>
        tpu.wait_dma2 semaphore(%run_scoped3A : memref<!tpu.dma_semaphore, #tpu.memory_space<semaphore_mem>>) src(%dma_wait3A_140 : memref<800xi32, #tpu.memory_space<hbm>>) dst(%arg6 : memref<800xi32, #tpu.memory_space<vmem>>)
        tpu.yield
      }) : () -> ()
      %scan3A_133 = arith.constant 0 : i32
      %scan3A_134 = arith.constant 50 : i32
      %scan3A_135 = arith.addi %scan3A_133, %scan3A_134 : i32
      %scan3A_136 = arith.constant 1 : i32
      %scan3A_137 = scf.for %scan3A_139 = %scan3A_133 to %scan3A_135 step %scan3A_136 iter_args(%scan3A_140 = %scan3A_129) -> (i32)  : i32 {
        %mul3A_141 = arith.constant 16 : i32
        %mul3A_142 = arith.muli %scan3A_139, %mul3A_141 : i32
        %get3A = arith.index_cast %mul3A_142 : i32 to index
        %get3A_143 = tpu.vector_load %arg6[%get3A] {strides = array<i32>} : memref<800xi32, #tpu.memory_space<vmem>>, vector<16xi32>,
        %get3A_144 = arith.index_cast %mul3A_142 : i32 to index
        %get3A_145 = tpu.vector_load %arg5[%get3A_144] {strides = array<i32>} : memref<800xi32, #tpu.memory_space<vmem>>, vector<16xi32>,
        %eq3A = arith.cmpi eq, %get3A_145, %get3A_143 : vector<16xi32>
        %all_reduce_population_count3A = tpu.all_reduce %eq3A {dim = 0 : i64, kind = #tpu.reduction_kind<sum>} : vector<16xi1> -> vector<16xi32>
        %reduce_max3A = arith.constant true
        %reduce_max3A_146 = vector.broadcast %reduce_max3A : i1 to vector<16xi1>
        %reduce_max3A_147 = arith.constant -2147483648 : i32
        %reduce_max3A_148 = vector.broadcast %reduce_max3A_147 : i32 to vector<16xi32>
        %reduce_max3A_149 = arith.xori %all_reduce_population_count3A, %reduce_max3A_148 : vector<16xi32>
        %reduce_max3A_150 = tpu.scan <max>, %reduce_max3A_149 masked %reduce_max3A_146 : vector<16xi32>, vector<16xi1> -> vector<16xi32>
        %reduce_max3A_151 = arith.xori %reduce_max3A_150, %reduce_max3A_148 : vector<16xi32>
        %reduce_max3A_152 = vector.extract %reduce_max3A_151[15] : i32 from vector<16xi32>
        %min3A = arith.constant 48 : i32
        %min3A_153 = arith.minsi %scan3A_140, %min3A : i32
        %gt3A = arith.constant 0 : i32
        %gt3A_154 = arith.cmpi sgt, %reduce_max3A_152, %gt3A : i32
        %convert_element_type3A = arith.extui %gt3A_154 : i1 to i32
        %cond3A = arith.constant 0 : i32
        %cond3A_155 = arith.cmpi ne, %convert_element_type3A, %cond3A : i32
        scf.if %cond3A_155 {
          %swap3A_159 = arith.index_cast %min3A_153 : i32 to index
          %swap3A_160 = tpu.vector_load %arg7[%swap3A_159] masked %eq3A {strides = array<i32>} : memref<64xi32, #tpu.memory_space<vmem>>, vector<16xi32>, vector<16xi1>
          tpu.vector_store %arg7[%swap3A_159], %get3A_143 masked %eq3A {strides = array<i32>} : memref<64xi32, #tpu.memory_space<vmem>>, vector<16xi32>, vector<16xi1>
        } else {
        }
        %add3A_156 = arith.addi %scan3A_140, %reduce_max3A_152 : i32
        %min3A_157 = arith.constant 48 : i32
        %min3A_158 = arith.minsi %add3A_156, %min3A_157 : i32
        scf.yield %min3A_158 : i32
      }
      %scan3A_138 = arith.constant 50 : i32
      scf.yield %scan3A_137 : i32
    }
    %scan3A_122 = arith.constant 25 : i32
    "tpu.region"() ({
      %run_scoped3A = tpu.sem_alloc : memref<!tpu.dma_semaphore, #tpu.memory_space<semaphore_mem>>
      %dma_start3A = arith.constant 0 : i32
      %dma_start3A_128 = tpu.memref_slice %arg10[%dma_start3A] : memref<10240xf32, #tpu.memory_space<vmem_shared>> -> memref<10240xf32, #tpu.memory_space<vmem_shared>>
      tpu.enqueue_indirect_dma source(%arg8 : memref<64xf32, #tpu.memory_space<vmem>>) target(%dma_start3A_128 : memref<10240xf32, #tpu.memory_space<vmem_shared>>) offsets(%arg7 : memref<64xi32, #tpu.memory_space<vmem>>) semaphore(%run_scoped3A : memref<!tpu.dma_semaphore, #tpu.memory_space<semaphore_mem>>) {add = true}
      %dma_wait3A = arith.constant 0 : i32
      %dma_wait3A_129 = tpu.memref_slice %arg10[%dma_wait3A] : memref<10240xf32, #tpu.memory_space<vmem_shared>> -> memref<10240xf32, #tpu.memory_space<vmem_shared>>
      tpu.wait_indirect_dma semaphore(%run_scoped3A : memref<!tpu.dma_semaphore, #tpu.memory_space<semaphore_mem>>) src(%arg8 : memref<64xf32, #tpu.memory_space<vmem>>) dst(%dma_wait3A_129 : memref<10240xf32, #tpu.memory_space<vmem_shared>>)
      tpu.yield
    }) : () -> ()
    %barrier3A_123 = arith.constant 0 : index
    tpu.barrier barrier_id(%barrier3A_123)
    %mul3A_124 = arith.constant 640 : i32
    %mul3A_125 = arith.muli %arg1, %mul3A_124 : i32
    %mul3A_126 = arith.constant 640 : i32
    %mul3A_127 = arith.muli %arg1, %mul3A_126 : i32
    "tpu.region"() ({
      %run_scoped3A = tpu.sem_alloc : memref<!tpu.dma_semaphore, #tpu.memory_space<semaphore_mem>>
      %dma_start3A = tpu.memref_slice %arg4[%mul3A_127] : memref<10240xf32, #tpu.memory_space<hbm>> -> memref<640xf32, #tpu.memory_space<hbm>>
      %dma_start3A_128 = tpu.memref_slice %arg10[%mul3A_125] : memref<10240xf32, #tpu.memory_space<vmem_shared>> -> memref<640xf32, #tpu.memory_space<vmem_shared>>
      tpu.enqueue_dma source(%dma_start3A_128 : memref<640xf32, #tpu.memory_space<vmem_shared>>) target(%dma_start3A : memref<640xf32, #tpu.memory_space<hbm>>) target_semaphore(%run_scoped3A : memref<!tpu.dma_semaphore, #tpu.memory_space<semaphore_mem>>)
      %dma_wait3A = tpu.memref_slice %arg4[%mul3A_127] : memref<10240xf32, #tpu.memory_space<hbm>> -> memref<640xf32, #tpu.memory_space<hbm>>
      %dma_wait3A_129 = tpu.memref_slice %arg10[%mul3A_125] : memref<10240xf32, #tpu.memory_space<vmem_shared>> -> memref<640xf32, #tpu.memory_space<vmem_shared>>
      tpu.wait_dma2 semaphore(%run_scoped3A : memref<!tpu.dma_semaphore, #tpu.memory_space<semaphore_mem>>) src(%dma_wait3A_129 : memref<640xf32, #tpu.memory_space<vmem_shared>>) dst(%dma_wait3A : memref<640xf32, #tpu.memory_space<hbm>>)
      tpu.yield
    }) : () -> ()
    return
  }
}

module attributes {stable_mosaic.version = 14 : i64} {
  func.func @body(%arg0: i32, %arg1: memref<400x128xf32, #tpu.memory_space<vmem>>, %arg2: memref<1x400x128xf32, #tpu.memory_space<vmem>>, %arg3: memref<1x400x1xf32, #tpu.memory_space<vmem>>, %arg4: memref<400x128xf32, #tpu.memory_space<vmem>>, %arg5: memref<256x128xf32, #tpu.memory_space<vmem>>, %arg6: memref<1x128xf32, #tpu.memory_space<vmem>>, %arg7: memref<400x128xf32, #tpu.memory_space<vmem>>) attributes {dimension_semantics = [#tpu.dimension_semantics<arbitrary>], iteration_bounds = array<i64: 25>, scalar_prefetch = 0 : i64, scratch_operands = 0 : i64, tpu.core_type = #tpu.core_type<tc>, window_params = [{transform_indices = @transform_0, window_bounds = array<i64: 400, 128>}, {transform_indices = @transform_1, window_bounds = array<i64: 1, 400, 128>}, {transform_indices = @transform_2, window_bounds = array<i64: 1, 400, 1>}, {transform_indices = @transform_3, window_bounds = array<i64: 400, 128>}, {pipeline_mode = #tpu.pipeline_mode<synchronous>, transform_indices = @transform_4, window_bounds = array<i64: 256, 128>}, {pipeline_mode = #tpu.pipeline_mode<synchronous>, transform_indices = @transform_5, window_bounds = array<i64: 1, 128>}, {transform_indices = @transform_6, window_bounds = array<i64: 400, 128>}]} {
    %get3A = arith.constant 0 : index
    %get3A_0 = arith.constant 0 : index
    %get3A_1 = arith.constant 0 : index
    %get3A_2 = vector.load %arg2[%get3A, %get3A_0, %get3A_1] : memref<1x400x128xf32, #tpu.memory_space<vmem>>, vector<1x400x128xf32>
    %get3A_3 = vector.shape_cast %get3A_2 : vector<1x400x128xf32> to vector<400x128xf32>
    %get3A_4 = arith.constant 0 : index
    %get3A_5 = arith.constant 0 : index
    %get3A_6 = arith.constant 0 : index
    %get3A_7 = vector.load %arg3[%get3A_4, %get3A_5, %get3A_6] : memref<1x400x1xf32, #tpu.memory_space<vmem>>, vector<1x400x1xf32>
    %get3A_8 = vector.shape_cast %get3A_7 : vector<1x400x1xf32> to vector<400xf32>
    %broadcast_in_dim3A = vector.shape_cast %get3A_8 : vector<400xf32> to vector<400x1xf32>
    %div3A = vector.broadcast %broadcast_in_dim3A : vector<400x1xf32> to vector<400x128xf32>
    %div3A_9 = arith.divf %get3A_3, %div3A : vector<400x128xf32>
    %get3A_10 = arith.constant 0 : index
    %get3A_11 = arith.constant 0 : index
    %get3A_12 = vector.load %arg1[%get3A_10, %get3A_11] : memref<400x128xf32, #tpu.memory_space<vmem>>, vector<400x128xf32>
    %get3A_13 = arith.constant 0 : index
    %get3A_14 = arith.constant 0 : index
    %get3A_15 = vector.load %arg5[%get3A_13, %get3A_14] : memref<256x128xf32, #tpu.memory_space<vmem>>, vector<128x128xf32>
    %dot_general3A = arith.constant dense<0.000000e+00> : vector<400x128xf32>
    %dot_general3A_16 = tpu.matmul %get3A_12, %get3A_15, %dot_general3A {dimension_numbers = #tpu.dot_dimension_numbers<[1], [0], [0], [1], [0, 0, 1, 1], [], []>, transpose_lhs_hint = false} : vector<400x128xf32>, vector<128x128xf32>, vector<400x128xf32> -> vector<400x128xf32>
    %get3A_17 = arith.constant 128 : index
    %get3A_18 = arith.constant 0 : index
    %get3A_19 = vector.load %arg5[%get3A_17, %get3A_18] : memref<256x128xf32, #tpu.memory_space<vmem>>, vector<128x128xf32>
    %dot_general3A_20 = arith.constant dense<0.000000e+00> : vector<400x128xf32>
    %dot_general3A_21 = tpu.matmul %div3A_9, %get3A_19, %dot_general3A_20 {dimension_numbers = #tpu.dot_dimension_numbers<[1], [0], [0], [1], [0, 0, 1, 1], [], []>, transpose_lhs_hint = false} : vector<400x128xf32>, vector<128x128xf32>, vector<400x128xf32> -> vector<400x128xf32>
    %add3A = arith.addf %dot_general3A_16, %dot_general3A_21 : vector<400x128xf32>
    %get3A_22 = arith.constant 0 : index
    %get3A_23 = arith.constant 0 : index
    %get3A_24 = vector.load %arg6[%get3A_22, %get3A_23] : memref<1x128xf32, #tpu.memory_space<vmem>>, vector<1x128xf32>
    %add3A_25 = vector.broadcast %get3A_24 : vector<1x128xf32> to vector<400x128xf32>
    %add3A_26 = arith.addf %add3A, %add3A_25 : vector<400x128xf32>
    %gt3A = arith.constant 0.000000e+00 : f32
    %gt3A_27 = vector.broadcast %gt3A : f32 to vector<400x128xf32>
    %gt3A_28 = arith.cmpf ogt, %add3A_26, %gt3A_27 : vector<400x128xf32>
    %mul3A = arith.constant 0.00999999977 : f32
    %mul3A_29 = vector.broadcast %mul3A : f32 to vector<400x128xf32>
    %mul3A_30 = arith.mulf %mul3A_29, %add3A_26 : vector<400x128xf32>
    %select_n3A = arith.select %gt3A_28, %add3A_26, %mul3A_30 : vector<400x128xi1>, vector<400x128xf32>
    %mul3A_31 = arith.mulf %select_n3A, %select_n3A : vector<400x128xf32>
    %reduce_sum3A = arith.constant dense<0.000000e+00> : vector<400xf32>
    %reduce_sum3A_32 = vector.multi_reduction <add>, %mul3A_31, %reduce_sum3A [1] : vector<400x128xf32> to vector<400xf32>
    %broadcast_in_dim3A_33 = vector.shape_cast %reduce_sum3A_32 : vector<400xf32> to vector<400x1xf32>
    %sqrt3A = math.sqrt %broadcast_in_dim3A_33 : vector<400x1xf32>
    %add3A_34 = arith.constant 9.99999996E-13 : f32
    %add3A_35 = vector.broadcast %add3A_34 : f32 to vector<400x1xf32>
    %add3A_36 = arith.addf %sqrt3A, %add3A_35 : vector<400x1xf32>
    %div3A_37 = vector.broadcast %add3A_36 : vector<400x1xf32> to vector<400x128xf32>
    %div3A_38 = arith.divf %select_n3A, %div3A_37 : vector<400x128xf32>
    %gt3A_39 = arith.constant 0.000000e+00 : f32
    %gt3A_40 = vector.broadcast %gt3A_39 : f32 to vector<400xf32>
    %gt3A_41 = arith.cmpf ogt, %get3A_8, %gt3A_40 : vector<400xf32>
    %broadcast_in_dim3A_42 = vector.shape_cast %gt3A_41 : vector<400xi1> to vector<400x1xi1>
    %get3A_43 = arith.constant 0 : index
    %get3A_44 = arith.constant 0 : index
    %get3A_45 = vector.load %arg4[%get3A_43, %get3A_44] : memref<400x128xf32, #tpu.memory_space<vmem>>, vector<400x128xf32>
    %broadcast_in_dim3A_46 = vector.shape_cast %broadcast_in_dim3A_42 : vector<400x1xi1> to vector<400x1xi1>
    %broadcast_in_dim3A_47 = vector.broadcast %broadcast_in_dim3A_46 : vector<400x1xi1> to vector<400x128xi1>
    %select_n3A_48 = arith.select %broadcast_in_dim3A_47, %div3A_38, %get3A_45 : vector<400x128xi1>, vector<400x128xf32>
    %swap3A = arith.constant 0 : index
    %swap3A_49 = arith.constant 0 : index
    %swap3A_50 = vector.load %arg7[%swap3A, %swap3A_49] : memref<400x128xf32, #tpu.memory_space<vmem>>, vector<400x128xf32>
    tpu.vector_store %arg7[%swap3A, %swap3A_49], %select_n3A_48 {strides = array<i32>} : memref<400x128xf32, #tpu.memory_space<vmem>>, vector<400x128xf32>,
    return
  }
  func.func @transform_0(%arg0: i32) -> (i32, i32) {
    %c0_i32 = arith.constant 0 : i32
    %c0_i32_0 = arith.constant 0 : i32
    return %arg0, %c0_i32 : i32, i32
  }
  func.func @transform_1(%arg0: i32) -> (i32, i32, i32) {
    %c0_i32 = arith.constant 0 : i32
    %c0_i32_0 = arith.constant 0 : i32
    %c0_i32_1 = arith.constant 0 : i32
    return %c0_i32, %arg0, %c0_i32_0 : i32, i32, i32
  }
  func.func @transform_2(%arg0: i32) -> (i32, i32, i32) {
    %c0_i32 = arith.constant 0 : i32
    %c0_i32_0 = arith.constant 0 : i32
    %c0_i32_1 = arith.constant 0 : i32
    return %c0_i32, %arg0, %c0_i32_0 : i32, i32, i32
  }
  func.func @transform_3(%arg0: i32) -> (i32, i32) {
    %c0_i32 = arith.constant 0 : i32
    %c0_i32_0 = arith.constant 0 : i32
    return %arg0, %c0_i32 : i32, i32
  }
  func.func @transform_4(%arg0: i32) -> (i32, i32) {
    %c0_i32 = arith.constant 0 : i32
    %c0_i32_0 = arith.constant 0 : i32
    %c0_i32_1 = arith.constant 0 : i32
    return %c0_i32, %c0_i32_0 : i32, i32
  }
  func.func @transform_5(%arg0: i32) -> (i32, i32) {
    %c0_i32 = arith.constant 0 : i32
    %c0_i32_0 = arith.constant 0 : i32
    %c0_i32_1 = arith.constant 0 : i32
    return %c0_i32, %c0_i32_0 : i32, i32
  }
  func.func @transform_6(%arg0: i32) -> (i32, i32) {
    %c0_i32 = arith.constant 0 : i32
    %c0_i32_0 = arith.constant 0 : i32
    return %arg0, %c0_i32 : i32, i32
  }
}

</mosaic_0001>

<sc_bundles>
// kernel: closed_call.9.cloned.1.call-start
scs
__scs_entry_jumppad:
0x0: {  	(pc) =	sbr.rel $0x88, $3  }
0x1: {  	(tag) =	ssettag $0x0;
	lr =	simm.s32 $0x1  }
0x2: {  	[smem:$0x3F99] =	sst lr;
	_ =	strace $0xD0000000  }
0x3: {  	_ = 	snop  }
0x4: {  	_ = 	snop  }
0x5: {  	_ = 	snop  }
0x6: {  	_ = 	snop  }
0x7: {  	_ = 	snop  }
__scs_overlays_trampoline_lowered:
0x8: {  	[smem:$0x3FA8] =	sst s0  }
0x9: {  	[smem:$0x3FA9] =	sst s1  }
0xa: {  	[smem:$0x3FAA] =	sst s2  }
0xb: {  	[smem:$0x3FAB] =	sst s3  }
0xc: {  	[smem:$0x3FAC] =	sst s4  }
0xd: {  	[smem:$0x3FAD] =	sst s5  }
0xe: {  	[smem:$0x3FAE] =	sst s6  }
0xf: {  	[smem:$0x3FAF] =	sst s7  }
0x10: {  	[smem:$0x3FB0] =	sst s8  }
0x11: {  	[smem:$0x3FB1] =	sst s9;
	s0 =	simm.s32 @!p0 $0x0  }
0x12: {  	s1 =	sld [smem:$0x3F97];
	s0 =	simm.s32 @p0 $0x1  }
0x13: {  	[smem:$0x3FB2] =	sst s0;
	s0 =	simm.s32 @!p1 $0x0  }
0x14: {  	s2 =	sld [smem:$0x3F96];
	s0 =	simm.s32 @p1 $0x1  }
0x15: {  	[smem:$0x3FB3] =	sst s0;
	s0 =	simm.s32 @!p2 $0x0  }
0x16: {  	s3 =	sld [smem:$0x3FDB];
	s0 =	simm.s32 @p2 $0x1  }
0x17: {  	s4 =	simm.s32 $0x1BF5;
	[smem:$0x3FB5] =	sst s0  }
0x18: {  	s0 =	sld [smem:$0x3F98];
	_ =	swait.ge [sflag:s4], $0x0  }
0x19: {  	s7 =	sld [smem:$0x3F99]  }
0x1a: {  	s8 =	sadd.s32 $0xFFFFE003, lr  }
0x1b: {  	s9 =	sadd.s32 $0xFFFFFEF7, lr;
	s5 =	simm.s32 $0xFFFFFFFF;
	p2 =	slt.u32 s8, $0xFFFFF086  }
0x1c: {  	p1 =	slt.u32 s9, $0xF7A;
	s5 =	simm.s32 @!p2 $0x0  }
0x1d: {  	s5 =	simm.s32 @p1 $0x1;
	p0 =	seq.s32 s7, s2  }
0x1e: {  	s7 =	smul.u32 @!p0 $0xF7A, s2;
	p2 =	seq.s32 @!p0 s5, $0x0  }
0x1f: {  	s9 =	smul.u32 $0xF7A, s1;
	s8 =	simm.s32 @!p0 $0x1BF5;
	p2 =	por !p2, p0  }
0x20: {  	[sflag:s8] =	ssyncset.s32 @!p0 $0xFFFFF086;
	s6 =	sadd.s32 @!p0 s3, s7;
	s7 =	simm.s32 @!p0 $0x108  }
0x21: {  	s3 =	sadd.s32 s3, s9;
	s6 =	sadd.s32 @!p0 $0x88, s6;
	s7 =	simm.s32 @p2 $0x1082  }
0x22: {  	[simem:s7], [sflag:s8] =	dma.local @!p0 [hbm:s6], $0xF7A  }
0x23: {  	s9 =	sor.u32 $0xD0000000, s2;
	s6 =	simm.s32 $0x108;
	_ =	swait.ge @!p0 [sflag:s8], $0x0  }
0x24: {  	s3 =	sadd.s32 $0x88, s3;
	s6 =	simm.s32 @!p1 $0x1082;
	[sflag:s4] =	ssyncset.s32 $0xFFFFF086  }
0x25: {  	[simem:s6], [sflag:s4] =	dma.local [hbm:s3], $0xF7A  }
0x26: {  	[smem:$0x3F99] =	sst s1;
	(tag) =	ssettag s2;
	_ =	strace s9  }
0x27: {  	s1 =	sld [smem:$0x3FA9]  }
0x28: {  	s2 =	sld [smem:$0x3FAA]  }
0x29: {  	s4 =	sld [smem:$0x3FAC]  }
0x2a: {  	p0 =	seq.s32 s5, $0x0;
	s5 =	sld [smem:$0x3FAD]  }
0x2b: {  	s6 =	sld [smem:$0x3FAE]  }
0x2c: {  	s7 =	sld [smem:$0x3FAF]  }
0x2d: {  	s3 =	simm.s32 $0x108;
	s8 =	sld [smem:$0x3FB0]  }
0x2e: {  	s3 =	simm.s32 @!p0 $0x1082;
	s9 =	sld [smem:$0x3FB1]  }
0x2f: {  	lr =	sadd.s32 s0, s3;
	s0 =	sld [smem:$0x3FA8]  }
0x30: {  	s3 =	sld [smem:$0x3FAB]  }
0x31: {  	[smem:$0x3FB4] =	sst s10  }
0x32: {  	s10 =	sld [smem:$0x3FB2];
	_ =	sdelay $0x3  }
0x33: {  	p0 =	seq.s32 s10, $0x1;
	s10 =	sld [smem:$0x3FB4];
	_ =	sdelay $0x3  }
0x34: {  	[smem:$0x3FB4] =	sst s10  }
0x35: {  	s10 =	sld [smem:$0x3FB3];
	_ =	sdelay $0x3  }
0x36: {  	p1 =	seq.s32 s10, $0x1;
	s10 =	sld [smem:$0x3FB4];
	_ =	sdelay $0x3  }
0x37: {  	[smem:$0x3FB4] =	sst s10  }
0x38: {  	s10 =	sld [smem:$0x3FB5]  }
0x39: {  	_ = 	snop;
	(pc) =	sbr.ind lr, $3  }
0x3a: {  	_ = 	snop  }
0x3b: {  	_ = 	snop  }
0x3c: {  	p2 =	seq.s32 s10, $0x1;
	s10 =	sld [smem:$0x3FB4]  }
0x3d: {  	_ =	shalt  }
0x3e: {  	_ =	shalt  }
0x3f: {  	_ =	shalt  }
0x40: {  	_ =	shalt  }
0x41: {  	_ =	shalt  }
0x42: {  	_ =	shalt  }
0x43: {  	_ =	shalt  }
0x44: {  	_ =	shalt  }
0x45: {  	_ =	shalt  }
0x46: {  	_ =	shalt  }
0x47: {  	_ =	shalt  }
0x48: {  	_ =	shalt  }
0x49: {  	_ =	shalt  }
0x4a: {  	_ =	shalt  }
0x4b: {  	_ =	shalt  }
0x4c: {  	_ =	shalt  }
0x4d: {  	_ =	shalt  }
0x4e: {  	_ =	shalt  }
0x4f: {  	_ =	shalt  }
0x50: {  	_ =	shalt  }
0x51: {  	_ =	shalt  }
0x52: {  	_ =	shalt  }
0x53: {  	_ =	shalt  }
0x54: {  	_ =	shalt  }
0x55: {  	_ =	shalt  }
0x56: {  	_ =	shalt  }
0x57: {  	_ =	shalt  }
0x58: {  	_ =	shalt  }
0x59: {  	_ =	shalt  }
0x5a: {  	_ =	shalt  }
0x5b: {  	_ =	shalt  }
0x5c: {  	_ =	shalt  }
0x5d: {  	_ =	shalt  }
0x5e: {  	_ =	shalt  }
0x5f: {  	_ =	shalt  }
0x60: {  	_ =	shalt  }
0x61: {  	_ =	shalt  }
0x62: {  	_ =	shalt  }
0x63: {  	_ =	shalt  }
0x64: {  	_ =	shalt  }
0x65: {  	_ =	shalt  }
0x66: {  	_ =	shalt  }
0x67: {  	_ =	shalt  }
0x68: {  	_ =	shalt  }
0x69: {  	_ =	shalt  }
0x6a: {  	_ =	shalt  }
0x6b: {  	_ =	shalt  }
0x6c: {  	_ =	shalt  }
0x6d: {  	_ =	shalt  }
0x6e: {  	_ =	shalt  }
0x6f: {  	_ =	shalt  }
0x70: {  	_ =	shalt  }
0x71: {  	_ =	shalt  }
0x72: {  	_ =	shalt  }
0x73: {  	_ =	shalt  }
0x74: {  	_ =	shalt  }
0x75: {  	_ =	shalt  }
0x76: {  	_ =	shalt  }
0x77: {  	_ =	shalt  }
0x78: {  	_ =	shalt  }
0x79: {  	_ =	shalt  }
0x7a: {  	_ =	shalt  }
0x7b: {  	_ =	shalt  }
0x7c: {  	_ =	shalt  }
0x7d: {  	_ =	shalt  }
0x7e: {  	_ =	shalt  }
0x7f: {  	_ =	shalt  }
0x80: {  	_ =	shalt  }
0x81: {  	_ =	shalt  }
0x82: {  	_ =	shalt  }
0x83: {  	_ =	shalt  }
0x84: {  	_ =	shalt  }
0x85: {  	_ =	shalt  }
0x86: {  	_ =	shalt  }
0x87: {  	_ =	shalt  }
.Lfunc_end0:
.L_simem_size_0:
called_computation_lowered:
.L_overlay_start_0:
0x88: {  	s0 =	sld [smem:$0x3FD9]  }
0x89: {  	s1 =	sld [smem:$0x3FFE];
	_ =	sdelay $0x3  }
0x8a: {  	s0 =	sadd.s32 s1, s0  }
0x8b: {  	[smem:$0x3FC0] =	sst s0  }
0x8c: {  	_ = 	snop  }
0x8d: {  	s0 =	sld [smem:$0x3FC7]  }
0x8e: {  	s16 =	sld [smem:$0x3FC6]  }
0x8f: {  	s2 =	sld [smem:$0x3FD0];
	(tm) =	ssettm $0x1  }
0x90: {  	s3 =	sld [smem:$0x3FFB];
	_ =	sdelay $0x3  }
0x91: {  	_ =	strace s3  }
0x92: {  	s3 =	sld [smem:$0x3FFC];
	_ =	sdelay $0x3  }
0x93: {  	_ =	strace s3  }
0x94: {  	s3 =	sld [smem:$0x3FFD];
	_ =	sdelay $0x3  }
0x95: {  	_ =	strace s3  }
0x96: {  	_ =	strace $0x8FFFFFFF  }
0x97: {  	s17 =	sld [smem:$0x3FDB];
	_ =	sdelay $0x1  }
0x98: {  	s4 =	simm.s32 $_scs_section_size  }
0x99: {  	s5 =	simm.s32 $_size__tile_overlayer_lowered;
	s6 =	simm.s32 $_tile_overlayer_lowered  }
0x9a: {  	s20 =	simm.s32 $0x1BFF;
	s19 =	sshll.u32 s6, $0x1;
	s3 =	sadd.s32 s4, s17  }
0x9b: {  	s7 =	simm.s32 $0x0;
	s18 =	sshll.u32 s5, $0x1;
	s5 =	sadd.s32 s19, s3  }
0x9c: {  	[timem:s7], [sflag:s20] =	dma.local [hbm:s5], s18  }
0x9d: {  	_ =	swait.ge [sflag:s20], s18  }
0x9e: {  	s4 =	ssub.s32 $0x0, s18;
	[sflag:s20] =	ssyncset.done $0x0  }
0x9f: {  	[sflag:s20] =	ssyncadd.s32 s4;
	_ =	sdelay $0x1  }
0xa0: {  	s21 =	simm.s32 $0x1B8B  }
0xa1: {  	_ =	swait.ge [sflag:s21], $0x1  }
0xa2: {  	[sflag:s21] =	ssyncset.done $0x0  }
0xa3: {  	s23 =	simm.s32 $0x1B8E;
	s22 =	sld [smem:$0x3FFE];
	[sflag:s21] =	ssyncadd.s32 $0xFFFFFFFF  }
0xa4: {  	s24 =	simm.s32 $execute0_lowered;
	[smem:$0x3FD2] =	sst s23  }
0xa5: {  	s5 =	sshll.u32 s24, $0x1;
	_ =	strace $0x80000049;
	[dreg:$0x1] =	wrdreg $0xFFFFFFFF  }
0xa6: {  	s25 =	simm.s32 $_size_execute0_lowered;
	s3 =	sadd.s32 s3, s5;
	[dreg:$0x0] =	wrdreg $0x0  }
0xa7: {  	s5 =	sshll.u32 s25, $0x1;
	[dreg:$0x2] =	wrdreg s3  }
0xa8: {  	[dreg:$0x3] =	wrdreg s5  }
0xa9: {  	[dreg:$0x4] =	wrdreg $0xC0  }
0xaa: {  	_ =	task [dreg:s7], $0x5FFFF  }
0xab: {  	[dreg:$0x1] =	wrdreg $0xFFFFFFFF  }
0xac: {  	[dreg:$0x0] =	wrdreg $0x60  }
0xad: {  	[dreg:$0x2] =	wrdreg s2  }
0xae: {  	[dreg:$0x3] =	wrdreg s22  }
0xaf: {  	[dreg:$0x4] =	wrdreg s0  }
0xb0: {  	[dreg:$0x5] =	wrdreg s16  }
0xb1: {  	[dreg:$0x6] =	wrdreg $0xA8000  }
0xb2: {  	[dreg:$0x7] =	wrdreg $0x1E8000  }
0xb3: {  	[dreg:$0x8] =	wrdreg $0x9  }
0xb4: {  	_ =	task.clear_ibuf [dreg:s7], $0x9FFFF;
	_ =	strace $0x90000049  }
0xb5: {  	s26 =	simm.s32 $0x9;
	_ =	strace $0x8000004B  }
0xb6: {  	_ =	swait.ge [sflag:s26], $0x1  }
0xb7: {  	[sflag:s26] =	ssyncadd.s32 $0xFFFFFFFF  }
0xb8: {  	_ =	strace $0x9000004B  }
0xb9: {  	_ =	sfence  }
0xba: {  	s28 =	sld [smem:$0x0];
	_ =	sdelay $0x1  }
0xbb: {  	s29 =	srdreg.scid  }
0xbc: {  	s30 =	sshll.u32 s29, $0xD;
	s31 =	sshrl.u32 s29, $0x2  }
0xbd: {  	s1 =	sand.u32 $0x1, s29;
	s2 =	sand.u32 $0x4000, s30;
	s0 =	sadd.s32 s31, s28  }
0xbe: {  	s1 =	sor.u32 s2, s1;
	s0 =	sshll.u32 s0, $0x11  }
0xbf: {  	s0 =	sor.u32 s0, s1  }
0xc0: {  	s0 =	sadd.s32 $0x8F2B, s0  }
0xc1: {  	[sflag:s0] =	ssyncadd.remote.s32 $0x1  }
0xc2: {  	_ =	sfence.sel $0xFFFF  }
0xc3: {  	[dreg:$0x0] =	wrdreg $0xFFFFFFFF;
	(pc) =	sbr.abs _section_cstart, $3  }
0xc4: {  	[dreg:$0x1] =	wrdreg $0xFFFFFFFF  }
0xc5: {  	_ =	task.clear_ibuf [dreg:s7], $0x2FFFF;
	_ =	strace $0x9FFFFFFF  }
0xc6: {  	(tm) =	ssettm $0x7FFFFFFF  }
0xc7: {  	_ =	shalt  }
tec
execute0_lowered:
.L_overlay_start_1:
0x0: {  	(tag) =	ssettag $0x1  }
0x1: {  	s2 =	rddreg [dreg:$0x0]  }
0x2: {  	s0 =	rddreg [dreg:$0x1]  }
0x3: {  	s13 =	rddreg [dreg:$0x3]  }
0x4: {  	s5 =	rddreg [dreg:$0x4]  }
0x5: {  	s6 =	rddreg [dreg:$0x5];
	s1 =	simm.s32 $0x0  }
0x6: {  	s3 =	stileid.u32;
	[smem:$0x7FF] =	sst s1;
	s7 =	sadd.s32 $0xC000, s0  }
0x7: {  	s9 =	sadd.s32 $0x2200, s0;
	s14 =	sadd.s32 $0x15E00, s0;
	s31 =	sadd.s32 $0x16C00, s0  }
0x8: {  	s0 =	sadd.s32 $0x16600, s0;
	_ =	strace $0x8000004A;
	[dreg:$0x8] =	wrdreg s31  }
0x9: {  	v0 =	vimm.f32 $0.0e+00;
	s1 =	simm.s32 $0x200;
	[dreg:$0x7] =	wrdreg s0;
	s0 =	simm.s32 $0x0  }
.LBB2_1:
0xa: {  	p0 =	sne.s32 s1, $0x3E00;
	[tilespmem:s0+$0x6CF0] =	vst v0  }
0xb: {  	[tilespmem:s0+$0x5C80] =	vst v0  }
0xc: {  	[tilespmem:s0+$0x6C80] =	vst v0  }
0xd: {  	[tilespmem:s0+$0x5C90] =	vst v0  }
0xe: {  	[tilespmem:s0+$0x6C90] =	vst v0  }
0xf: {  	[tilespmem:s0+$0x5CA0] =	vst v0  }
0x10: {  	[tilespmem:s0+$0x6CA0] =	vst v0  }
0x11: {  	[tilespmem:s0+$0x5CB0] =	vst v0  }
0x12: {  	[tilespmem:s0+$0x6CB0] =	vst v0  }
0x13: {  	[tilespmem:s0+$0x5CC0] =	vst v0  }
0x14: {  	[tilespmem:s0+$0x6CC0] =	vst v0  }
.Ltmp0:
0x15: {  	[tilespmem:s0+$0x5CD0] =	vst v0;
	(pc) =	sbr.rel @p0 .LBB2_1-.Ltmp0, $4  }
0x16: {  	[tilespmem:s0+$0x6CD0] =	vst v0  }
0x17: {  	[tilespmem:s0+$0x5CE0] =	vst v0  }
0x18: {  	[tilespmem:s0+$0x6CE0] =	vst v0  }
0x19: {  	[tilespmem:s0+$0x5CF0] =	vst v0;
	s0 =	sshra.s32 s1, $0x2;
	s1 =	sadd.s32 $0x200, s1  }
0x1a: {  	[tilespmem:s0+$0x6CF0] =	vst v0  }
0x1b: {  	[tilespmem:s0+$0x5C80] =	vst v0  }
0x1c: {  	[tilespmem:s0+$0x6C80] =	vst v0  }
0x1d: {  	[tilespmem:s0+$0x5C90] =	vst v0  }
0x1e: {  	[tilespmem:s0+$0x6C90] =	vst v0  }
0x1f: {  	[tilespmem:s0+$0x5CA0] =	vst v0  }
0x20: {  	[tilespmem:s0+$0x6CA0] =	vst v0  }
0x21: {  	[tilespmem:s0+$0x5CB0] =	vst v0  }
0x22: {  	[tilespmem:s0+$0x6CB0] =	vst v0  }
0x23: {  	[tilespmem:s0+$0x5CC0] =	vst v0  }
0x24: {  	[tilespmem:s0+$0x6CC0] =	vst v0  }
0x25: {  	[tilespmem:s0+$0x5CD0] =	vst v0  }
0x26: {  	[tilespmem:s0+$0x6CD0] =	vst v0  }
0x27: {  	[tilespmem:s0+$0x5CE0] =	vst v0  }
0x28: {  	[tilespmem:s0+$0x6CE0] =	vst v0  }
0x29: {  	[tilespmem:s0+$0x5CF0] =	vst v0;
	v0 =	vimm.f32 $0.0e+00  }
0x2a: {  	[tilespmem:$0xA580] =	vst v0  }
0x2b: {  	[tilespmem:$0xA590] =	vst v0  }
0x2c: {  	[tilespmem:$0xA5A0] =	vst v0  }
0x2d: {  	[tilespmem:$0xA5B0] =	vst v0  }
0x2e: {  	[tilespmem:$0xA5C0] =	vst v0  }
0x2f: {  	[tilespmem:$0xA5D0] =	vst v0  }
0x30: {  	[tilespmem:$0xA5E0] =	vst v0  }
0x31: {  	[tilespmem:$0xA5F0] =	vst v0  }
0x32: {  	[tilespmem:$0xA600] =	vst v0  }
0x33: {  	[tilespmem:$0xA610] =	vst v0  }
0x34: {  	[tilespmem:$0xA620] =	vst v0  }
0x35: {  	[tilespmem:$0xA630] =	vst v0  }
0x36: {  	[tilespmem:$0xA640] =	vst v0  }
0x37: {  	[tilespmem:$0xA650] =	vst v0  }
0x38: {  	[tilespmem:$0xA660] =	vst v0  }
0x39: {  	[tilespmem:$0xA670] =	vst v0  }
0x3a: {  	[tilespmem:$0xA680] =	vst v0  }
0x3b: {  	[tilespmem:$0xA690] =	vst v0  }
0x3c: {  	[tilespmem:$0xA6A0] =	vst v0  }
0x3d: {  	[tilespmem:$0xA6B0] =	vst v0  }
0x3e: {  	[tilespmem:$0xA6C0] =	vst v0  }
0x3f: {  	[tilespmem:$0xA6D0] =	vst v0  }
0x40: {  	[tilespmem:$0xA6E0] =	vst v0  }
0x41: {  	[tilespmem:$0xA6F0] =	vst v0  }
0x42: {  	[tilespmem:$0xA700] =	vst v0  }
0x43: {  	[tilespmem:$0xA710] =	vst v0  }
0x44: {  	[tilespmem:$0xA720] =	vst v0  }
0x45: {  	[tilespmem:$0xA730] =	vst v0  }
0x46: {  	[tilespmem:$0xA740] =	vst v0  }
0x47: {  	[tilespmem:$0xA750] =	vst v0  }
0x48: {  	[tilespmem:$0xA760] =	vst v0  }
0x49: {  	[tilespmem:$0xA770] =	vst v0  }
0x4a: {  	[tilespmem:$0xA780] =	vst v0  }
0x4b: {  	[tilespmem:$0xA790] =	vst v0  }
0x4c: {  	[tilespmem:$0xA7A0] =	vst v0  }
0x4d: {  	[tilespmem:$0xA7B0] =	vst v0  }
0x4e: {  	s18 =	smul.u32 $0x50000, s3;
	[tilespmem:$0xA7C0] =	vst v0  }
0x4f: {  	[tilespmem:$0xA7D0] =	vst v0  }
0x50: {  	[tilespmem:$0xA7E0] =	vst v0;
	s0 =	sshrl.u32 s18, $0x2  }
0x51: {  	s11 =	simm.s32 $0x5C80;
	s12 =	simm.s32 $0x5;
	[tilespmem:$0xA7F0] =	vst v0;
	s1 =	sadd.s32 s0, s5  }
0x52: {  	[spmem:s1] =	stream.linear.scatter [tilespmem:s11], [sflag:$0x5], $0x1000, $0x38;
	[tilespmem:$0x1EA80] =	vst v63  }
0x53: {  	_ =	swait.ge [sflag:s12], $0x1000  }
0x54: {  	[sflag:s12] =	ssyncset.done $0x0  }
0x55: {  	s0 =	sadd.s32 $0x1000, s1;
	[sflag:s12] =	ssyncadd.s32 $0xFFFFF000  }
0x56: {  	[spmem:s0] =	stream.linear.scatter [tilespmem:s11], [sflag:$0x5], $0x1000, $0x38;
	[tilespmem:$0x1EA80] =	vst v63  }
0x57: {  	_ =	swait.ge [sflag:s12], $0x1000  }
0x58: {  	[sflag:s12] =	ssyncset.done $0x0  }
0x59: {  	s19 =	sadd.s32 $0x2000, s1;
	[sflag:s12] =	ssyncadd.s32 $0xFFFFF000  }
0x5a: {  	[spmem:s19] =	stream.linear.scatter [tilespmem:s11], [sflag:$0x5], $0x1000, $0x38;
	[tilespmem:$0x1EA80] =	vst v63  }
0x5b: {  	_ =	swait.ge [sflag:s12], $0x1000  }
0x5c: {  	[sflag:s12] =	ssyncset.done $0x0  }
0x5d: {  	s20 =	sadd.s32 $0x3000, s1;
	[sflag:s12] =	ssyncadd.s32 $0xFFFFF000  }
0x5e: {  	[spmem:s20] =	stream.linear.scatter [tilespmem:s11], [sflag:$0x5], $0x1000, $0x38;
	[tilespmem:$0x1EA80] =	vst v63  }
0x5f: {  	_ =	swait.ge [sflag:s12], $0x1000  }
0x60: {  	[sflag:s12] =	ssyncset.done $0x0  }
0x61: {  	s21 =	sadd.s32 $0x4000, s1;
	[sflag:s12] =	ssyncadd.s32 $0xFFFFF000  }
0x62: {  	[spmem:s21] =	stream.linear.scatter [tilespmem:s11], [sflag:$0x5], $0x1000, $0x38;
	[tilespmem:$0x1EA80] =	vst v63  }
0x63: {  	_ =	swait.ge [sflag:s12], $0x1000  }
0x64: {  	[sflag:s12] =	ssyncset.done $0x0  }
0x65: {  	s22 =	sadd.s32 $0x5000, s1;
	[sflag:s12] =	ssyncadd.s32 $0xFFFFF000  }
0x66: {  	[spmem:s22] =	stream.linear.scatter [tilespmem:s11], [sflag:$0x5], $0x1000, $0x38;
	[tilespmem:$0x1EA80] =	vst v63  }
0x67: {  	_ =	swait.ge [sflag:s12], $0x1000  }
0x68: {  	[sflag:s12] =	ssyncset.done $0x0  }
0x69: {  	s23 =	sadd.s32 $0x6000, s1;
	[sflag:s12] =	ssyncadd.s32 $0xFFFFF000  }
0x6a: {  	[spmem:s23] =	stream.linear.scatter [tilespmem:s11], [sflag:$0x5], $0x1000, $0x38;
	[tilespmem:$0x1EA80] =	vst v63  }
0x6b: {  	_ =	swait.ge [sflag:s12], $0x1000  }
0x6c: {  	[sflag:s12] =	ssyncset.done $0x0  }
0x6d: {  	s24 =	sadd.s32 $0x7000, s1;
	[sflag:s12] =	ssyncadd.s32 $0xFFFFF000  }
0x6e: {  	[spmem:s24] =	stream.linear.scatter [tilespmem:s11], [sflag:$0x5], $0x1000, $0x38;
	[tilespmem:$0x1EA80] =	vst v63  }
0x6f: {  	_ =	swait.ge [sflag:s12], $0x1000  }
0x70: {  	[sflag:s12] =	ssyncset.done $0x0  }
0x71: {  	s25 =	sadd.s32 $0x8000, s1;
	[sflag:s12] =	ssyncadd.s32 $0xFFFFF000  }
0x72: {  	[spmem:s25] =	stream.linear.scatter [tilespmem:s11], [sflag:$0x5], $0x1000, $0x38;
	[tilespmem:$0x1EA80] =	vst v63  }
0x73: {  	_ =	swait.ge [sflag:s12], $0x1000  }
0x74: {  	[sflag:s12] =	ssyncset.done $0x0  }
0x75: {  	s26 =	sadd.s32 $0x9000, s1;
	[sflag:s12] =	ssyncadd.s32 $0xFFFFF000  }
0x76: {  	[spmem:s26] =	stream.linear.scatter [tilespmem:s11], [sflag:$0x5], $0x1000, $0x38;
	[tilespmem:$0x1EA80] =	vst v63  }
0x77: {  	_ =	swait.ge [sflag:s12], $0x1000  }
0x78: {  	[sflag:s12] =	ssyncset.done $0x0  }
0x79: {  	s4 =	sadd.s32 $0xA000, s1;
	[sflag:s12] =	ssyncadd.s32 $0xFFFFF000  }
0x7a: {  	[spmem:s4] =	stream.linear.scatter [tilespmem:s11], [sflag:$0x5], $0x1000, $0x38;
	[tilespmem:$0x1EA80] =	vst v63  }
0x7b: {  	_ =	swait.ge [sflag:s12], $0x1000  }
0x7c: {  	[sflag:s12] =	ssyncset.done $0x0  }
0x7d: {  	s8 =	sadd.s32 $0xB000, s1;
	[sflag:s12] =	ssyncadd.s32 $0xFFFFF000  }
0x7e: {  	[spmem:s8] =	stream.linear.scatter [tilespmem:s11], [sflag:$0x5], $0x1000, $0x38;
	[tilespmem:$0x1EA80] =	vst v63  }
0x7f: {  	_ =	swait.ge [sflag:s12], $0x1000  }
0x80: {  	[sflag:s12] =	ssyncset.done $0x0  }
0x81: {  	s10 =	sadd.s32 $0xC000, s1;
	[sflag:s12] =	ssyncadd.s32 $0xFFFFF000  }
0x82: {  	[spmem:s10] =	stream.linear.scatter [tilespmem:s11], [sflag:$0x5], $0x1000, $0x38;
	[tilespmem:$0x1EA80] =	vst v63  }
0x83: {  	_ =	swait.ge [sflag:s12], $0x1000  }
0x84: {  	[sflag:s12] =	ssyncset.done $0x0  }
0x85: {  	s15 =	sadd.s32 $0xD000, s1;
	[sflag:s12] =	ssyncadd.s32 $0xFFFFF000  }
0x86: {  	[spmem:s15] =	stream.linear.scatter [tilespmem:s11], [sflag:$0x5], $0x1000, $0x38;
	[tilespmem:$0x1EA80] =	vst v63  }
0x87: {  	_ =	swait.ge [sflag:s12], $0x1000  }
0x88: {  	[sflag:s12] =	ssyncset.done $0x0  }
0x89: {  	s16 =	sadd.s32 $0xE000, s1;
	[sflag:s12] =	ssyncadd.s32 $0xFFFFF000  }
0x8a: {  	[spmem:s16] =	stream.linear.scatter [tilespmem:s11], [sflag:$0x5], $0x1000, $0x38;
	[tilespmem:$0x1EA80] =	vst v63  }
0x8b: {  	_ =	swait.ge [sflag:s12], $0x1000  }
0x8c: {  	[sflag:s12] =	ssyncset.done $0x0  }
0x8d: {  	s17 =	sadd.s32 $0xF000, s1;
	[sflag:s12] =	ssyncadd.s32 $0xFFFFF000  }
0x8e: {  	[spmem:s17] =	stream.linear.scatter [tilespmem:s11], [sflag:$0x5], $0x1000, $0x38;
	[tilespmem:$0x1EA80] =	vst v63  }
0x8f: {  	_ =	swait.ge [sflag:s12], $0x1000  }
0x90: {  	[sflag:s12] =	ssyncset.done $0x0  }
0x91: {  	s18 =	sadd.s32 $0x10000, s1;
	[sflag:s12] =	ssyncadd.s32 $0xFFFFF000  }
0x92: {  	[spmem:s18] =	stream.linear.scatter [tilespmem:s11], [sflag:$0x5], $0x1000, $0x38;
	[tilespmem:$0x1EA80] =	vst v63  }
0x93: {  	_ =	swait.ge [sflag:s12], $0x1000  }
0x94: {  	[sflag:s12] =	ssyncset.done $0x0  }
0x95: {  	s19 =	sadd.s32 $0x11000, s1;
	[sflag:s12] =	ssyncadd.s32 $0xFFFFF000  }
0x96: {  	[spmem:s19] =	stream.linear.scatter [tilespmem:s11], [sflag:$0x5], $0x1000, $0x38;
	[tilespmem:$0x1EA80] =	vst v63  }
0x97: {  	_ =	swait.ge [sflag:s12], $0x1000  }
0x98: {  	[sflag:s12] =	ssyncset.done $0x0  }
0x99: {  	s20 =	sadd.s32 $0x12000, s1;
	[sflag:s12] =	ssyncadd.s32 $0xFFFFF000  }
0x9a: {  	[spmem:s20] =	stream.linear.scatter [tilespmem:s11], [sflag:$0x5], $0x1000, $0x38;
	[tilespmem:$0x1EA80] =	vst v63  }
0x9b: {  	_ =	swait.ge [sflag:s12], $0x1000  }
0x9c: {  	s21 =	sadd.s32 $0x13000, s1;
	[sflag:s12] =	ssyncset.done $0x0  }
0x9d: {  	s22 =	smul.u32 $0x280, s3;
	[dreg:$0x9] =	wrdreg s1;
	[sflag:s12] =	ssyncadd.s32 $0xFFFFF000  }
0x9e: {  	[spmem:s21] =	stream.linear.scatter [tilespmem:s11], [sflag:$0x5], $0x1000, $0x38;
	[tilespmem:$0x1EA80] =	vst v63  }
0x9f: {  	_ =	swait.ge [sflag:s12], $0x1000  }
0xa0: {  	s23 =	sadd.s32 s22, s6;
	[dreg:$0xb] =	wrdreg s22;
	[sflag:s12] =	ssyncset.done $0x0  }
0xa1: {  	s24 =	simm.s32 $0xA580;
	[dreg:$0xa] =	wrdreg s23;
	[sflag:s12] =	ssyncadd.s32 $0xFFFFF000  }
0xa2: {  	[spmem:s23] =	stream.linear.scatter [tilespmem:s24], [sflag:$0x5], $0x280, $0x38;
	[tilespmem:$0x1EA80] =	vst v63  }
0xa3: {  	s28 =	simm.s32 $0x7C80;
	_ =	swait.ge [sflag:s12], $0x280  }
0xa4: {  	s29 =	simm.s32 $0x3;
	s30 =	simm.s32 $0x2;
	[sflag:s12] =	ssyncset.done $0x0  }
0xa5: {  	s25 =	simm.s32 $0xC80;
	s17 =	simm.s32 $0x0;
	[sflag:s12] =	ssyncadd.s32 $0xFFFFFD80  }
0xa6: {  	[tilespmem:s25], [sflag:$0x5] =	stream.linear.gather [hbm4b:s13+s17], $0x1000, $0x38;
	[tilespmem:$0x1EA80] =	vst v63  }
0xa7: {  	s31 =	simm.s32 $0xC00;
	s0 =	simm.s32 $0x6C80;
	_ =	swait.ge [sflag:s12], $0x1000  }
0xa8: {  	s26 =	simm.s32 $0x7D80;
	s8 =	simm.s32 $0x0;
	[sflag:s12] =	ssyncset.done $0x0  }
0xa9: {  	s18 =	simm.s32 $0x700;
	s19 =	simm.s32 $0x40;
	[sflag:s12] =	ssyncadd.s32 $0xFFFFF000  }
0xaa: {  	[tilespmem:s26], [sflag:$0x5] =	stream.linear.gather [hbm4b:s14+s17], $0x2800, $0x38;
	[tilespmem:$0x1EA80] =	vst v63  }
.Ltmp1:
0xab: {  	s20 =	simm.s32 $0xA80;
	_ =	swait.ge [sflag:s12], $0x2800;
	(pc) =	sbr.rel .LBB2_3-.Ltmp1, $4  }
0xac: {  	s21 =	simm.s32 $0x1C80;
	s22 =	simm.s32 $0x1;
	[sflag:s12] =	ssyncset.done $0x0  }
0xad: {  	s23 =	simm.s32 $0xB00;
	s24 =	simm.s32 $0x3C80;
	[sflag:s12] =	ssyncadd.s32 $0xFFFFD800  }
0xae: {  	s13 =	smul.u32 $0x4E20, s3;
	s25 =	simm.s32 $0x20;
	[bflag:$0x0] =	sbarrier.arrive $0xFFFF  }
0xaf: {  	v0 =	vimm.f32 $1.000000000e+00;
	s3 =	simm.s32 $0x7D00;
	s14 =	simm.s32 $0x380;
	s26 =	simm.s32 $0xB80  }
.LBB2_8:
0xb0: {  	s8 =	sadd.s32 $0x1, s8  }
0xb1: {  	_ =	swait.ge [sflag:s29], $0x1000;
	p0 =	sne.s32 s8, $0x19  }
.Ltmp2:
0xb2: {  	[sflag:s29] =	ssyncset.done $0x0;
	(pc) =	sbr.rel @!p0 .LBB2_9-.Ltmp2, $4  }
0xb3: {  	[sflag:s29] =	ssyncadd.s32 $0xFFFFF000  }
0xb4: {  	_ =	swait.ge [sflag:s29], $0x20  }
0xb5: {  	[sflag:s29] =	ssyncset.done $0x0  }
0xb6: {  	[sflag:s29] =	ssyncadd.s32 $0xFFFFFFE0  }
.LBB2_3:
0xb7: {  	s1 =	smul.u32 $0x320, s8;
	_ =	sdelay $0x1  }
0xb8: {  	s1 =	sadd.s32 s13, s1  }
0xb9: {  	s1 =	sshrl.u32 s1, $0x3  }
0xba: {  	s15 =	sadd.s32 s7, s1  }
0xbb: {  	[tilespmem:s17], [sflag:$0x5] =	stream.linear.gather [hbm4b:s15+s17], $0x320, $0x38;
	[tilespmem:$0x1EA80] =	vst v63  }
0xbc: {  	_ =	swait.ge [sflag:s12], $0x320  }
0xbd: {  	[sflag:s12] =	ssyncset.done $0x0  }
0xbe: {  	s16 =	sadd.s32 s9, s1;
	[sflag:s12] =	ssyncadd.s32 $0xFFFFFCE0  }
0xbf: {  	[tilespmem:s14], [sflag:$0x5] =	stream.linear.gather [hbm4b:s16+s17], $0x320, $0x38;
	[tilespmem:$0x1EA80] =	vst v63  }
0xc0: {  	_ =	swait.ge [sflag:s12], $0x320  }
0xc1: {  	[sflag:s12] =	ssyncset.done $0x0  }
0xc2: {  	[sflag:s12] =	ssyncadd.s32 $0xFFFFFCE0  }
0xc3: {  	s4 =	rddreg [dreg:$0x2]  }
0xc4: {  	s1 =	sadd.s32 s4, s1  }
0xc5: {  	[tilespmem:s18], [sflag:$0x5] =	stream.linear.gather [hbm4b:s1+s17], $0x320, $0x38;
	[tilespmem:$0x1EA80] =	vst v63  }
0xc6: {  	_ =	swait.ge [sflag:s12], $0x320  }
0xc7: {  	[sflag:s12] =	ssyncset.done $0x0  }
0xc8: {  	[sflag:s12] =	ssyncadd.s32 $0xFFFFFCE0  }
0xc9: {  	v1 =	vld [tilespmem:$0x0]  }
0xca: {  	v2 =	vld [tilespmem:$0x380];
	_ =	sdelay $0x1  }
0xcb: {  	v3 =	vld [tilespmem:$0x10]  }
0xcc: {  	v4 =	vld [tilespmem:$0x390]  }
0xcd: {  	[tilespmem:$0xA80] =	vst v1  }
0xce: {  	[tilespmem:$0xAA0] =	vst v2  }
.Ltmp3:
0xcf: {  	[tilespmem:$0xB80] =	vst v2;
	(pc) =	sbr.rel .LBB2_4-.Ltmp3, $4  }
0xd0: {  	[tilespmem:$0xA90] =	vst v3  }
0xd1: {  	[tilespmem:$0xAB0] =	vst v4  }
0xd2: {  	s15 =	simm.s32 $0x1;
	s1 =	simm.s32 $0x0;
	[tilespmem:$0xB90] =	vst v4  }
0xd3: {  	[tilespmem:s21], [sflag:$0x1] =	stream.indirect.gather [hbm4b:s2+s19], $0x80, s20, s19, $0xb8;
	[tilespmem:$0x1EA80] =	vst v63  }
.LBB2_6:
0xd4: {  	_ =	swait.ge [sflag:s22], $0x2000  }
0xd5: {  	[sflag:s22] =	ssyncset.done $0x0  }
0xd6: {  	[sflag:s22] =	ssyncadd.s32 $0xFFFFE000  }
0xd7: {  	[tilespmem:$0x7C80] =	vst v0  }
0xd8: {  	[tilespmem:$0x7C90] =	vst v0  }
0xd9: {  	[spmem:s5] =	stream.indirect.scatter.add.f32 [tilespmem:s11], [sflag:$0x3], $0x80, s26, s25, $0xb8;
	[tilespmem:$0x1EA80] =	vst v63  }
0xda: {  	_ = 	snop  }
0xdb: {  	[spmem:s6] =	stream.indirect.scatter.add.f32 [tilespmem:s28], [sflag:$0x3], $0x1, s26, s25, $0xb8;
	[tilespmem:$0x1EA80] =	vst v63  }
.LBB2_7:
0xdc: {  	s1 =	sadd.s32 $0x100, s1  }
0xdd: {  	p0 =	sne.s32 s1, $0xD00  }
.Ltmp4:
0xde: {  	_ = 	snop;
	(pc) =	sbr.rel @!p0 .LBB2_8-.Ltmp4, $2  }
0xdf: {  	_ =	sdelay $0x2  }
0xe0: {  	s15 =	sadd.s32 $0x2, s15  }
.LBB2_4:
0xe1: {  	p0 =	seq.s32 s1, $0x0  }
0xe2: {  	s16 =	simm.s32 @!p0 $0x4;
	p1 =	sgt.u32 @!p0 s15, $0x18  }
0xe3: {  	_ =	swait.ge @!p0 [sflag:s16], $0x1000;
	p1 =	por p0, !p1  }
.Ltmp5:
0xe4: {  	[sflag:s16] =	ssyncset.done @!p0 $0x0;
	(pc) =	sbr.rel @!p1 .LBB2_6-.Ltmp5, $4  }
0xe5: {  	[sflag:s16] =	ssyncadd.s32 @!p0 $0xFFFFF000  }
0xe6: {  	_ =	swait.ge @!p0 [sflag:s16], $0x20  }
0xe7: {  	[sflag:s16] =	ssyncset.done @!p0 $0x0  }
0xe8: {  	[sflag:s16] =	ssyncadd.s32 @!p0 $0xFFFFFFE0  }
0xe9: {  	s16 =	sshra.s32 s1, $0x2  }
0xea: {  	v1 =	vld [tilespmem:s16+$0x20]  }
0xeb: {  	v2 =	vld [tilespmem:s16+$0x3A0];
	_ =	sdelay $0x3  }
0xec: {  	[tilespmem:$0xB00] =	vst v1  }
0xed: {  	[tilespmem:$0xB20] =	vst v2  }
0xee: {  	[tilespmem:$0xC00] =	vst v2  }
0xef: {  	v1 =	vld [tilespmem:s16+$0x30]  }
0xf0: {  	v2 =	vld [tilespmem:s16+$0x3B0];
	_ =	sdelay $0x3  }
0xf1: {  	[tilespmem:$0xB10] =	vst v1  }
0xf2: {  	[tilespmem:$0xB30] =	vst v2  }
0xf3: {  	[tilespmem:$0xC10] =	vst v2  }
0xf4: {  	[tilespmem:s24], [sflag:$0x2] =	stream.indirect.gather [hbm4b:s2+s19], $0x80, s23, s19, $0xb8;
	[tilespmem:$0x1EA80] =	vst v63  }
0xf5: {  	_ =	swait.ge [sflag:s22], $0x2000  }
0xf6: {  	[sflag:s22] =	ssyncset.done $0x0  }
0xf7: {  	[sflag:s22] =	ssyncadd.s32 $0xFFFFE000  }
0xf8: {  	[tilespmem:$0x7C80] =	vst v0  }
0xf9: {  	[tilespmem:$0x7C90] =	vst v0  }
0xfa: {  	[spmem:s5] =	stream.indirect.scatter.add.f32 [tilespmem:s11], [sflag:$0x3], $0x80, s26, s25, $0xb8;
	[tilespmem:$0x1EA80] =	vst v63  }
0xfb: {  	_ = 	snop  }
0xfc: {  	[spmem:s6] =	stream.indirect.scatter.add.f32 [tilespmem:s28], [sflag:$0x3], $0x1, s26, s25, $0xb8;
	[tilespmem:$0x1EA80] =	vst v63  }
0xfd: {  	_ =	swait.ge [sflag:s29], $0x1000  }
0xfe: {  	[sflag:s29] =	ssyncset.done $0x0  }
0xff: {  	[sflag:s29] =	ssyncadd.s32 $0xFFFFF000  }
0x100: {  	s16 =	smov.u32 s15;
	_ =	swait.ge [sflag:s29], $0x20  }
0x101: {  	s16 =	simm.s32 @p0 $0x1;
	p0 =	seq.s32 s1, $0xC00;
	[sflag:s29] =	ssyncset.done $0x0  }
0x102: {  	s16 =	sshll.u32 @!p0 s16, $0x5;
	[sflag:s29] =	ssyncadd.s32 $0xFFFFFFE0  }
0x103: {  	v1 =	vld @!p0 [tilespmem:s16+$0x20]  }
0x104: {  	v2 =	vld @!p0 [tilespmem:s16+$0x3A0];
	_ =	sdelay $0x3  }
0x105: {  	[tilespmem:$0xA80] =	vst @!p0 v1  }
0x106: {  	[tilespmem:$0xAA0] =	vst @!p0 v2  }
0x107: {  	[tilespmem:$0xB80] =	vst @!p0 v2  }
0x108: {  	v1 =	vld @!p0 [tilespmem:s16+$0x30]  }
0x109: {  	v2 =	vld @!p0 [tilespmem:s16+$0x3B0];
	_ =	sdelay $0x3  }
0x10a: {  	[tilespmem:$0xA90] =	vst @!p0 v1  }
0x10b: {  	[tilespmem:$0xAB0] =	vst @!p0 v2  }
0x10c: {  	s4 =	simm.s32 @!p0 $0xA80;
	s10 =	simm.s32 @!p0 $0x1C80;
	s16 =	simm.s32 @!p0 $0x40;
	[tilespmem:$0xB90] =	vst @!p0 v2  }
0x10d: {  	[tilespmem:s10], [sflag:$0x1] =	stream.indirect.gather @!p0 [hbm4b:s2+s16], $0x80, s4, s16, $0xb8;
	[tilespmem:$0x1EA80] =	vst v63  }
0x10e: {  	_ =	swait.ge [sflag:s30], $0x2000  }
0x10f: {  	[sflag:s30] =	ssyncset.done $0x0  }
0x110: {  	[sflag:s30] =	ssyncadd.s32 $0xFFFFE000  }
.Ltmp6:
0x111: {  	[tilespmem:$0x7D00] =	vst v0;
	(pc) =	sbr.rel .LBB2_7-.Ltmp6, $4  }
0x112: {  	[tilespmem:$0x7D10] =	vst v0  }
0x113: {  	[spmem:s5] =	stream.indirect.scatter.add.f32 [tilespmem:s0], [sflag:$0x4], $0x80, s31, s25, $0xb8;
	[tilespmem:$0x1EA80] =	vst v63  }
0x114: {  	_ = 	snop  }
0x115: {  	[spmem:s6] =	stream.indirect.scatter.add.f32 [tilespmem:s3], [sflag:$0x4], $0x1, s31, s25, $0xb8;
	[tilespmem:$0x1EA80] =	vst v63  }
.LBB2_9:
0x116: {  	s4 =	stileid.u32  }
0x117: {  	s1 =	rddreg [dreg:$0x8];
	[bflag:$0x0] =	sbarrier.arrive $0xFFFF;
	s0 =	smul.u32 $0x2800, s4  }
0x118: {  	s29 =	simm.s32 $0x5;
	s28 =	sshll.u32 s4, $0x6;
	s2 =	rddreg [dreg:$0x9]  }
0x119: {  	s2 =	sshrl.u32 s2, $0x3;
	s0 =	sadd.s32 s1, s0;
	s1 =	sor.u32 $0x1C05, s28  }
0x11a: {  	[hbm:s0], [sflag:s1] =	dma.local [spmem:s2], $0x2800  }
0x11b: {  	_ =	swait.ge [sflag:s29], $0x2800  }
0x11c: {  	s30 =	rddreg [dreg:$0xb]  }
0x11d: {  	s3 =	rddreg [dreg:$0x7]  }
0x11e: {  	[sflag:s29] =	ssyncset.done $0x0;
	s31 =	rddreg [dreg:$0xa];
	s2 =	sshrl.u32 s30, $0x3  }
0x11f: {  	[sflag:s29] =	ssyncadd.s32 $0xFFFFD800;
	s2 =	sadd.s32 s3, s2;
	s3 =	sshrl.u32 s31, $0x3  }
0x120: {  	[hbm:s2], [sflag:s1] =	dma.local [spmem:s3], $0x50  }
0x121: {  	_ =	swait.ge [sflag:s29], $0x50  }
0x122: {  	[sflag:s29] =	ssyncset.done $0x0  }
0x123: {  	[sflag:s29] =	ssyncadd.s32 $0xFFFFFFB0  }
0x124: {  	_ =	sfence.sel $0x180000  }
0x125: {  	[bflag:$0x0] =	sbarrier.arrive $0xFFFF  }
0x126: {  	_ =	strace $0x9000004A  }
0x127: {  	[bflag:$0x2] =	sbarrier.arrive $0xFFFF  }
0x128: {  	p0 =	sne.s32 s4, $0x0;
	s0 =	rddreg [dreg:$0x6]  }
0x129: {  	s0 =	sadd.s32 @!p0 $0x100000, s0  }
0x12a: {  	[sflag:s0] =	ssyncadd.tile.s32 @!p0 $0x1;
	_ =	shalt  }
.Lfunc_end2:
_tile_overlayer_lowered:
.L_overlay_start_2:
0x12b: {  	(tag) =	ssettag $0x2  }
0x12c: {  	s0 =	rddreg [dreg:$0x0];
	s2 =	stileid.u32  }
0x12d: {  	s1 =	rddreg [dreg:$0x1];
	p0 =	sne.s32 s2, $0x0  }
0x12e: {  	s3 =	rddreg [dreg:$0x2];
	[bflag:$0x3] =	sbarrier.arrive $0xFFFF;
	s2 =	simm.s32 @!p0 $0x1C05  }
0x12f: {  	[timem:s3], [sflag:s2] =	dma.local @!p0 [hbm:s0], s1  }
0x130: {  	s0 =	simm.s32 @!p0 $0x5  }
0x131: {  	_ =	swait.ge @!p0 [sflag:s0], s1  }
0x132: {  	s1 =	ssub.s32 @!p0 $0x0, s1;
	[sflag:s0] =	ssyncset.done @!p0 $0x0  }
0x133: {  	[sflag:s0] =	ssyncadd.s32 @!p0 s1  }
0x134: {  	[bflag:$0x3] =	sbarrier.arrive $0xFFFF  }
0x135: {  	_ =	shalt  }

// kernel: kernel.3.cloned.1.call-start
scs
__scs_entry_jumppad:
0x0: {  	(pc) =	sbr.rel $0x88, $3  }
0x1: {  	(tag) =	ssettag $0x0;
	lr =	simm.s32 $0x1  }
0x2: {  	[smem:$0x3F99] =	sst lr;
	_ =	strace $0xD0000000  }
0x3: {  	_ = 	snop  }
0x4: {  	_ = 	snop  }
0x5: {  	_ = 	snop  }
0x6: {  	_ = 	snop  }
0x7: {  	_ = 	snop  }
__scs_overlays_trampoline_lowered:
0x8: {  	[smem:$0x3FA8] =	sst s0  }
0x9: {  	[smem:$0x3FA9] =	sst s1  }
0xa: {  	[smem:$0x3FAA] =	sst s2  }
0xb: {  	[smem:$0x3FAB] =	sst s3  }
0xc: {  	[smem:$0x3FAC] =	sst s4  }
0xd: {  	[smem:$0x3FAD] =	sst s5  }
0xe: {  	[smem:$0x3FAE] =	sst s6  }
0xf: {  	[smem:$0x3FAF] =	sst s7  }
0x10: {  	[smem:$0x3FB0] =	sst s8  }
0x11: {  	[smem:$0x3FB1] =	sst s9;
	s0 =	simm.s32 @!p0 $0x0  }
0x12: {  	s1 =	sld [smem:$0x3F97];
	s0 =	simm.s32 @p0 $0x1  }
0x13: {  	[smem:$0x3FB2] =	sst s0;
	s0 =	simm.s32 @!p1 $0x0  }
0x14: {  	s2 =	sld [smem:$0x3F96];
	s0 =	simm.s32 @p1 $0x1  }
0x15: {  	[smem:$0x3FB3] =	sst s0;
	s0 =	simm.s32 @!p2 $0x0  }
0x16: {  	s3 =	sld [smem:$0x3FDB];
	s0 =	simm.s32 @p2 $0x1  }
0x17: {  	s4 =	simm.s32 $0x1BF5;
	[smem:$0x3FB5] =	sst s0  }
0x18: {  	s0 =	sld [smem:$0x3F98];
	_ =	swait.ge [sflag:s4], $0x0  }
0x19: {  	s7 =	sld [smem:$0x3F99]  }
0x1a: {  	s8 =	sadd.s32 $0xFFFFE003, lr  }
0x1b: {  	s9 =	sadd.s32 $0xFFFFFEF7, lr;
	s5 =	simm.s32 $0xFFFFFFFF;
	p2 =	slt.u32 s8, $0xFFFFF086  }
0x1c: {  	p1 =	slt.u32 s9, $0xF7A;
	s5 =	simm.s32 @!p2 $0x0  }
0x1d: {  	s5 =	simm.s32 @p1 $0x1;
	p0 =	seq.s32 s7, s2  }
0x1e: {  	s7 =	smul.u32 @!p0 $0xF7A, s2;
	p2 =	seq.s32 @!p0 s5, $0x0  }
0x1f: {  	s9 =	smul.u32 $0xF7A, s1;
	s8 =	simm.s32 @!p0 $0x1BF5;
	p2 =	por !p2, p0  }
0x20: {  	[sflag:s8] =	ssyncset.s32 @!p0 $0xFFFFF086;
	s6 =	sadd.s32 @!p0 s3, s7;
	s7 =	simm.s32 @!p0 $0x108  }
0x21: {  	s3 =	sadd.s32 s3, s9;
	s6 =	sadd.s32 @!p0 $0x88, s6;
	s7 =	simm.s32 @p2 $0x1082  }
0x22: {  	[simem:s7], [sflag:s8] =	dma.local @!p0 [hbm:s6], $0xF7A  }
0x23: {  	s9 =	sor.u32 $0xD0000000, s2;
	s6 =	simm.s32 $0x108;
	_ =	swait.ge @!p0 [sflag:s8], $0x0  }
0x24: {  	s3 =	sadd.s32 $0x88, s3;
	s6 =	simm.s32 @!p1 $0x1082;
	[sflag:s4] =	ssyncset.s32 $0xFFFFF086  }
0x25: {  	[simem:s6], [sflag:s4] =	dma.local [hbm:s3], $0xF7A  }
0x26: {  	[smem:$0x3F99] =	sst s1;
	(tag) =	ssettag s2;
	_ =	strace s9  }
0x27: {  	s1 =	sld [smem:$0x3FA9]  }
0x28: {  	s2 =	sld [smem:$0x3FAA]  }
0x29: {  	s4 =	sld [smem:$0x3FAC]  }
0x2a: {  	p0 =	seq.s32 s5, $0x0;
	s5 =	sld [smem:$0x3FAD]  }
0x2b: {  	s6 =	sld [smem:$0x3FAE]  }
0x2c: {  	s7 =	sld [smem:$0x3FAF]  }
0x2d: {  	s3 =	simm.s32 $0x108;
	s8 =	sld [smem:$0x3FB0]  }
0x2e: {  	s3 =	simm.s32 @!p0 $0x1082;
	s9 =	sld [smem:$0x3FB1]  }
0x2f: {  	lr =	sadd.s32 s0, s3;
	s0 =	sld [smem:$0x3FA8]  }
0x30: {  	s3 =	sld [smem:$0x3FAB]  }
0x31: {  	[smem:$0x3FB4] =	sst s10  }
0x32: {  	s10 =	sld [smem:$0x3FB2];
	_ =	sdelay $0x3  }
0x33: {  	p0 =	seq.s32 s10, $0x1;
	s10 =	sld [smem:$0x3FB4];
	_ =	sdelay $0x3  }
0x34: {  	[smem:$0x3FB4] =	sst s10  }
0x35: {  	s10 =	sld [smem:$0x3FB3];
	_ =	sdelay $0x3  }
0x36: {  	p1 =	seq.s32 s10, $0x1;
	s10 =	sld [smem:$0x3FB4];
	_ =	sdelay $0x3  }
0x37: {  	[smem:$0x3FB4] =	sst s10  }
0x38: {  	s10 =	sld [smem:$0x3FB5]  }
0x39: {  	_ = 	snop;
	(pc) =	sbr.ind lr, $3  }
0x3a: {  	_ = 	snop  }
0x3b: {  	_ = 	snop  }
0x3c: {  	p2 =	seq.s32 s10, $0x1;
	s10 =	sld [smem:$0x3FB4]  }
0x3d: {  	_ =	shalt  }
0x3e: {  	_ =	shalt  }
0x3f: {  	_ =	shalt  }
0x40: {  	_ =	shalt  }
0x41: {  	_ =	shalt  }
0x42: {  	_ =	shalt  }
0x43: {  	_ =	shalt  }
0x44: {  	_ =	shalt  }
0x45: {  	_ =	shalt  }
0x46: {  	_ =	shalt  }
0x47: {  	_ =	shalt  }
0x48: {  	_ =	shalt  }
0x49: {  	_ =	shalt  }
0x4a: {  	_ =	shalt  }
0x4b: {  	_ =	shalt  }
0x4c: {  	_ =	shalt  }
0x4d: {  	_ =	shalt  }
0x4e: {  	_ =	shalt  }
0x4f: {  	_ =	shalt  }
0x50: {  	_ =	shalt  }
0x51: {  	_ =	shalt  }
0x52: {  	_ =	shalt  }
0x53: {  	_ =	shalt  }
0x54: {  	_ =	shalt  }
0x55: {  	_ =	shalt  }
0x56: {  	_ =	shalt  }
0x57: {  	_ =	shalt  }
0x58: {  	_ =	shalt  }
0x59: {  	_ =	shalt  }
0x5a: {  	_ =	shalt  }
0x5b: {  	_ =	shalt  }
0x5c: {  	_ =	shalt  }
0x5d: {  	_ =	shalt  }
0x5e: {  	_ =	shalt  }
0x5f: {  	_ =	shalt  }
0x60: {  	_ =	shalt  }
0x61: {  	_ =	shalt  }
0x62: {  	_ =	shalt  }
0x63: {  	_ =	shalt  }
0x64: {  	_ =	shalt  }
0x65: {  	_ =	shalt  }
0x66: {  	_ =	shalt  }
0x67: {  	_ =	shalt  }
0x68: {  	_ =	shalt  }
0x69: {  	_ =	shalt  }
0x6a: {  	_ =	shalt  }
0x6b: {  	_ =	shalt  }
0x6c: {  	_ =	shalt  }
0x6d: {  	_ =	shalt  }
0x6e: {  	_ =	shalt  }
0x6f: {  	_ =	shalt  }
0x70: {  	_ =	shalt  }
0x71: {  	_ =	shalt  }
0x72: {  	_ =	shalt  }
0x73: {  	_ =	shalt  }
0x74: {  	_ =	shalt  }
0x75: {  	_ =	shalt  }
0x76: {  	_ =	shalt  }
0x77: {  	_ =	shalt  }
0x78: {  	_ =	shalt  }
0x79: {  	_ =	shalt  }
0x7a: {  	_ =	shalt  }
0x7b: {  	_ =	shalt  }
0x7c: {  	_ =	shalt  }
0x7d: {  	_ =	shalt  }
0x7e: {  	_ =	shalt  }
0x7f: {  	_ =	shalt  }
0x80: {  	_ =	shalt  }
0x81: {  	_ =	shalt  }
0x82: {  	_ =	shalt  }
0x83: {  	_ =	shalt  }
0x84: {  	_ =	shalt  }
0x85: {  	_ =	shalt  }
0x86: {  	_ =	shalt  }
0x87: {  	_ =	shalt  }
.Lfunc_end0:
.L_simem_size_0:
called_computation.1_lowered:
.L_overlay_start_0:
0x88: {  	s0 =	sld [smem:$0x3FD9]  }
0x89: {  	s1 =	sld [smem:$0x3FFE];
	_ =	sdelay $0x3  }
0x8a: {  	s0 =	sadd.s32 s1, s0  }
0x8b: {  	[smem:$0x3FC0] =	sst s0  }
0x8c: {  	_ = 	snop  }
0x8d: {  	(tm) =	ssettm $0x1  }
0x8e: {  	s15 =	sld [smem:$0x3FFB];
	_ =	sdelay $0x3  }
0x8f: {  	_ =	strace s15  }
0x90: {  	s0 =	sld [smem:$0x3FFC];
	_ =	sdelay $0x3  }
0x91: {  	_ =	strace s0  }
0x92: {  	s0 =	sld [smem:$0x3FFD];
	_ =	sdelay $0x3  }
0x93: {  	_ =	strace s0  }
0x94: {  	_ =	strace $0x8FFFFFFF  }
0x95: {  	s16 =	sld [smem:$0x3FDB];
	_ =	sdelay $0x1  }
0x96: {  	s17 =	simm.s32 $_scs_section_size  }
0x97: {  	s2 =	simm.s32 $_size__tile_overlayer_lowered;
	s3 =	simm.s32 $_tile_overlayer_lowered  }
0x98: {  	s20 =	simm.s32 $0x1BFF;
	s19 =	sshll.u32 s3, $0x1;
	s0 =	sadd.s32 s17, s16  }
0x99: {  	s4 =	simm.s32 $0x0;
	s18 =	sshll.u32 s2, $0x1;
	s2 =	sadd.s32 s19, s0  }
0x9a: {  	[timem:s4], [sflag:s20] =	dma.local [hbm:s2], s18  }
0x9b: {  	_ =	swait.ge [sflag:s20], s18  }
0x9c: {  	s1 =	ssub.s32 $0x0, s18;
	[sflag:s20] =	ssyncset.done $0x0  }
0x9d: {  	[sflag:s20] =	ssyncadd.s32 s1;
	_ =	sdelay $0x1  }
0x9e: {  	s21 =	simm.s32 $0x1B8B  }
0x9f: {  	_ =	swait.ge [sflag:s21], $0x1  }
0xa0: {  	[sflag:s21] =	ssyncset.done $0x0  }
0xa1: {  	s23 =	simm.s32 $0x1B8E;
	s22 =	sld [smem:$0x3FFE];
	[sflag:s21] =	ssyncadd.s32 $0xFFFFFFFF  }
0xa2: {  	s24 =	simm.s32 $execute0_lowered;
	[smem:$0x3FD2] =	sst s23  }
0xa3: {  	s2 =	sshll.u32 s24, $0x1;
	_ =	strace $0x80000046;
	[dreg:$0x1] =	wrdreg $0xFFFFFFFF  }
0xa4: {  	s25 =	simm.s32 $_size_execute0_lowered;
	s0 =	sadd.s32 s0, s2;
	[dreg:$0x0] =	wrdreg $0x0  }
0xa5: {  	s2 =	sshll.u32 s25, $0x1;
	[dreg:$0x2] =	wrdreg s0  }
0xa6: {  	[dreg:$0x3] =	wrdreg s2  }
0xa7: {  	[dreg:$0x4] =	wrdreg $0xC0  }
0xa8: {  	_ =	task [dreg:s4], $0x5FFFF  }
0xa9: {  	[dreg:$0x1] =	wrdreg $0xFFFFFFFF  }
0xaa: {  	[dreg:$0x0] =	wrdreg $0x60  }
0xab: {  	[dreg:$0x2] =	wrdreg s22  }
0xac: {  	[dreg:$0x3] =	wrdreg $0xA800  }
0xad: {  	[dreg:$0x4] =	wrdreg $0x9  }
0xae: {  	_ =	task.clear_ibuf [dreg:s4], $0x5FFFF;
	_ =	strace $0x90000046  }
0xaf: {  	s26 =	simm.s32 $0x9;
	_ =	strace $0x80000048  }
0xb0: {  	_ =	swait.ge [sflag:s26], $0x1  }
0xb1: {  	[sflag:s26] =	ssyncadd.s32 $0xFFFFFFFF  }
0xb2: {  	_ =	strace $0x90000048  }
0xb3: {  	_ =	sfence  }
0xb4: {  	s28 =	sld [smem:$0x0];
	_ =	sdelay $0x1  }
0xb5: {  	s29 =	srdreg.scid  }
0xb6: {  	s30 =	sshll.u32 s29, $0xD;
	s31 =	sshrl.u32 s29, $0x2  }
0xb7: {  	s1 =	sand.u32 $0x1, s29;
	s2 =	sand.u32 $0x4000, s30;
	s0 =	sadd.s32 s31, s28  }
0xb8: {  	s1 =	sor.u32 s2, s1;
	s0 =	sshll.u32 s0, $0x11  }
0xb9: {  	s0 =	sor.u32 s0, s1  }
0xba: {  	s0 =	sadd.s32 $0x8F2B, s0  }
0xbb: {  	[sflag:s0] =	ssyncadd.remote.s32 $0x1  }
0xbc: {  	_ =	sfence.sel $0xFFFF  }
0xbd: {  	[dreg:$0x0] =	wrdreg $0xFFFFFFFF;
	(pc) =	sbr.abs _section_cstart, $3  }
0xbe: {  	[dreg:$0x1] =	wrdreg $0xFFFFFFFF  }
0xbf: {  	_ =	task.clear_ibuf [dreg:s4], $0x2FFFF;
	_ =	strace $0x9FFFFFFF  }
0xc0: {  	(tm) =	ssettm $0x7FFFFFFF  }
0xc1: {  	_ =	shalt  }
tec
execute0_lowered:
.L_overlay_start_1:
0x0: {  	(tag) =	ssettag $0x1  }
0x1: {  	s6 =	rddreg [dreg:$0x0]  }
0x2: {  	s1 =	rddreg [dreg:$0x1];
	s2 =	simm.s32 $0x0  }
0x3: {  	v0 =	vimm.f32 $0.0e+00;
	[smem:$0x7FF] =	sst s2  }
0x4: {  	s0 =	rddreg [dreg:$0x2];
	_ =	strace $0x80000047;
	[tilespmem:$0x800] =	vst v0  }
0x5: {  	[tilespmem:$0x810] =	vst v0  }
0x6: {  	[tilespmem:$0x820] =	vst v0  }
0x7: {  	[tilespmem:$0x830] =	vst v0  }
0x8: {  	[tilespmem:$0x840] =	vst v0  }
0x9: {  	[tilespmem:$0x850] =	vst v0  }
0xa: {  	[tilespmem:$0x860] =	vst v0  }
0xb: {  	[tilespmem:$0x870] =	vst v0  }
0xc: {  	[tilespmem:$0x880] =	vst v0  }
0xd: {  	[tilespmem:$0x890] =	vst v0  }
0xe: {  	[tilespmem:$0x8A0] =	vst v0  }
0xf: {  	[tilespmem:$0x8B0] =	vst v0  }
0x10: {  	[tilespmem:$0x8C0] =	vst v0  }
0x11: {  	[tilespmem:$0x8D0] =	vst v0  }
0x12: {  	[tilespmem:$0x8E0] =	vst v0  }
0x13: {  	[tilespmem:$0x8F0] =	vst v0  }
0x14: {  	[tilespmem:$0x900] =	vst v0  }
0x15: {  	[tilespmem:$0x910] =	vst v0  }
0x16: {  	[tilespmem:$0x920] =	vst v0  }
0x17: {  	[tilespmem:$0x930] =	vst v0  }
0x18: {  	[tilespmem:$0x940] =	vst v0  }
0x19: {  	[tilespmem:$0x950] =	vst v0  }
0x1a: {  	[tilespmem:$0x960] =	vst v0  }
0x1b: {  	[tilespmem:$0x970] =	vst v0  }
0x1c: {  	[tilespmem:$0x980] =	vst v0  }
0x1d: {  	[tilespmem:$0x990] =	vst v0  }
0x1e: {  	[tilespmem:$0x9A0] =	vst v0  }
0x1f: {  	[tilespmem:$0x9B0] =	vst v0  }
0x20: {  	[tilespmem:$0x9C0] =	vst v0  }
0x21: {  	[tilespmem:$0x9D0] =	vst v0  }
0x22: {  	[tilespmem:$0x9E0] =	vst v0  }
0x23: {  	[tilespmem:$0x9F0] =	vst v0  }
0x24: {  	[tilespmem:$0xA00] =	vst v0  }
0x25: {  	[tilespmem:$0xA10] =	vst v0  }
0x26: {  	[tilespmem:$0xA20] =	vst v0  }
0x27: {  	[tilespmem:$0xA30] =	vst v0  }
0x28: {  	[tilespmem:$0xA40] =	vst v0  }
0x29: {  	[tilespmem:$0xA50] =	vst v0  }
0x2a: {  	[tilespmem:$0xA60] =	vst v0  }
0x2b: {  	v63 =	vimm.f32 $1.000000000e+00;
	[tilespmem:$0xA70] =	vst v0  }
0x2c: {  	v1 =	vimm.s32 $0x27FF;
	[tilespmem:$0x780] =	vst v63  }
0x2d: {  	[tilespmem:$0x700] =	vst v1  }
0x2e: {  	[tilespmem:$0x790] =	vst v63  }
0x2f: {  	[tilespmem:$0x710] =	vst v1  }
0x30: {  	s3 =	stileid.u32;
	[tilespmem:$0x7A0] =	vst v63  }
0x31: {  	s5 =	smul.u32 $0x280, s3;
	[tilespmem:$0x720] =	vst v1  }
0x32: {  	[tilespmem:$0x7B0] =	vst v63  }
0x33: {  	s7 =	simm.s32 $0x800;
	[tilespmem:$0x730] =	vst v1;
	s4 =	sadd.s32 s5, s1  }
0x34: {  	[spmem:s4] =	stream.linear.scatter [tilespmem:s7], [sflag:$0x1], $0x280, $0x38;
	[tilespmem:$0xD00] =	vst v63  }
0x35: {  	s7 =	simm.s32 $0x1  }
0x36: {  	s11 =	simm.s32 $0x380;
	_ =	swait.ge [sflag:s7], $0x280  }
0x37: {  	s13 =	simm.s32 $0x0;
	s12 =	simm.s32 $0x0;
	[sflag:s7] =	ssyncset.done $0x0  }
0x38: {  	s8 =	sadd.s32 $0xC000, s6;
	s9 =	sadd.s32 $0x2200, s6;
	[sflag:s7] =	ssyncadd.s32 $0xFFFFFD80  }
0x39: {  	s6 =	sadd.s32 $0x15E00, s6;
	s10 =	smul.u32 $0x4E20, s3;
	[bflag:$0x0] =	sbarrier.arrive $0xFFFF  }
.LBB2_1:
0x3a: {  	s14 =	smul.u32 $0x320, s12;
	_ =	sdelay $0x1  }
0x3b: {  	s14 =	sadd.s32 s10, s14  }
0x3c: {  	s14 =	sshrl.u32 s14, $0x3  }
0x3d: {  	s15 =	sadd.s32 s8, s14  }
0x3e: {  	[tilespmem:s2], [sflag:$0x1] =	stream.linear.gather [hbm4b:s15+s2], $0x320, $0x38;
	[tilespmem:$0xD00] =	vst v63  }
0x3f: {  	_ =	swait.ge [sflag:s7], $0x320  }
0x40: {  	[sflag:s7] =	ssyncset.done $0x0  }
0x41: {  	s14 =	sadd.s32 s9, s14;
	[sflag:s7] =	ssyncadd.s32 $0xFFFFFCE0  }
0x42: {  	[tilespmem:s11], [sflag:$0x1] =	stream.linear.gather [hbm4b:s14+s2], $0x320, $0x38;
	[tilespmem:$0xD00] =	vst v63  }
0x43: {  	_ =	swait.ge [sflag:s7], $0x320  }
0x44: {  	[sflag:s7] =	ssyncset.done $0x0  }
0x45: {  	s29 =	simm.s32 $0x0;
	[sflag:s7] =	ssyncadd.s32 $0xFFFFFCE0  }
0x46: {  	v0 =	vld [tilespmem:s29+$0x380]  }
0x47: {  	v1 =	vld [tilespmem:s29+$0x0];
	_ =	sdelay $0x4  }
0x48: {  	vm0 =	veq.s32 v1, v0  }
0x49: {  	v2 =	vmpcnt.ones.xlane vm0;
	_ =	sdelay $0x1  }
0x4a: {  	v2 =	vxor.u32 $0x80000000, v2  }
0x4b: {  	(xrf0) =	vmax.scan.msk.u32 $0xffff, v2;
	_ =	sdelay $0x5  }
0x4c: {  	v2, _, _ =	vpop (xrf0)  }
0x4d: {  	(v2sf) =	vpush v2, $0xF;
	_ =	sdelay $0xe  }
0x4e: {  	s30 =	spop (v2sf)  }
0x4f: {  	s31 =	sxor.u32 $0x80000000, s30  }
0x50: {  	s14 =	simm.s32 $0x40;
	p1 =	slt.s32 s31, $0x1;
	s15 =	sadd.s32 s13, s31  }
.LBB2_2:
0x51: {  	vm0 =	veq.s32 @!p1 v1, v0;
	p2 =	slt.s32 s15, $0x30;
	s16 =	smov.u32 s14;
	s14 =	sadd.s32 $0x40, s14  }
0x52: {  	[tilespmem:s13+$0x700] =	vst.msk @!p1 vm0, v0;
	s13 =	smov.u32 s15  }
0x53: {  	s16 =	sshra.s32 s16, $0x2;
	p0 =	sne.s32 s14, $0xC80;
	s13 =	simm.s32 @!p2 $0x30  }
0x54: {  	v0 =	vld [tilespmem:s16+$0x380]  }
0x55: {  	v1 =	vld [tilespmem:s16+$0x0];
	_ =	sdelay $0x4  }
0x56: {  	vm0 =	veq.s32 v1, v0  }
0x57: {  	v2 =	vmpcnt.ones.xlane vm0;
	_ =	sdelay $0x1  }
0x58: {  	v2 =	vxor.u32 $0x80000000, v2  }
0x59: {  	(xrf0) =	vmax.scan.msk.u32 $0xffff, v2;
	_ =	sdelay $0x5  }
0x5a: {  	v2, _, _ =	vpop (xrf0)  }
0x5b: {  	(v2sf) =	vpush v2, $0xF;
	_ =	sdelay $0xc  }
.Ltmp0:
0x5c: {  	(pc) =	sbr.rel @p0 .LBB2_2-.Ltmp0, $4  }
0x5d: {  	_ = 	snop  }
0x5e: {  	s15 =	spop (v2sf)  }
0x5f: {  	s15 =	sxor.u32 $0x80000000, s15  }
0x60: {  	p1 =	slt.s32 s15, $0x1;
	s15 =	sadd.s32 s13, s15  }
0x61: {  	p0 =	slt.s32 s15, $0x30;
	s12 =	sadd.s32 $0x1, s12  }
0x62: {  	s15 =	simm.s32 @!p0 $0x30;
	p0 =	sne.s32 s12, $0x19  }
.Ltmp1:
0x63: {  	_ = 	snop;
	(pc) =	sbr.rel @p0 .LBB2_1-.Ltmp1, $3  }
0x64: {  	_ =	sdelay $0x1  }
0x65: {  	vm0 =	veq.s32 @!p1 v1, v0  }
0x66: {  	[tilespmem:s13+$0x700] =	vst.msk @!p1 vm0, v0;
	s13 =	smov.u32 s15  }
0x67: {  	s2 =	simm.s32 $0x40  }
0x68: {  	s7 =	simm.s32 $0x700;
	s8 =	simm.s32 $0x780;
	s29 =	simm.s32 $0x1  }
0x69: {  	[spmem:s1] =	stream.indirect.scatter.add.f32 [tilespmem:s8], [sflag:$0x1], $0x1, s7, s2, $0xb8;
	[tilespmem:$0xD00] =	vst v63  }
0x6a: {  	_ =	swait.ge [sflag:s29], $0x40  }
0x6b: {  	s30 =	sshrl.u32 s5, $0x3;
	[sflag:s29] =	ssyncset.done $0x0  }
0x6c: {  	s31 =	sshll.u32 s3, $0x6;
	s4 =	sshrl.u32 s4, $0x3;
	[sflag:s29] =	ssyncadd.s32 $0xFFFFFFC0  }
0x6d: {  	s2 =	sadd.s32 s6, s30;
	s5 =	sor.u32 $0x1C01, s31;
	[bflag:$0x0] =	sbarrier.arrive $0xFFFF  }
0x6e: {  	[hbm:s2], [sflag:s5] =	dma.local [spmem:s4], $0x50  }
0x6f: {  	_ =	swait.ge [sflag:s29], $0x50  }
0x70: {  	[sflag:s29] =	ssyncset.done $0x0  }
0x71: {  	[sflag:s29] =	ssyncadd.s32 $0xFFFFFFB0  }
0x72: {  	_ =	sfence.sel $0x180000  }
0x73: {  	[bflag:$0x0] =	sbarrier.arrive $0xFFFF  }
0x74: {  	p0 =	sne.s32 s3, $0x0;
	_ =	strace $0x90000047  }
0x75: {  	s0 =	sadd.s32 @!p0 $0x100000, s0;
	[bflag:$0x2] =	sbarrier.arrive $0xFFFF  }
0x76: {  	[sflag:s0] =	ssyncadd.tile.s32 @!p0 $0x1;
	_ =	shalt  }
.Lfunc_end2:
_tile_overlayer_lowered:
.L_overlay_start_2:
0x77: {  	(tag) =	ssettag $0x2  }
0x78: {  	s0 =	rddreg [dreg:$0x0];
	s2 =	stileid.u32  }
0x79: {  	s1 =	rddreg [dreg:$0x1];
	p0 =	sne.s32 s2, $0x0  }
0x7a: {  	s3 =	rddreg [dreg:$0x2];
	[bflag:$0x3] =	sbarrier.arrive $0xFFFF;
	s2 =	simm.s32 @!p0 $0x1C01  }
0x7b: {  	[timem:s3], [sflag:s2] =	dma.local @!p0 [hbm:s0], s1  }
0x7c: {  	s0 =	simm.s32 @!p0 $0x1  }
0x7d: {  	_ =	swait.ge @!p0 [sflag:s0], s1  }
0x7e: {  	s1 =	ssub.s32 @!p0 $0x0, s1;
	[sflag:s0] =	ssyncset.done @!p0 $0x0  }
0x7f: {  	[sflag:s0] =	ssyncadd.s32 @!p0 s1  }
0x80: {  	[bflag:$0x3] =	sbarrier.arrive $0xFFFF  }
0x81: {  	_ =	shalt  }

</sc_bundles>
